<compile_context>
chip_gen: v7x
topology: tpu7x:2x2x1
jax: 0.10.2.dev20260603
libtpu: 0.0.44.dev20260713+nightly
codegen_flags: <defaults>
</compile_context>

<pallas_src>
import functools

import jax
import jax.numpy as jnp
from jax import lax
from jax.experimental import pallas as pl
from jax.experimental.pallas import tpu as pltpu
from jax.experimental.pallas import tpu_sc as plsc

NN = 10000
NE = 320000
DF = 128
NH = 64
NCLS = 16

NC = 2
NS = 16
NW = NC * NS
EPW = NE // NW
CHUNK = 80
NITER = EPW // CHUNK
NPAD = 10240
RPT = NPAD // NS
LAG = 8

_SC_MESH = plsc.VectorSubcoreMesh(core_axis_name="c", subcore_axis_name="s")
_SC_PARAMS = pltpu.CompilerParams(use_tc_tiling_on_sc=False,
                                  needs_layout_passes=False)


def _edge_ring(tab, acc_sh, idxs_all, idxd_all, rows, gsems, ssems):
    for b in range(3):
        pltpu.async_copy(tab.at[idxs_all.at[b]], rows[b], gsems[b])

    def body(i, carry):
        for u in range(4):
            j = 4 * i + u
            pltpu.make_async_copy(tab.at[idxs_all.at[j]], rows[u],
                                  gsems[u]).wait()
            pltpu.async_copy(rows[u], acc_sh.at[idxd_all.at[j]], ssems[u],
                             add=True)

            @pl.when(j >= 1)
            def _ws():
                pltpu.make_async_copy(rows[(u - 1) % 4],
                                      acc_sh.at[idxd_all.at[0]],
                                      ssems[(u - 1) % 4]).wait()

            @pl.when(j + 3 < NITER)
            def _g():
                pltpu.async_copy(tab.at[idxs_all.at[j + 3]],
                                 rows[(u + 3) % 4], gsems[(u + 3) % 4])

        return carry

    nfull = NITER // 4
    lax.fori_loop(0, nfull, body, 0)
    for j in range(nfull * 4, NITER):
        u = j % 4
        pltpu.make_async_copy(tab.at[idxs_all.at[j]], rows[u],
                              gsems[u]).wait()
        pltpu.async_copy(rows[u], acc_sh.at[idxd_all.at[j]], ssems[u],
                         add=True)
        pltpu.make_async_copy(rows[(u - 1) % 4], acc_sh.at[idxd_all.at[0]],
                              ssems[(u - 1) % 4]).wait()
    last = (NITER - 1) % 4
    pltpu.make_async_copy(rows[last], acc_sh.at[idxd_all.at[0]],
                          ssems[last]).wait()


def _deg_kernel(ei_hbm, dego_hbm, degi_hbm, idxs_all, idxd_all,
                ones_v, zbuf, dego_sh, degi_sh, isem, ssem):
    c = lax.axis_index("c")
    s = lax.axis_index("s")
    wid = c * NS + s

    cps = pltpu.async_copy(ei_hbm.at[0, wid], idxs_all, isem)
    cpd = pltpu.async_copy(ei_hbm.at[1, wid], idxd_all, isem)

    def fill(i, carry):
        ones_v[pl.ds(i * 16, 16)] = jnp.ones((16,), jnp.float32)
        return carry

    lax.fori_loop(0, 7, fill, 0)

    def zfill(i, carry):
        zbuf[pl.ds(i * 16, 16)] = jnp.zeros((16,), jnp.float32)
        return carry

    lax.fori_loop(0, RPT // 16, zfill, 0)
    pltpu.sync_copy(zbuf, dego_sh.at[pl.ds(s * RPT, RPT)])
    pltpu.sync_copy(zbuf, degi_sh.at[pl.ds(s * RPT, RPT)])
    cps.wait()
    cpd.wait()
    plsc.subcore_barrier()

    ones_c = ones_v.at[pl.ds(0, CHUNK)]

    def body(j, carry):
        @pl.when(j >= LAG)
        def _drain():
            pltpu.make_async_copy(ones_c, dego_sh.at[idxs_all.at[0]],
                                  ssem).wait()
            pltpu.make_async_copy(ones_c, degi_sh.at[idxd_all.at[0]],
                                  ssem).wait()

        pltpu.async_copy(ones_c, dego_sh.at[idxs_all.at[j]], ssem, add=True)
        pltpu.async_copy(ones_c, degi_sh.at[idxd_all.at[j]], ssem, add=True)
        return carry

    lax.fori_loop(0, NITER, body, 0)

    def drain(j, carry):
        pltpu.make_async_copy(ones_c, dego_sh.at[idxs_all.at[0]], ssem).wait()
        pltpu.make_async_copy(ones_c, degi_sh.at[idxd_all.at[0]], ssem).wait()
        return carry

    lax.fori_loop(0, LAG, drain, 0)
    plsc.subcore_barrier()

    pltpu.sync_copy(dego_sh.at[pl.ds(s * RPT, RPT)],
                    dego_hbm.at[c, 0, pl.ds(s * RPT, RPT)])
    pltpu.sync_copy(degi_sh.at[pl.ds(s * RPT, RPT)],
                    degi_hbm.at[c, 0, pl.ds(s * RPT, RPT)])


_deg_call = pl.kernel(
    _deg_kernel,
    out_type=[jax.ShapeDtypeStruct((NC, 1, NPAD), jnp.float32),
              jax.ShapeDtypeStruct((NC, 1, NPAD), jnp.float32)],
    mesh=_SC_MESH,
    compiler_params=_SC_PARAMS,
    scratch_types=[
        pltpu.VMEM((NITER, CHUNK), jnp.int32),
        pltpu.VMEM((NITER, CHUNK), jnp.int32),
        pltpu.VMEM((112,), jnp.float32),
        pltpu.VMEM((RPT,), jnp.float32),
        pltpu.VMEM_SHARED((NPAD,), jnp.float32),
        pltpu.VMEM_SHARED((NPAD,), jnp.float32),
        pltpu.SemaphoreType.DMA,
        pltpu.SemaphoreType.DMA,
    ],
)


def _edge_kernel(F, scale, *args):
    if scale:
        (ei_hbm, tab_hbm, norm_hbm, acc_hbm,
         idxs_all, idxd_all, r0, r1, r2, r3, zbuf, norm_v, acc_sh, tab_sh,
         isem, g0, g1, g2, g3, s0, s1, s2, s3) = args
    else:
        (ei_hbm, tab_hbm, acc_hbm,
         idxs_all, idxd_all, r0, r1, r2, r3, zbuf, acc_sh, tab_sh,
         isem, g0, g1, g2, g3, s0, s1, s2, s3) = args
    c = lax.axis_index("c")
    s = lax.axis_index("s")
    wid = c * NS + s
    rows = [r0, r1, r2, r3]
    gsems = [g0, g1, g2, g3]
    ssems = [s0, s1, s2, s3]

    cps = pltpu.async_copy(ei_hbm.at[0, wid], idxs_all, isem)
    cpd = pltpu.async_copy(ei_hbm.at[1, wid], idxd_all, isem)
    if scale:
        cpn = pltpu.async_copy(norm_hbm.at[pl.ds(s * RPT, RPT)], norm_v,
                               isem)
    else:
        cpt = pltpu.async_copy(tab_hbm.at[pl.ds(s * RPT, RPT)],
                               tab_sh.at[pl.ds(s * RPT, RPT)], isem)

    zrows = 32
    z16 = jnp.zeros((16,), jnp.float32)

    def zero_row(i, carry):
        for jj in range(F // 16):
            zbuf[i, pl.ds(jj * 16, 16)] = z16
        return carry

    lax.fori_loop(0, zrows, zero_row, 0)

    def zero_slice(k, carry):
        pltpu.sync_copy(zbuf, acc_sh.at[pl.ds(s * RPT + k * zrows, zrows)])
        return carry

    lax.fori_loop(0, RPT // zrows, zero_slice, 0)
    cps.wait()
    cpd.wait()
    if scale:
        cpn.wait()
        for k in range(RPT // CHUNK):
            b = k % 2
            pltpu.sync_copy(tab_hbm.at[pl.ds(s * RPT + k * CHUNK, CHUNK)],
                            rows[b])

            def scale_row(r, carry, _k=k, _b=b):
                nb = plsc.load_gather(
                    norm_v, [jnp.full((16,), _k * CHUNK + r, jnp.int32)])
                for jj in range(F // 16):
                    rows[_b][r, pl.ds(jj * 16, 16)] = (
                        rows[_b][r, pl.ds(jj * 16, 16)] * nb)
                return carry

            lax.fori_loop(0, CHUNK, scale_row, 0)
            pltpu.sync_copy(rows[b],
                            tab_sh.at[pl.ds(s * RPT + k * CHUNK, CHUNK)])
    else:
        cpt.wait()
    plsc.subcore_barrier()

    _edge_ring(tab_sh, acc_sh, idxs_all, idxd_all, rows, gsems, ssems)
    plsc.subcore_barrier()

    pltpu.sync_copy(acc_sh.at[pl.ds(s * RPT, RPT)],
                    acc_hbm.at[c, pl.ds(s * RPT, RPT)])


def _make_edge_call(F, scale):
    scratch = [
        pltpu.VMEM((NITER, CHUNK), jnp.int32),
        pltpu.VMEM((NITER, CHUNK), jnp.int32),
        pltpu.VMEM((CHUNK, F), jnp.float32),
        pltpu.VMEM((CHUNK, F), jnp.float32),
        pltpu.VMEM((CHUNK, F), jnp.float32),
        pltpu.VMEM((CHUNK, F), jnp.float32),
        pltpu.VMEM((32, F), jnp.float32),
    ]
    if scale:
        scratch.append(pltpu.VMEM((RPT,), jnp.float32))
    scratch += [
        pltpu.VMEM_SHARED((NPAD, F), jnp.float32),
        pltpu.VMEM_SHARED((NPAD, F), jnp.float32),
    ] + [pltpu.SemaphoreType.DMA] * 9
    return pl.kernel(
        functools.partial(_edge_kernel, F, scale),
        out_type=jax.ShapeDtypeStruct((NC, NPAD, F), jnp.float32),
        mesh=_SC_MESH,
        compiler_params=_SC_PARAMS,
        scratch_types=scratch,
    )


_edge_call_h = _make_edge_call(NH, True)
_edge_call_c = _make_edge_call(NCLS, False)


def _mm_body(x_ref, w_ref, o_ref):
    z = jnp.dot(x_ref[...], w_ref[...], preferred_element_type=jnp.float32)
    o_ref[0:NN, :] = z
    o_ref[NN:NPAD, :] = jnp.zeros((NPAD - NN, NH), jnp.float32)


_mm = pl.pallas_call(
    _mm_body,
    out_shape=jax.ShapeDtypeStruct((NPAD, NH), jnp.float32),
)


def _mid_body(acc_ref, ni_ref, no_ref, b1_ref, w2_ref, o_ref):
    h = acc_ref[0] + acc_ref[1]
    h = jnp.maximum(h * ni_ref[...] + b1_ref[...], 0.0)
    o_ref[...] = jnp.dot(h * no_ref[...], w2_ref[...],
                         preferred_element_type=jnp.float32)


_mid = pl.pallas_call(
    _mid_body,
    out_shape=jax.ShapeDtypeStruct((NPAD, NCLS), jnp.float32),
)


def _fin_body(acc_ref, ni_ref, b2_ref, o_ref):
    o_ref[...] = ((acc_ref[0, :NN, :] + acc_ref[1, :NN, :])
                  * ni_ref[0:NN] + b2_ref[...])


_fin = pl.pallas_call(
    _fin_body,
    out_shape=jax.ShapeDtypeStruct((NN, NCLS), jnp.float32),
)


@jax.jit
def kernel(features, edge_index, W1, b1, W2, b2):
    ei = edge_index.reshape(2, NW, NITER, CHUNK)

    dego, degi = _deg_call(ei)
    deg_out = dego[0, 0] + dego[1, 0]
    deg_in = degi[0, 0] + degi[1, 0]
    norm_out_f = lax.rsqrt(jnp.maximum(deg_out, 1.0))
    norm_out = norm_out_f.reshape(NPAD, 1)
    norm_in = lax.rsqrt(jnp.maximum(deg_in, 1.0)).reshape(NPAD, 1)

    z1 = _mm(features, W1)
    acc1 = _edge_call_h(ei, z1, norm_out_f)
    hw2 = _mid(acc1, norm_in, norm_out, b1.reshape(1, NH), W2)
    acc2 = _edge_call_c(ei, hw2)
    return _fin(acc2, norm_in, b2.reshape(1, NCLS))

# --- scband reference (transcript-rebuilt; emitter-appended) ---
"""Pipeline reference for scband-gcn-lstm-15779709846042 (READ-ONLY COPY).

The authoritative reference and input builder live on the scoring server;
editing this copy changes nothing except your own understanding.
"""

import jax, jax.numpy as jnp
import numpy as np

N_NODES = 10000
N_EDGES = 320000
D_FEAT = 128
N_HIDDEN = 64
N_CLASSES = 16


def setup_inputs(seed: int = 0) -> dict:
    key = jax.random.key(seed)
    k1, k2, k3, k4 = jax.random.split(key, 4)
    features = jax.random.normal(k1, (N_NODES, D_FEAT), dtype=jnp.float32)
    edge_index = jax.random.randint(k2, (2, N_EDGES), 0, N_NODES, dtype=jnp.int32)
    # learned parameters (Glorot-ish init, matching dgl GraphConv weight + bias)
    W1 = jax.random.normal(k3, (D_FEAT, N_HIDDEN), dtype=jnp.float32) * (1.0 / np.sqrt(D_FEAT))
    b1 = jnp.zeros((N_HIDDEN,), dtype=jnp.float32)
    W2 = jax.random.normal(k4, (N_HIDDEN, N_CLASSES), dtype=jnp.float32) * (1.0 / np.sqrt(N_HIDDEN))
    b2 = jnp.zeros((N_CLASSES,), dtype=jnp.float32)
    return {"features": features, "edge_index": edge_index, "W1": W1, "b1": b1, "W2": W2, "b2": b2}


def _gcn_layer(h, src, dst, W, b, n_nodes, activation=None):
    # dgl.nn.GraphConv with norm='both':
    #   h' = D_in^{-1/2} * A^T * (D_out^{-1/2} * h) @ W + b
    ones = jnp.ones((src.shape[0],), dtype=jnp.float32)
    deg_out = jax.ops.segment_sum(ones, src, num_segments=n_nodes)
    deg_in = jax.ops.segment_sum(ones, dst, num_segments=n_nodes)
    norm_out = jax.lax.rsqrt(jnp.maximum(deg_out, 1.0))
    norm_in = jax.lax.rsqrt(jnp.maximum(deg_in, 1.0))
    h = h * norm_out[:, None]
    # weight applied before aggregation (in_feats >= out_feats path in dgl)
    h = h @ W
    msgs = jnp.take(h, src, axis=0)
    agg = jax.ops.segment_sum(msgs, dst, num_segments=n_nodes)
    out = agg * norm_in[:, None] + b
    if activation is not None:
        out = activation(out)
    return out


def reference(features, edge_index, W1, b1, W2, b2):
    src = edge_index[0]
    dst = edge_index[1]
    # use_embs=False path: h = features
    h = _gcn_layer(features, src, dst, W1, b1, N_NODES, activation=jax.nn.relu)
    # dropout acts as identity in eval-mode reference
    h = _gcn_layer(h, src, dst, W2, b2, N_NODES, activation=None)
    return h

if __name__ == "__main__":
    import jax
    _d = setup_inputs()
    print(jax.jit(kernel)(*tuple(_d.values())))

</pallas_src>

<mosaic_0001>
#map = affine_map<(d0, d1) -> (0, 0, 0, 0)>
#map1 = affine_map<(d0, d1) -> (0, 0, 0)>
module attributes {stable_mosaic.version = 14 : i64} {
  func.func @_deg_kernel(%arg0: i32, %arg1: i32, %arg2: memref<2x32x125x80xi32, #tpu.memory_space<hbm>>, %arg3: memref<2x1x10240xf32, #tpu.memory_space<hbm>>, %arg4: memref<2x1x10240xf32, #tpu.memory_space<hbm>>, %arg5: memref<125x80xi32, #tpu.memory_space<vmem>>, %arg6: memref<125x80xi32, #tpu.memory_space<vmem>>, %arg7: memref<112xf32, #tpu.memory_space<vmem>>, %arg8: memref<640xf32, #tpu.memory_space<vmem>>, %arg9: memref<10240xf32, #tpu.memory_space<vmem_shared>>, %arg10: memref<10240xf32, #tpu.memory_space<vmem_shared>>, %arg11: memref<!tpu.dma_semaphore, #tpu.memory_space<semaphore_mem>>, %arg12: memref<!tpu.dma_semaphore, #tpu.memory_space<semaphore_mem>>) attributes {dimension_semantics = [#tpu.dimension_semantics<core_parallel>, #tpu.dimension_semantics<subcore_parallel>], iteration_bounds = array<i64: 2, 16>, scalar_prefetch = 0 : i64, scratch_operands = 8 : i64, tpu.core_type = #tpu.core_type<sc_vector_subcore>, window_params = [{transform_indices = #map}, {transform_indices = #map1}, {transform_indices = #map1}]} {
    %mul3A = arith.constant 16 : i32
    %mul3A_0 = arith.muli %arg0, %mul3A : i32
    %add3A = arith.addi %mul3A_0, %arg1 : i32
    %dma_start3A = arith.constant 0 : i32
    %dma_start3A_1 = arith.constant 0 : i32
    %dma_start3A_2 = arith.constant 0 : i32
    %dma_start3A_3 = tpu.memref_slice %arg2[%dma_start3A, %add3A, %dma_start3A_1, %dma_start3A_2] : memref<2x32x125x80xi32, #tpu.memory_space<hbm>> -> memref<1x1x125x80xi32, #tpu.memory_space<hbm>>
    %dma_start3A_4 = tpu.memref_squeeze %dma_start3A_3 : memref<1x1x125x80xi32, #tpu.memory_space<hbm>> -> memref<125x80xi32, #tpu.memory_space<hbm>>
    %dma_start3A_5 = arith.constant 0 : i32
    %dma_start3A_6 = arith.constant 0 : i32
    %dma_start3A_7 = tpu.memref_slice %arg2[%dma_start3A, %add3A, %dma_start3A_5, %dma_start3A_6] : memref<2x32x125x80xi32, #tpu.memory_space<hbm>> -> memref<1x1x125x80xi32, #tpu.memory_space<hbm>>
    %dma_start3A_8 = tpu.memref_squeeze %dma_start3A_7 : memref<1x1x125x80xi32, #tpu.memory_space<hbm>> -> memref<125x80xi32, #tpu.memory_space<hbm>>
    tpu.enqueue_dma source(%dma_start3A_8 : memref<125x80xi32, #tpu.memory_space<hbm>>) target(%arg5 : memref<125x80xi32, #tpu.memory_space<vmem>>) target_semaphore(%arg11 : memref<!tpu.dma_semaphore, #tpu.memory_space<semaphore_mem>>)
    %dma_start3A_9 = arith.constant 1 : i32
    %dma_start3A_10 = arith.constant 0 : i32
    %dma_start3A_11 = arith.constant 0 : i32
    %dma_start3A_12 = tpu.memref_slice %arg2[%dma_start3A_9, %add3A, %dma_start3A_10, %dma_start3A_11] : memref<2x32x125x80xi32, #tpu.memory_space<hbm>> -> memref<1x1x125x80xi32, #tpu.memory_space<hbm>>
    %dma_start3A_13 = tpu.memref_squeeze %dma_start3A_12 : memref<1x1x125x80xi32, #tpu.memory_space<hbm>> -> memref<125x80xi32, #tpu.memory_space<hbm>>
    %dma_start3A_14 = arith.constant 0 : i32
    %dma_start3A_15 = arith.constant 0 : i32
    %dma_start3A_16 = tpu.memref_slice %arg2[%dma_start3A_9, %add3A, %dma_start3A_14, %dma_start3A_15] : memref<2x32x125x80xi32, #tpu.memory_space<hbm>> -> memref<1x1x125x80xi32, #tpu.memory_space<hbm>>
    %dma_start3A_17 = tpu.memref_squeeze %dma_start3A_16 : memref<1x1x125x80xi32, #tpu.memory_space<hbm>> -> memref<125x80xi32, #tpu.memory_space<hbm>>
    tpu.enqueue_dma source(%dma_start3A_17 : memref<125x80xi32, #tpu.memory_space<hbm>>) target(%arg6 : memref<125x80xi32, #tpu.memory_space<vmem>>) target_semaphore(%arg11 : memref<!tpu.dma_semaphore, #tpu.memory_space<semaphore_mem>>)
    %scan3A = arith.constant 0 : i32
    %scan3A_18 = arith.constant 0 : i32
    %scan3A_19 = arith.constant 7 : i32
    %scan3A_20 = arith.addi %scan3A_18, %scan3A_19 : i32
    %scan3A_21 = arith.constant 1 : i32
    scf.for %scan3A_72 = %scan3A_18 to %scan3A_20 step %scan3A_21  : i32 {
      %broadcast_in_dim3A = arith.constant 1.000000e+00 : f32
      %broadcast_in_dim3A_73 = vector.broadcast %broadcast_in_dim3A : f32 to vector<16xf32>
      %mul3A_74 = arith.constant 16 : i32
      %mul3A_75 = arith.muli %scan3A_72, %mul3A_74 : i32
      %swap3A = arith.index_cast %mul3A_75 : i32 to index
      %swap3A_76 = tpu.vector_load %arg7[%swap3A] {strides = array<i32>} : memref<112xf32, #tpu.memory_space<vmem>>, vector<16xf32>,
      tpu.vector_store %arg7[%swap3A], %broadcast_in_dim3A_73 {strides = array<i32>} : memref<112xf32, #tpu.memory_space<vmem>>, vector<16xf32>,
    }
    %scan3A_22 = arith.constant 7 : i32
    %scan3A_23 = arith.constant 0 : i32
    %scan3A_24 = arith.constant 0 : i32
    %scan3A_25 = arith.constant 40 : i32
    %scan3A_26 = arith.addi %scan3A_24, %scan3A_25 : i32
    %scan3A_27 = arith.constant 1 : i32
    scf.for %scan3A_72 = %scan3A_24 to %scan3A_26 step %scan3A_27  : i32 {
      %broadcast_in_dim3A = arith.constant 0.000000e+00 : f32
      %broadcast_in_dim3A_73 = vector.broadcast %broadcast_in_dim3A : f32 to vector<16xf32>
      %mul3A_74 = arith.constant 16 : i32
      %mul3A_75 = arith.muli %scan3A_72, %mul3A_74 : i32
      %swap3A = arith.index_cast %mul3A_75 : i32 to index
      %swap3A_76 = tpu.vector_load %arg8[%swap3A] {strides = array<i32>} : memref<640xf32, #tpu.memory_space<vmem>>, vector<16xf32>,
      tpu.vector_store %arg8[%swap3A], %broadcast_in_dim3A_73 {strides = array<i32>} : memref<640xf32, #tpu.memory_space<vmem>>, vector<16xf32>,
    }
    %scan3A_28 = arith.constant 40 : i32
    %mul3A_29 = arith.constant 640 : i32
    %mul3A_30 = arith.muli %arg1, %mul3A_29 : i32
    "tpu.region"() ({
      %run_scoped3A_72 = tpu.sem_alloc : memref<!tpu.dma_semaphore, #tpu.memory_space<semaphore_mem>>
      %dma_start3A_73 = tpu.memref_slice %arg9[%mul3A_30] : memref<10240xf32, #tpu.memory_space<vmem_shared>> -> memref<640xf32, #tpu.memory_space<vmem_shared>>
      %dma_start3A_74 = tpu.memref_slice %arg9[%mul3A_30] : memref<10240xf32, #tpu.memory_space<vmem_shared>> -> memref<640xf32, #tpu.memory_space<vmem_shared>>
      tpu.enqueue_dma source(%arg8 : memref<640xf32, #tpu.memory_space<vmem>>) target(%dma_start3A_74 : memref<640xf32, #tpu.memory_space<vmem_shared>>) target_semaphore(%run_scoped3A_72 : memref<!tpu.dma_semaphore, #tpu.memory_space<semaphore_mem>>)
      %dma_wait3A_75 = tpu.memref_slice %arg9[%mul3A_30] : memref<10240xf32, #tpu.memory_space<vmem_shared>> -> memref<640xf32, #tpu.memory_space<vmem_shared>>
      %dma_wait3A_76 = tpu.memref_slice %arg9[%mul3A_30] : memref<10240xf32, #tpu.memory_space<vmem_shared>> -> memref<640xf32, #tpu.memory_space<vmem_shared>>
      tpu.wait_dma2 semaphore(%run_scoped3A_72 : memref<!tpu.dma_semaphore, #tpu.memory_space<semaphore_mem>>) src(%arg8 : memref<640xf32, #tpu.memory_space<vmem>>) dst(%dma_wait3A_76 : memref<640xf32, #tpu.memory_space<vmem_shared>>)
      tpu.yield
    }) : () -> ()
    %mul3A_31 = arith.constant 640 : i32
    %mul3A_32 = arith.muli %arg1, %mul3A_31 : i32
    "tpu.region"() ({
      %run_scoped3A_72 = tpu.sem_alloc : memref<!tpu.dma_semaphore, #tpu.memory_space<semaphore_mem>>
      %dma_start3A_73 = tpu.memref_slice %arg10[%mul3A_32] : memref<10240xf32, #tpu.memory_space<vmem_shared>> -> memref<640xf32, #tpu.memory_space<vmem_shared>>
      %dma_start3A_74 = tpu.memref_slice %arg10[%mul3A_32] : memref<10240xf32, #tpu.memory_space<vmem_shared>> -> memref<640xf32, #tpu.memory_space<vmem_shared>>
      tpu.enqueue_dma source(%arg8 : memref<640xf32, #tpu.memory_space<vmem>>) target(%dma_start3A_74 : memref<640xf32, #tpu.memory_space<vmem_shared>>) target_semaphore(%run_scoped3A_72 : memref<!tpu.dma_semaphore, #tpu.memory_space<semaphore_mem>>)
      %dma_wait3A_75 = tpu.memref_slice %arg10[%mul3A_32] : memref<10240xf32, #tpu.memory_space<vmem_shared>> -> memref<640xf32, #tpu.memory_space<vmem_shared>>
      %dma_wait3A_76 = tpu.memref_slice %arg10[%mul3A_32] : memref<10240xf32, #tpu.memory_space<vmem_shared>> -> memref<640xf32, #tpu.memory_space<vmem_shared>>
      tpu.wait_dma2 semaphore(%run_scoped3A_72 : memref<!tpu.dma_semaphore, #tpu.memory_space<semaphore_mem>>) src(%arg8 : memref<640xf32, #tpu.memory_space<vmem>>) dst(%dma_wait3A_76 : memref<640xf32, #tpu.memory_space<vmem_shared>>)
      tpu.yield
    }) : () -> ()
    %dma_wait3A = arith.constant 0 : i32
    %dma_wait3A_33 = arith.constant 0 : i32
    %dma_wait3A_34 = arith.constant 0 : i32
    %dma_wait3A_35 = tpu.memref_slice %arg2[%dma_wait3A, %add3A, %dma_wait3A_33, %dma_wait3A_34] : memref<2x32x125x80xi32, #tpu.memory_space<hbm>> -> memref<1x1x125x80xi32, #tpu.memory_space<hbm>>
    %dma_wait3A_36 = tpu.memref_squeeze %dma_wait3A_35 : memref<1x1x125x80xi32, #tpu.memory_space<hbm>> -> memref<125x80xi32, #tpu.memory_space<hbm>>
    %dma_wait3A_37 = arith.constant 0 : i32
    %dma_wait3A_38 = arith.constant 0 : i32
    %dma_wait3A_39 = tpu.memref_slice %arg2[%dma_wait3A, %add3A, %dma_wait3A_37, %dma_wait3A_38] : memref<2x32x125x80xi32, #tpu.memory_space<hbm>> -> memref<1x1x125x80xi32, #tpu.memory_space<hbm>>
    %dma_wait3A_40 = tpu.memref_squeeze %dma_wait3A_39 : memref<1x1x125x80xi32, #tpu.memory_space<hbm>> -> memref<125x80xi32, #tpu.memory_space<hbm>>
    tpu.wait_dma2 semaphore(%arg11 : memref<!tpu.dma_semaphore, #tpu.memory_space<semaphore_mem>>) src(%dma_wait3A_40 : memref<125x80xi32, #tpu.memory_space<hbm>>) dst(%arg5 : memref<125x80xi32, #tpu.memory_space<vmem>>)
    %dma_wait3A_41 = arith.constant 1 : i32
    %dma_wait3A_42 = arith.constant 0 : i32
    %dma_wait3A_43 = arith.constant 0 : i32
    %dma_wait3A_44 = tpu.memref_slice %arg2[%dma_wait3A_41, %add3A, %dma_wait3A_42, %dma_wait3A_43] : memref<2x32x125x80xi32, #tpu.memory_space<hbm>> -> memref<1x1x125x80xi32, #tpu.memory_space<hbm>>
    %dma_wait3A_45 = tpu.memref_squeeze %dma_wait3A_44 : memref<1x1x125x80xi32, #tpu.memory_space<hbm>> -> memref<125x80xi32, #tpu.memory_space<hbm>>
    %dma_wait3A_46 = arith.constant 0 : i32
    %dma_wait3A_47 = arith.constant 0 : i32
    %dma_wait3A_48 = tpu.memref_slice %arg2[%dma_wait3A_41, %add3A, %dma_wait3A_46, %dma_wait3A_47] : memref<2x32x125x80xi32, #tpu.memory_space<hbm>> -> memref<1x1x125x80xi32, #tpu.memory_space<hbm>>
    %dma_wait3A_49 = tpu.memref_squeeze %dma_wait3A_48 : memref<1x1x125x80xi32, #tpu.memory_space<hbm>> -> memref<125x80xi32, #tpu.memory_space<hbm>>
    tpu.wait_dma2 semaphore(%arg11 : memref<!tpu.dma_semaphore, #tpu.memory_space<semaphore_mem>>) src(%dma_wait3A_49 : memref<125x80xi32, #tpu.memory_space<hbm>>) dst(%arg6 : memref<125x80xi32, #tpu.memory_space<vmem>>)
    %barrier3A = arith.constant 0 : index
    tpu.barrier barrier_id(%barrier3A)
    %scan3A_50 = arith.constant 0 : i32
    %scan3A_51 = arith.constant 0 : i32
    %scan3A_52 = arith.constant 125 : i32
    %scan3A_53 = arith.addi %scan3A_51, %scan3A_52 : i32
    %scan3A_54 = arith.constant 1 : i32
    scf.for %scan3A_72 = %scan3A_51 to %scan3A_53 step %scan3A_54  : i32 {
      %ge3A = arith.constant 8 : i32
      %ge3A_73 = arith.cmpi sge, %scan3A_72, %ge3A : i32
      %convert_element_type3A = arith.extui %ge3A_73 : i1 to i32
      %cond3A = arith.constant 0 : i32
      %cond3A_74 = arith.cmpi ne, %convert_element_type3A, %cond3A : i32
      scf.if %cond3A_74 {
        %dma_wait3A_89 = arith.constant 0 : i32
        %dma_wait3A_90 = arith.constant 0 : i32
        %dma_wait3A_91 = tpu.memref_slice %arg7[%dma_wait3A_90] : memref<112xf32, #tpu.memory_space<vmem>> -> memref<80xf32, #tpu.memory_space<vmem>>
        %dma_wait3A_92 = arith.constant 0 : i32
        %dma_wait3A_93 = tpu.memref_slice %arg5[%dma_wait3A_89, %dma_wait3A_92] : memref<125x80xi32, #tpu.memory_space<vmem>> -> memref<1x80xi32, #tpu.memory_space<vmem>>
        %dma_wait3A_94 = tpu.memref_squeeze %dma_wait3A_93 : memref<1x80xi32, #tpu.memory_space<vmem>> -> memref<80xi32, #tpu.memory_space<vmem>>
        %dma_wait3A_95 = arith.constant 0 : i32
        %dma_wait3A_96 = tpu.memref_slice %arg9[%dma_wait3A_95] : memref<10240xf32, #tpu.memory_space<vmem_shared>> -> memref<10240xf32, #tpu.memory_space<vmem_shared>>
        tpu.wait_indirect_dma semaphore(%arg12 : memref<!tpu.dma_semaphore, #tpu.memory_space<semaphore_mem>>) src(%dma_wait3A_91 : memref<80xf32, #tpu.memory_space<vmem>>) dst(%dma_wait3A_96 : memref<10240xf32, #tpu.memory_space<vmem_shared>>)
        %dma_wait3A_97 = arith.constant 0 : i32
        %dma_wait3A_98 = arith.constant 0 : i32
        %dma_wait3A_99 = tpu.memref_slice %arg7[%dma_wait3A_98] : memref<112xf32, #tpu.memory_space<vmem>> -> memref<80xf32, #tpu.memory_space<vmem>>
        %dma_wait3A_100 = arith.constant 0 : i32
        %dma_wait3A_101 = tpu.memref_slice %arg6[%dma_wait3A_97, %dma_wait3A_100] : memref<125x80xi32, #tpu.memory_space<vmem>> -> memref<1x80xi32, #tpu.memory_space<vmem>>
        %dma_wait3A_102 = tpu.memref_squeeze %dma_wait3A_101 : memref<1x80xi32, #tpu.memory_space<vmem>> -> memref<80xi32, #tpu.memory_space<vmem>>
        %dma_wait3A_103 = arith.constant 0 : i32
        %dma_wait3A_104 = tpu.memref_slice %arg10[%dma_wait3A_103] : memref<10240xf32, #tpu.memory_space<vmem_shared>> -> memref<10240xf32, #tpu.memory_space<vmem_shared>>
        tpu.wait_indirect_dma semaphore(%arg12 : memref<!tpu.dma_semaphore, #tpu.memory_space<semaphore_mem>>) src(%dma_wait3A_99 : memref<80xf32, #tpu.memory_space<vmem>>) dst(%dma_wait3A_104 : memref<10240xf32, #tpu.memory_space<vmem_shared>>)
      } else {
      }
      %dma_start3A_75 = arith.constant 0 : i32
      %dma_start3A_76 = tpu.memref_slice %arg7[%dma_start3A_75] : memref<112xf32, #tpu.memory_space<vmem>> -> memref<80xf32, #tpu.memory_space<vmem>>
      %dma_start3A_77 = arith.constant 0 : i32
      %dma_start3A_78 = tpu.memref_slice %arg5[%scan3A_72, %dma_start3A_77] : memref<125x80xi32, #tpu.memory_space<vmem>> -> memref<1x80xi32, #tpu.memory_space<vmem>>
      %dma_start3A_79 = tpu.memref_squeeze %dma_start3A_78 : memref<1x80xi32, #tpu.memory_space<vmem>> -> memref<80xi32, #tpu.memory_space<vmem>>
      %dma_start3A_80 = arith.constant 0 : i32
      %dma_start3A_81 = tpu.memref_slice %arg9[%dma_start3A_80] : memref<10240xf32, #tpu.memory_space<vmem_shared>> -> memref<10240xf32, #tpu.memory_space<vmem_shared>>
      tpu.enqueue_indirect_dma source(%dma_start3A_76 : memref<80xf32, #tpu.memory_space<vmem>>) target(%dma_start3A_81 : memref<10240xf32, #tpu.memory_space<vmem_shared>>) offsets(%dma_start3A_79 : memref<80xi32, #tpu.memory_space<vmem>>) semaphore(%arg12 : memref<!tpu.dma_semaphore, #tpu.memory_space<semaphore_mem>>) {add = true}
      %dma_start3A_82 = arith.constant 0 : i32
      %dma_start3A_83 = tpu.memref_slice %arg7[%dma_start3A_82] : memref<112xf32, #tpu.memory_space<vmem>> -> memref<80xf32, #tpu.memory_space<vmem>>
      %dma_start3A_84 = arith.constant 0 : i32
      %dma_start3A_85 = tpu.memref_slice %arg6[%scan3A_72, %dma_start3A_84] : memref<125x80xi32, #tpu.memory_space<vmem>> -> memref<1x80xi32, #tpu.memory_space<vmem>>
      %dma_start3A_86 = tpu.memref_squeeze %dma_start3A_85 : memref<1x80xi32, #tpu.memory_space<vmem>> -> memref<80xi32, #tpu.memory_space<vmem>>
      %dma_start3A_87 = arith.constant 0 : i32
      %dma_start3A_88 = tpu.memref_slice %arg10[%dma_start3A_87] : memref<10240xf32, #tpu.memory_space<vmem_shared>> -> memref<10240xf32, #tpu.memory_space<vmem_shared>>
      tpu.enqueue_indirect_dma source(%dma_start3A_83 : memref<80xf32, #tpu.memory_space<vmem>>) target(%dma_start3A_88 : memref<10240xf32, #tpu.memory_space<vmem_shared>>) offsets(%dma_start3A_86 : memref<80xi32, #tpu.memory_space<vmem>>) semaphore(%arg12 : memref<!tpu.dma_semaphore, #tpu.memory_space<semaphore_mem>>) {add = true}
    }
    %scan3A_55 = arith.constant 125 : i32
    %scan3A_56 = arith.constant 0 : i32
    %scan3A_57 = arith.constant 0 : i32
    %scan3A_58 = arith.constant 8 : i32
    %scan3A_59 = arith.addi %scan3A_57, %scan3A_58 : i32
    %scan3A_60 = arith.constant 1 : i32
    scf.for %scan3A_72 = %scan3A_57 to %scan3A_59 step %scan3A_60  : i32 {
      %dma_wait3A_73 = arith.constant 0 : i32
      %dma_wait3A_74 = arith.constant 0 : i32
      %dma_wait3A_75 = tpu.memref_slice %arg7[%dma_wait3A_74] : memref<112xf32, #tpu.memory_space<vmem>> -> memref<80xf32, #tpu.memory_space<vmem>>
      %dma_wait3A_76 = arith.constant 0 : i32
      %dma_wait3A_77 = tpu.memref_slice %arg5[%dma_wait3A_73, %dma_wait3A_76] : memref<125x80xi32, #tpu.memory_space<vmem>> -> memref<1x80xi32, #tpu.memory_space<vmem>>
      %dma_wait3A_78 = tpu.memref_squeeze %dma_wait3A_77 : memref<1x80xi32, #tpu.memory_space<vmem>> -> memref<80xi32, #tpu.memory_space<vmem>>
      %dma_wait3A_79 = arith.constant 0 : i32
      %dma_wait3A_80 = tpu.memref_slice %arg9[%dma_wait3A_79] : memref<10240xf32, #tpu.memory_space<vmem_shared>> -> memref<10240xf32, #tpu.memory_space<vmem_shared>>
      tpu.wait_indirect_dma semaphore(%arg12 : memref<!tpu.dma_semaphore, #tpu.memory_space<semaphore_mem>>) src(%dma_wait3A_75 : memref<80xf32, #tpu.memory_space<vmem>>) dst(%dma_wait3A_80 : memref<10240xf32, #tpu.memory_space<vmem_shared>>)
      %dma_wait3A_81 = arith.constant 0 : i32
      %dma_wait3A_82 = arith.constant 0 : i32
      %dma_wait3A_83 = tpu.memref_slice %arg7[%dma_wait3A_82] : memref<112xf32, #tpu.memory_space<vmem>> -> memref<80xf32, #tpu.memory_space<vmem>>
      %dma_wait3A_84 = arith.constant 0 : i32
      %dma_wait3A_85 = tpu.memref_slice %arg6[%dma_wait3A_81, %dma_wait3A_84] : memref<125x80xi32, #tpu.memory_space<vmem>> -> memref<1x80xi32, #tpu.memory_space<vmem>>
      %dma_wait3A_86 = tpu.memref_squeeze %dma_wait3A_85 : memref<1x80xi32, #tpu.memory_space<vmem>> -> memref<80xi32, #tpu.memory_space<vmem>>
      %dma_wait3A_87 = arith.constant 0 : i32
      %dma_wait3A_88 = tpu.memref_slice %arg10[%dma_wait3A_87] : memref<10240xf32, #tpu.memory_space<vmem_shared>> -> memref<10240xf32, #tpu.memory_space<vmem_shared>>
      tpu.wait_indirect_dma semaphore(%arg12 : memref<!tpu.dma_semaphore, #tpu.memory_space<semaphore_mem>>) src(%dma_wait3A_83 : memref<80xf32, #tpu.memory_space<vmem>>) dst(%dma_wait3A_88 : memref<10240xf32, #tpu.memory_space<vmem_shared>>)
    }
    %scan3A_61 = arith.constant 8 : i32
    %barrier3A_62 = arith.constant 0 : index
    tpu.barrier barrier_id(%barrier3A_62)
    %mul3A_63 = arith.constant 640 : i32
    %mul3A_64 = arith.muli %arg1, %mul3A_63 : i32
    %mul3A_65 = arith.constant 640 : i32
    %mul3A_66 = arith.muli %arg1, %mul3A_65 : i32
    %run_scoped3A = arith.constant 0 : i32
    "tpu.region"() ({
      %run_scoped3A_72 = tpu.sem_alloc : memref<!tpu.dma_semaphore, #tpu.memory_space<semaphore_mem>>
      %dma_start3A_73 = tpu.memref_slice %arg3[%arg0, %run_scoped3A, %mul3A_66] : memref<2x1x10240xf32, #tpu.memory_space<hbm>> -> memref<1x1x640xf32, #tpu.memory_space<hbm>>
      %dma_start3A_74 = tpu.memref_squeeze %dma_start3A_73 : memref<1x1x640xf32, #tpu.memory_space<hbm>> -> memref<640xf32, #tpu.memory_space<hbm>>
      %dma_start3A_75 = tpu.memref_slice %arg9[%mul3A_64] : memref<10240xf32, #tpu.memory_space<vmem_shared>> -> memref<640xf32, #tpu.memory_space<vmem_shared>>
      tpu.enqueue_dma source(%dma_start3A_75 : memref<640xf32, #tpu.memory_space<vmem_shared>>) target(%dma_start3A_74 : memref<640xf32, #tpu.memory_space<hbm>>) target_semaphore(%run_scoped3A_72 : memref<!tpu.dma_semaphore, #tpu.memory_space<semaphore_mem>>)
      %dma_wait3A_76 = tpu.memref_slice %arg3[%arg0, %run_scoped3A, %mul3A_66] : memref<2x1x10240xf32, #tpu.memory_space<hbm>> -> memref<1x1x640xf32, #tpu.memory_space<hbm>>
      %dma_wait3A_77 = tpu.memref_squeeze %dma_wait3A_76 : memref<1x1x640xf32, #tpu.memory_space<hbm>> -> memref<640xf32, #tpu.memory_space<hbm>>
      %dma_wait3A_78 = tpu.memref_slice %arg9[%mul3A_64] : memref<10240xf32, #tpu.memory_space<vmem_shared>> -> memref<640xf32, #tpu.memory_space<vmem_shared>>
      tpu.wait_dma2 semaphore(%run_scoped3A_72 : memref<!tpu.dma_semaphore, #tpu.memory_space<semaphore_mem>>) src(%dma_wait3A_78 : memref<640xf32, #tpu.memory_space<vmem_shared>>) dst(%dma_wait3A_77 : memref<640xf32, #tpu.memory_space<hbm>>)
      tpu.yield
    }) : () -> ()
    %mul3A_67 = arith.constant 640 : i32
    %mul3A_68 = arith.muli %arg1, %mul3A_67 : i32
    %mul3A_69 = arith.constant 640 : i32
    %mul3A_70 = arith.muli %arg1, %mul3A_69 : i32
    %run_scoped3A_71 = arith.constant 0 : i32
    "tpu.region"() ({
      %run_scoped3A_72 = tpu.sem_alloc : memref<!tpu.dma_semaphore, #tpu.memory_space<semaphore_mem>>
      %dma_start3A_73 = tpu.memref_slice %arg4[%arg0, %run_scoped3A_71, %mul3A_70] : memref<2x1x10240xf32, #tpu.memory_space<hbm>> -> memref<1x1x640xf32, #tpu.memory_space<hbm>>
      %dma_start3A_74 = tpu.memref_squeeze %dma_start3A_73 : memref<1x1x640xf32, #tpu.memory_space<hbm>> -> memref<640xf32, #tpu.memory_space<hbm>>
      %dma_start3A_75 = tpu.memref_slice %arg10[%mul3A_68] : memref<10240xf32, #tpu.memory_space<vmem_shared>> -> memref<640xf32, #tpu.memory_space<vmem_shared>>
      tpu.enqueue_dma source(%dma_start3A_75 : memref<640xf32, #tpu.memory_space<vmem_shared>>) target(%dma_start3A_74 : memref<640xf32, #tpu.memory_space<hbm>>) target_semaphore(%run_scoped3A_72 : memref<!tpu.dma_semaphore, #tpu.memory_space<semaphore_mem>>)
      %dma_wait3A_76 = tpu.memref_slice %arg4[%arg0, %run_scoped3A_71, %mul3A_70] : memref<2x1x10240xf32, #tpu.memory_space<hbm>> -> memref<1x1x640xf32, #tpu.memory_space<hbm>>
      %dma_wait3A_77 = tpu.memref_squeeze %dma_wait3A_76 : memref<1x1x640xf32, #tpu.memory_space<hbm>> -> memref<640xf32, #tpu.memory_space<hbm>>
      %dma_wait3A_78 = tpu.memref_slice %arg10[%mul3A_68] : memref<10240xf32, #tpu.memory_space<vmem_shared>> -> memref<640xf32, #tpu.memory_space<vmem_shared>>
      tpu.wait_dma2 semaphore(%run_scoped3A_72 : memref<!tpu.dma_semaphore, #tpu.memory_space<semaphore_mem>>) src(%dma_wait3A_78 : memref<640xf32, #tpu.memory_space<vmem_shared>>) dst(%dma_wait3A_77 : memref<640xf32, #tpu.memory_space<hbm>>)
      tpu.yield
    }) : () -> ()
    return
  }
}

#map = affine_map<(d0, d1) -> (0, 0, 0, 0)>
#map1 = affine_map<(d0, d1) -> (0, 0)>
#map2 = affine_map<(d0, d1) -> (0, 0, 0)>
module attributes {stable_mosaic.version = 14 : i64} {
  func.func @_edge_kernel(%arg0: i32, %arg1: i32, %arg2: memref<2x32x125x80xi32, #tpu.memory_space<hbm>>, %arg3: memref<10240x16xf32, #tpu.memory_space<hbm>>, %arg4: memref<2x10240x16xf32, #tpu.memory_space<hbm>>, %arg5: memref<125x80xi32, #tpu.memory_space<vmem>>, %arg6: memref<125x80xi32, #tpu.memory_space<vmem>>, %arg7: memref<80x16xf32, #tpu.memory_space<vmem>>, %arg8: memref<80x16xf32, #tpu.memory_space<vmem>>, %arg9: memref<80x16xf32, #tpu.memory_space<vmem>>, %arg10: memref<80x16xf32, #tpu.memory_space<vmem>>, %arg11: memref<32x16xf32, #tpu.memory_space<vmem>>, %arg12: memref<10240x16xf32, #tpu.memory_space<vmem_shared>>, %arg13: memref<10240x16xf32, #tpu.memory_space<vmem_shared>>, %arg14: memref<!tpu.dma_semaphore, #tpu.memory_space<semaphore_mem>>, %arg15: memref<!tpu.dma_semaphore, #tpu.memory_space<semaphore_mem>>, %arg16: memref<!tpu.dma_semaphore, #tpu.memory_space<semaphore_mem>>, %arg17: memref<!tpu.dma_semaphore, #tpu.memory_space<semaphore_mem>>, %arg18: memref<!tpu.dma_semaphore, #tpu.memory_space<semaphore_mem>>, %arg19: memref<!tpu.dma_semaphore, #tpu.memory_space<semaphore_mem>>, %arg20: memref<!tpu.dma_semaphore, #tpu.memory_space<semaphore_mem>>, %arg21: memref<!tpu.dma_semaphore, #tpu.memory_space<semaphore_mem>>, %arg22: memref<!tpu.dma_semaphore, #tpu.memory_space<semaphore_mem>>) attributes {dimension_semantics = [#tpu.dimension_semantics<core_parallel>, #tpu.dimension_semantics<subcore_parallel>], iteration_bounds = array<i64: 2, 16>, scalar_prefetch = 0 : i64, scratch_operands = 18 : i64, tpu.core_type = #tpu.core_type<sc_vector_subcore>, window_params = [{transform_indices = #map}, {transform_indices = #map1}, {transform_indices = #map2}]} {
    %mul3A = arith.constant 16 : i32
    %mul3A_0 = arith.muli %arg0, %mul3A : i32
    %add3A = arith.addi %mul3A_0, %arg1 : i32
    %dma_start3A = arith.constant 0 : i32
    %dma_start3A_1 = arith.constant 0 : i32
    %dma_start3A_2 = arith.constant 0 : i32
    %dma_start3A_3 = tpu.memref_slice %arg2[%dma_start3A, %add3A, %dma_start3A_1, %dma_start3A_2] : memref<2x32x125x80xi32, #tpu.memory_space<hbm>> -> memref<1x1x125x80xi32, #tpu.memory_space<hbm>>
    %dma_start3A_4 = tpu.memref_squeeze %dma_start3A_3 : memref<1x1x125x80xi32, #tpu.memory_space<hbm>> -> memref<125x80xi32, #tpu.memory_space<hbm>>
    %dma_start3A_5 = arith.constant 0 : i32
    %dma_start3A_6 = arith.constant 0 : i32
    %dma_start3A_7 = tpu.memref_slice %arg2[%dma_start3A, %add3A, %dma_start3A_5, %dma_start3A_6] : memref<2x32x125x80xi32, #tpu.memory_space<hbm>> -> memref<1x1x125x80xi32, #tpu.memory_space<hbm>>
    %dma_start3A_8 = tpu.memref_squeeze %dma_start3A_7 : memref<1x1x125x80xi32, #tpu.memory_space<hbm>> -> memref<125x80xi32, #tpu.memory_space<hbm>>
    tpu.enqueue_dma source(%dma_start3A_8 : memref<125x80xi32, #tpu.memory_space<hbm>>) target(%arg5 : memref<125x80xi32, #tpu.memory_space<vmem>>) target_semaphore(%arg14 : memref<!tpu.dma_semaphore, #tpu.memory_space<semaphore_mem>>)
    %dma_start3A_9 = arith.constant 1 : i32
    %dma_start3A_10 = arith.constant 0 : i32
    %dma_start3A_11 = arith.constant 0 : i32
    %dma_start3A_12 = tpu.memref_slice %arg2[%dma_start3A_9, %add3A, %dma_start3A_10, %dma_start3A_11] : memref<2x32x125x80xi32, #tpu.memory_space<hbm>> -> memref<1x1x125x80xi32, #tpu.memory_space<hbm>>
    %dma_start3A_13 = tpu.memref_squeeze %dma_start3A_12 : memref<1x1x125x80xi32, #tpu.memory_space<hbm>> -> memref<125x80xi32, #tpu.memory_space<hbm>>
    %dma_start3A_14 = arith.constant 0 : i32
    %dma_start3A_15 = arith.constant 0 : i32
    %dma_start3A_16 = tpu.memref_slice %arg2[%dma_start3A_9, %add3A, %dma_start3A_14, %dma_start3A_15] : memref<2x32x125x80xi32, #tpu.memory_space<hbm>> -> memref<1x1x125x80xi32, #tpu.memory_space<hbm>>
    %dma_start3A_17 = tpu.memref_squeeze %dma_start3A_16 : memref<1x1x125x80xi32, #tpu.memory_space<hbm>> -> memref<125x80xi32, #tpu.memory_space<hbm>>
    tpu.enqueue_dma source(%dma_start3A_17 : memref<125x80xi32, #tpu.memory_space<hbm>>) target(%arg6 : memref<125x80xi32, #tpu.memory_space<vmem>>) target_semaphore(%arg14 : memref<!tpu.dma_semaphore, #tpu.memory_space<semaphore_mem>>)
    %mul3A_18 = arith.constant 640 : i32
    %mul3A_19 = arith.muli %arg1, %mul3A_18 : i32
    %mul3A_20 = arith.constant 640 : i32
    %mul3A_21 = arith.muli %arg1, %mul3A_20 : i32
    %dma_start3A_22 = arith.constant 0 : i32
    %dma_start3A_23 = tpu.memref_slice %arg13[%mul3A_21, %dma_start3A_22] : memref<10240x16xf32, #tpu.memory_space<vmem_shared>> -> memref<640x16xf32, #tpu.memory_space<vmem_shared>>
    %dma_start3A_24 = arith.constant 0 : i32
    %dma_start3A_25 = tpu.memref_slice %arg3[%mul3A_19, %dma_start3A_24] : memref<10240x16xf32, #tpu.memory_space<hbm>> -> memref<640x16xf32, #tpu.memory_space<hbm>>
    tpu.enqueue_dma source(%dma_start3A_25 : memref<640x16xf32, #tpu.memory_space<hbm>>) target(%dma_start3A_23 : memref<640x16xf32, #tpu.memory_space<vmem_shared>>) target_semaphore(%arg14 : memref<!tpu.dma_semaphore, #tpu.memory_space<semaphore_mem>>)
    %broadcast_in_dim3A = arith.constant 0.000000e+00 : f32
    %broadcast_in_dim3A_26 = vector.broadcast %broadcast_in_dim3A : f32 to vector<16xf32>
    %scan3A = arith.constant 0 : i32
    %scan3A_27 = arith.constant 0 : i32
    %scan3A_28 = arith.constant 32 : i32
    %scan3A_29 = arith.addi %scan3A_27, %scan3A_28 : i32
    %scan3A_30 = arith.constant 1 : i32
    scf.for %scan3A_119 = %scan3A_27 to %scan3A_29 step %scan3A_30  : i32 {
      %swap3A = arith.index_cast %scan3A_119 : i32 to index
      %swap3A_120 = arith.constant 0 : index
      %swap3A_121 = tpu.vector_load %arg11[%swap3A, %swap3A_120] {strides = array<i32>} : memref<32x16xf32, #tpu.memory_space<vmem>>, vector<16xf32>,
      tpu.vector_store %arg11[%swap3A, %swap3A_120], %broadcast_in_dim3A_26 {strides = array<i32>} : memref<32x16xf32, #tpu.memory_space<vmem>>, vector<16xf32>,
    }
    %scan3A_31 = arith.constant 32 : i32
    %scan3A_32 = arith.constant 0 : i32
    %scan3A_33 = arith.constant 0 : i32
    %scan3A_34 = arith.constant 20 : i32
    %scan3A_35 = arith.addi %scan3A_33, %scan3A_34 : i32
    %scan3A_36 = arith.constant 1 : i32
    scf.for %scan3A_119 = %scan3A_33 to %scan3A_35 step %scan3A_36  : i32 {
      %mul3A_120 = arith.constant 640 : i32
      %mul3A_121 = arith.muli %arg1, %mul3A_120 : i32
      %mul3A_122 = arith.constant 32 : i32
      %mul3A_123 = arith.muli %scan3A_119, %mul3A_122 : i32
      %add3A_124 = arith.addi %mul3A_121, %mul3A_123 : i32
      "tpu.region"() ({
        %run_scoped3A = tpu.sem_alloc : memref<!tpu.dma_semaphore, #tpu.memory_space<semaphore_mem>>
        %dma_start3A_125 = arith.constant 0 : i32
        %dma_start3A_126 = tpu.memref_slice %arg12[%add3A_124, %dma_start3A_125] : memref<10240x16xf32, #tpu.memory_space<vmem_shared>> -> memref<32x16xf32, #tpu.memory_space<vmem_shared>>
        %dma_start3A_127 = arith.constant 0 : i32
        %dma_start3A_128 = tpu.memref_slice %arg12[%add3A_124, %dma_start3A_127] : memref<10240x16xf32, #tpu.memory_space<vmem_shared>> -> memref<32x16xf32, #tpu.memory_space<vmem_shared>>
        tpu.enqueue_dma source(%arg11 : memref<32x16xf32, #tpu.memory_space<vmem>>) target(%dma_start3A_128 : memref<32x16xf32, #tpu.memory_space<vmem_shared>>) target_semaphore(%run_scoped3A : memref<!tpu.dma_semaphore, #tpu.memory_space<semaphore_mem>>)
        %dma_wait3A_129 = arith.constant 0 : i32
        %dma_wait3A_130 = tpu.memref_slice %arg12[%add3A_124, %dma_wait3A_129] : memref<10240x16xf32, #tpu.memory_space<vmem_shared>> -> memref<32x16xf32, #tpu.memory_space<vmem_shared>>
        %dma_wait3A_131 = arith.constant 0 : i32
        %dma_wait3A_132 = tpu.memref_slice %arg12[%add3A_124, %dma_wait3A_131] : memref<10240x16xf32, #tpu.memory_space<vmem_shared>> -> memref<32x16xf32, #tpu.memory_space<vmem_shared>>
        tpu.wait_dma2 semaphore(%run_scoped3A : memref<!tpu.dma_semaphore, #tpu.memory_space<semaphore_mem>>) src(%arg11 : memref<32x16xf32, #tpu.memory_space<vmem>>) dst(%dma_wait3A_132 : memref<32x16xf32, #tpu.memory_space<vmem_shared>>)
        tpu.yield
      }) : () -> ()
    }
    %scan3A_37 = arith.constant 20 : i32
    %dma_wait3A = arith.constant 0 : i32
    %dma_wait3A_38 = arith.constant 0 : i32
    %dma_wait3A_39 = arith.constant 0 : i32
    %dma_wait3A_40 = tpu.memref_slice %arg2[%dma_wait3A, %add3A, %dma_wait3A_38, %dma_wait3A_39] : memref<2x32x125x80xi32, #tpu.memory_space<hbm>> -> memref<1x1x125x80xi32, #tpu.memory_space<hbm>>
    %dma_wait3A_41 = tpu.memref_squeeze %dma_wait3A_40 : memref<1x1x125x80xi32, #tpu.memory_space<hbm>> -> memref<125x80xi32, #tpu.memory_space<hbm>>
    %dma_wait3A_42 = arith.constant 0 : i32
    %dma_wait3A_43 = arith.constant 0 : i32
    %dma_wait3A_44 = tpu.memref_slice %arg2[%dma_wait3A, %add3A, %dma_wait3A_42, %dma_wait3A_43] : memref<2x32x125x80xi32, #tpu.memory_space<hbm>> -> memref<1x1x125x80xi32, #tpu.memory_space<hbm>>
    %dma_wait3A_45 = tpu.memref_squeeze %dma_wait3A_44 : memref<1x1x125x80xi32, #tpu.memory_space<hbm>> -> memref<125x80xi32, #tpu.memory_space<hbm>>
    tpu.wait_dma2 semaphore(%arg14 : memref<!tpu.dma_semaphore, #tpu.memory_space<semaphore_mem>>) src(%dma_wait3A_45 : memref<125x80xi32, #tpu.memory_space<hbm>>) dst(%arg5 : memref<125x80xi32, #tpu.memory_space<vmem>>)
    %dma_wait3A_46 = arith.constant 1 : i32
    %dma_wait3A_47 = arith.constant 0 : i32
    %dma_wait3A_48 = arith.constant 0 : i32
    %dma_wait3A_49 = tpu.memref_slice %arg2[%dma_wait3A_46, %add3A, %dma_wait3A_47, %dma_wait3A_48] : memref<2x32x125x80xi32, #tpu.memory_space<hbm>> -> memref<1x1x125x80xi32, #tpu.memory_space<hbm>>
    %dma_wait3A_50 = tpu.memref_squeeze %dma_wait3A_49 : memref<1x1x125x80xi32, #tpu.memory_space<hbm>> -> memref<125x80xi32, #tpu.memory_space<hbm>>
    %dma_wait3A_51 = arith.constant 0 : i32
    %dma_wait3A_52 = arith.constant 0 : i32
    %dma_wait3A_53 = tpu.memref_slice %arg2[%dma_wait3A_46, %add3A, %dma_wait3A_51, %dma_wait3A_52] : memref<2x32x125x80xi32, #tpu.memory_space<hbm>> -> memref<1x1x125x80xi32, #tpu.memory_space<hbm>>
    %dma_wait3A_54 = tpu.memref_squeeze %dma_wait3A_53 : memref<1x1x125x80xi32, #tpu.memory_space<hbm>> -> memref<125x80xi32, #tpu.memory_space<hbm>>
    tpu.wait_dma2 semaphore(%arg14 : memref<!tpu.dma_semaphore, #tpu.memory_space<semaphore_mem>>) src(%dma_wait3A_54 : memref<125x80xi32, #tpu.memory_space<hbm>>) dst(%arg6 : memref<125x80xi32, #tpu.memory_space<vmem>>)
    %dma_wait3A_55 = arith.constant 0 : i32
    %dma_wait3A_56 = tpu.memref_slice %arg13[%mul3A_21, %dma_wait3A_55] : memref<10240x16xf32, #tpu.memory_space<vmem_shared>> -> memref<640x16xf32, #tpu.memory_space<vmem_shared>>
    %dma_wait3A_57 = arith.constant 0 : i32
    %dma_wait3A_58 = tpu.memref_slice %arg3[%mul3A_19, %dma_wait3A_57] : memref<10240x16xf32, #tpu.memory_space<hbm>> -> memref<640x16xf32, #tpu.memory_space<hbm>>
    tpu.wait_dma2 semaphore(%arg14 : memref<!tpu.dma_semaphore, #tpu.memory_space<semaphore_mem>>) src(%dma_wait3A_58 : memref<640x16xf32, #tpu.memory_space<hbm>>) dst(%dma_wait3A_56 : memref<640x16xf32, #tpu.memory_space<vmem_shared>>)
    %barrier3A = arith.constant 0 : index
    tpu.barrier barrier_id(%barrier3A)
    %dma_start3A_59 = arith.constant 0 : i32
    %dma_start3A_60 = arith.constant 0 : i32
    %dma_start3A_61 = tpu.memref_slice %arg5[%dma_start3A_59, %dma_start3A_60] : memref<125x80xi32, #tpu.memory_space<vmem>> -> memref<1x80xi32, #tpu.memory_space<vmem>>
    %dma_start3A_62 = tpu.memref_squeeze %dma_start3A_61 : memref<1x80xi32, #tpu.memory_space<vmem>> -> memref<80xi32, #tpu.memory_space<vmem>>
    %dma_start3A_63 = arith.constant 0 : i32
    %dma_start3A_64 = arith.constant 0 : i32
    %dma_start3A_65 = tpu.memref_slice %arg13[%dma_start3A_63, %dma_start3A_64] : memref<10240x16xf32, #tpu.memory_space<vmem_shared>> -> memref<10240x16xf32, #tpu.memory_space<vmem_shared>>
    tpu.enqueue_indirect_dma source(%dma_start3A_65 : memref<10240x16xf32, #tpu.memory_space<vmem_shared>>) target(%arg7 : memref<80x16xf32, #tpu.memory_space<vmem>>) offsets(%dma_start3A_62 : memref<80xi32, #tpu.memory_space<vmem>>) semaphore(%arg15 : memref<!tpu.dma_semaphore, #tpu.memory_space<semaphore_mem>>)
    %dma_start3A_66 = arith.constant 1 : i32
    %dma_start3A_67 = arith.constant 0 : i32
    %dma_start3A_68 = tpu.memref_slice %arg5[%dma_start3A_66, %dma_start3A_67] : memref<125x80xi32, #tpu.memory_space<vmem>> -> memref<1x80xi32, #tpu.memory_space<vmem>>
    %dma_start3A_69 = tpu.memref_squeeze %dma_start3A_68 : memref<1x80xi32, #tpu.memory_space<vmem>> -> memref<80xi32, #tpu.memory_space<vmem>>
    %dma_start3A_70 = arith.constant 0 : i32
    %dma_start3A_71 = arith.constant 0 : i32
    %dma_start3A_72 = tpu.memref_slice %arg13[%dma_start3A_70, %dma_start3A_71] : memref<10240x16xf32, #tpu.memory_space<vmem_shared>> -> memref<10240x16xf32, #tpu.memory_space<vmem_shared>>
    tpu.enqueue_indirect_dma source(%dma_start3A_72 : memref<10240x16xf32, #tpu.memory_space<vmem_shared>>) target(%arg8 : memref<80x16xf32, #tpu.memory_space<vmem>>) offsets(%dma_start3A_69 : memref<80xi32, #tpu.memory_space<vmem>>) semaphore(%arg16 : memref<!tpu.dma_semaphore, #tpu.memory_space<semaphore_mem>>)
    %dma_start3A_73 = arith.constant 2 : i32
    %dma_start3A_74 = arith.constant 0 : i32
    %dma_start3A_75 = tpu.memref_slice %arg5[%dma_start3A_73, %dma_start3A_74] : memref<125x80xi32, #tpu.memory_space<vmem>> -> memref<1x80xi32, #tpu.memory_space<vmem>>
    %dma_start3A_76 = tpu.memref_squeeze %dma_start3A_75 : memref<1x80xi32, #tpu.memory_space<vmem>> -> memref<80xi32, #tpu.memory_space<vmem>>
    %dma_start3A_77 = arith.constant 0 : i32
    %dma_start3A_78 = arith.constant 0 : i32
    %dma_start3A_79 = tpu.memref_slice %arg13[%dma_start3A_77, %dma_start3A_78] : memref<10240x16xf32, #tpu.memory_space<vmem_shared>> -> memref<10240x16xf32, #tpu.memory_space<vmem_shared>>
    tpu.enqueue_indirect_dma source(%dma_start3A_79 : memref<10240x16xf32, #tpu.memory_space<vmem_shared>>) target(%arg9 : memref<80x16xf32, #tpu.memory_space<vmem>>) offsets(%dma_start3A_76 : memref<80xi32, #tpu.memory_space<vmem>>) semaphore(%arg17 : memref<!tpu.dma_semaphore, #tpu.memory_space<semaphore_mem>>)
    %scan3A_80 = arith.constant 0 : i32
    %scan3A_81 = arith.constant 0 : i32
    %scan3A_82 = arith.constant 31 : i32
    %scan3A_83 = arith.addi %scan3A_81, %scan3A_82 : i32
    %scan3A_84 = arith.constant 1 : i32
    scf.for %scan3A_119 = %scan3A_81 to %scan3A_83 step %scan3A_84  : i32 {
      %mul3A_120 = arith.constant 4 : i32
      %mul3A_121 = arith.muli %mul3A_120, %scan3A_119 : i32
      %add3A_122 = arith.constant 0 : i32
      %add3A_123 = arith.addi %mul3A_121, %add3A_122 : i32
      %dma_wait3A_124 = arith.constant 0 : i32
      %dma_wait3A_125 = tpu.memref_slice %arg5[%add3A_123, %dma_wait3A_124] : memref<125x80xi32, #tpu.memory_space<vmem>> -> memref<1x80xi32, #tpu.memory_space<vmem>>
      %dma_wait3A_126 = tpu.memref_squeeze %dma_wait3A_125 : memref<1x80xi32, #tpu.memory_space<vmem>> -> memref<80xi32, #tpu.memory_space<vmem>>
      %dma_wait3A_127 = arith.constant 0 : i32
      %dma_wait3A_128 = arith.constant 0 : i32
      %dma_wait3A_129 = tpu.memref_slice %arg13[%dma_wait3A_127, %dma_wait3A_128] : memref<10240x16xf32, #tpu.memory_space<vmem_shared>> -> memref<10240x16xf32, #tpu.memory_space<vmem_shared>>
      tpu.wait_indirect_dma semaphore(%arg15 : memref<!tpu.dma_semaphore, #tpu.memory_space<semaphore_mem>>) src(%dma_wait3A_129 : memref<10240x16xf32, #tpu.memory_space<vmem_shared>>) dst(%arg7 : memref<80x16xf32, #tpu.memory_space<vmem>>)
      %dma_start3A_130 = arith.constant 0 : i32
      %dma_start3A_131 = tpu.memref_slice %arg6[%add3A_123, %dma_start3A_130] : memref<125x80xi32, #tpu.memory_space<vmem>> -> memref<1x80xi32, #tpu.memory_space<vmem>>
      %dma_start3A_132 = tpu.memref_squeeze %dma_start3A_131 : memref<1x80xi32, #tpu.memory_space<vmem>> -> memref<80xi32, #tpu.memory_space<vmem>>
      %dma_start3A_133 = arith.constant 0 : i32
      %dma_start3A_134 = arith.constant 0 : i32
      %dma_start3A_135 = tpu.memref_slice %arg12[%dma_start3A_133, %dma_start3A_134] : memref<10240x16xf32, #tpu.memory_space<vmem_shared>> -> memref<10240x16xf32, #tpu.memory_space<vmem_shared>>
      tpu.enqueue_indirect_dma source(%arg7 : memref<80x16xf32, #tpu.memory_space<vmem>>) target(%dma_start3A_135 : memref<10240x16xf32, #tpu.memory_space<vmem_shared>>) offsets(%dma_start3A_132 : memref<80xi32, #tpu.memory_space<vmem>>) semaphore(%arg19 : memref<!tpu.dma_semaphore, #tpu.memory_space<semaphore_mem>>) {add = true}
      %ge3A = arith.constant 1 : i32
      %ge3A_136 = arith.cmpi sge, %add3A_123, %ge3A : i32
      %convert_element_type3A = arith.extui %ge3A_136 : i1 to i32
      %cond3A = arith.constant 0 : i32
      %cond3A_137 = arith.cmpi ne, %convert_element_type3A, %cond3A : i32
      scf.if %cond3A_137 {
        %dma_wait3A_228 = arith.constant 0 : i32
        %dma_wait3A_229 = arith.constant 0 : i32
        %dma_wait3A_230 = tpu.memref_slice %arg6[%dma_wait3A_228, %dma_wait3A_229] : memref<125x80xi32, #tpu.memory_space<vmem>> -> memref<1x80xi32, #tpu.memory_space<vmem>>
        %dma_wait3A_231 = tpu.memref_squeeze %dma_wait3A_230 : memref<1x80xi32, #tpu.memory_space<vmem>> -> memref<80xi32, #tpu.memory_space<vmem>>
        %dma_wait3A_232 = arith.constant 0 : i32
        %dma_wait3A_233 = arith.constant 0 : i32
        %dma_wait3A_234 = tpu.memref_slice %arg12[%dma_wait3A_232, %dma_wait3A_233] : memref<10240x16xf32, #tpu.memory_space<vmem_shared>> -> memref<10240x16xf32, #tpu.memory_space<vmem_shared>>
        tpu.wait_indirect_dma semaphore(%arg22 : memref<!tpu.dma_semaphore, #tpu.memory_space<semaphore_mem>>) src(%arg10 : memref<80x16xf32, #tpu.memory_space<vmem>>) dst(%dma_wait3A_234 : memref<10240x16xf32, #tpu.memory_space<vmem_shared>>)
      } else {
      }
      %add3A_138 = arith.constant 3 : i32
      %add3A_139 = arith.addi %add3A_123, %add3A_138 : i32
      %lt3A = arith.constant 125 : i32
      %lt3A_140 = arith.cmpi slt, %add3A_139, %lt3A : i32
      %convert_element_type3A_141 = arith.extui %lt3A_140 : i1 to i32
      %cond3A_142 = arith.constant 0 : i32
      %cond3A_143 = arith.cmpi ne, %convert_element_type3A_141, %cond3A_142 : i32
      scf.if %cond3A_143 {
        %add3A_228 = arith.constant 3 : i32
        %add3A_229 = arith.addi %add3A_123, %add3A_228 : i32
        %dma_start3A_230 = arith.constant 0 : i32
        %dma_start3A_231 = tpu.memref_slice %arg5[%add3A_229, %dma_start3A_230] : memref<125x80xi32, #tpu.memory_space<vmem>> -> memref<1x80xi32, #tpu.memory_space<vmem>>
        %dma_start3A_232 = tpu.memref_squeeze %dma_start3A_231 : memref<1x80xi32, #tpu.memory_space<vmem>> -> memref<80xi32, #tpu.memory_space<vmem>>
        %dma_start3A_233 = arith.constant 0 : i32
        %dma_start3A_234 = arith.constant 0 : i32
        %dma_start3A_235 = tpu.memref_slice %arg13[%dma_start3A_233, %dma_start3A_234] : memref<10240x16xf32, #tpu.memory_space<vmem_shared>> -> memref<10240x16xf32, #tpu.memory_space<vmem_shared>>
        tpu.enqueue_indirect_dma source(%dma_start3A_235 : memref<10240x16xf32, #tpu.memory_space<vmem_shared>>) target(%arg10 : memref<80x16xf32, #tpu.memory_space<vmem>>) offsets(%dma_start3A_232 : memref<80xi32, #tpu.memory_space<vmem>>) semaphore(%arg18 : memref<!tpu.dma_semaphore, #tpu.memory_space<semaphore_mem>>)
      } else {
      }
      %mul3A_144 = arith.constant 4 : i32
      %mul3A_145 = arith.muli %mul3A_144, %scan3A_119 : i32
      %add3A_146 = arith.constant 1 : i32
      %add3A_147 = arith.addi %mul3A_145, %add3A_146 : i32
      %dma_wait3A_148 = arith.constant 0 : i32
      %dma_wait3A_149 = tpu.memref_slice %arg5[%add3A_147, %dma_wait3A_148] : memref<125x80xi32, #tpu.memory_space<vmem>> -> memref<1x80xi32, #tpu.memory_space<vmem>>
      %dma_wait3A_150 = tpu.memref_squeeze %dma_wait3A_149 : memref<1x80xi32, #tpu.memory_space<vmem>> -> memref<80xi32, #tpu.memory_space<vmem>>
      %dma_wait3A_151 = arith.constant 0 : i32
      %dma_wait3A_152 = arith.constant 0 : i32
      %dma_wait3A_153 = tpu.memref_slice %arg13[%dma_wait3A_151, %dma_wait3A_152] : memref<10240x16xf32, #tpu.memory_space<vmem_shared>> -> memref<10240x16xf32, #tpu.memory_space<vmem_shared>>
      tpu.wait_indirect_dma semaphore(%arg16 : memref<!tpu.dma_semaphore, #tpu.memory_space<semaphore_mem>>) src(%dma_wait3A_153 : memref<10240x16xf32, #tpu.memory_space<vmem_shared>>) dst(%arg8 : memref<80x16xf32, #tpu.memory_space<vmem>>)
      %dma_start3A_154 = arith.constant 0 : i32
      %dma_start3A_155 = tpu.memref_slice %arg6[%add3A_147, %dma_start3A_154] : memref<125x80xi32, #tpu.memory_space<vmem>> -> memref<1x80xi32, #tpu.memory_space<vmem>>
      %dma_start3A_156 = tpu.memref_squeeze %dma_start3A_155 : memref<1x80xi32, #tpu.memory_space<vmem>> -> memref<80xi32, #tpu.memory_space<vmem>>
      %dma_start3A_157 = arith.constant 0 : i32
      %dma_start3A_158 = arith.constant 0 : i32
      %dma_start3A_159 = tpu.memref_slice %arg12[%dma_start3A_157, %dma_start3A_158] : memref<10240x16xf32, #tpu.memory_space<vmem_shared>> -> memref<10240x16xf32, #tpu.memory_space<vmem_shared>>
      tpu.enqueue_indirect_dma source(%arg8 : memref<80x16xf32, #tpu.memory_space<vmem>>) target(%dma_start3A_159 : memref<10240x16xf32, #tpu.memory_space<vmem_shared>>) offsets(%dma_start3A_156 : memref<80xi32, #tpu.memory_space<vmem>>) semaphore(%arg20 : memref<!tpu.dma_semaphore, #tpu.memory_space<semaphore_mem>>) {add = true}
      %ge3A_160 = arith.constant 1 : i32
      %ge3A_161 = arith.cmpi sge, %add3A_147, %ge3A_160 : i32
      %convert_element_type3A_162 = arith.extui %ge3A_161 : i1 to i32
      %cond3A_163 = arith.constant 0 : i32
      %cond3A_164 = arith.cmpi ne, %convert_element_type3A_162, %cond3A_163 : i32
      scf.if %cond3A_164 {
        %dma_wait3A_228 = arith.constant 0 : i32
        %dma_wait3A_229 = arith.constant 0 : i32
        %dma_wait3A_230 = tpu.memref_slice %arg6[%dma_wait3A_228, %dma_wait3A_229] : memref<125x80xi32, #tpu.memory_space<vmem>> -> memref<1x80xi32, #tpu.memory_space<vmem>>
        %dma_wait3A_231 = tpu.memref_squeeze %dma_wait3A_230 : memref<1x80xi32, #tpu.memory_space<vmem>> -> memref<80xi32, #tpu.memory_space<vmem>>
        %dma_wait3A_232 = arith.constant 0 : i32
        %dma_wait3A_233 = arith.constant 0 : i32
        %dma_wait3A_234 = tpu.memref_slice %arg12[%dma_wait3A_232, %dma_wait3A_233] : memref<10240x16xf32, #tpu.memory_space<vmem_shared>> -> memref<10240x16xf32, #tpu.memory_space<vmem_shared>>
        tpu.wait_indirect_dma semaphore(%arg19 : memref<!tpu.dma_semaphore, #tpu.memory_space<semaphore_mem>>) src(%arg7 : memref<80x16xf32, #tpu.memory_space<vmem>>) dst(%dma_wait3A_234 : memref<10240x16xf32, #tpu.memory_space<vmem_shared>>)
      } else {
      }
      %add3A_165 = arith.constant 3 : i32
      %add3A_166 = arith.addi %add3A_147, %add3A_165 : i32
      %lt3A_167 = arith.constant 125 : i32
      %lt3A_168 = arith.cmpi slt, %add3A_166, %lt3A_167 : i32
      %convert_element_type3A_169 = arith.extui %lt3A_168 : i1 to i32
      %cond3A_170 = arith.constant 0 : i32
      %cond3A_171 = arith.cmpi ne, %convert_element_type3A_169, %cond3A_170 : i32
      scf.if %cond3A_171 {
        %add3A_228 = arith.constant 3 : i32
        %add3A_229 = arith.addi %add3A_147, %add3A_228 : i32
        %dma_start3A_230 = arith.constant 0 : i32
        %dma_start3A_231 = tpu.memref_slice %arg5[%add3A_229, %dma_start3A_230] : memref<125x80xi32, #tpu.memory_space<vmem>> -> memref<1x80xi32, #tpu.memory_space<vmem>>
        %dma_start3A_232 = tpu.memref_squeeze %dma_start3A_231 : memref<1x80xi32, #tpu.memory_space<vmem>> -> memref<80xi32, #tpu.memory_space<vmem>>
        %dma_start3A_233 = arith.constant 0 : i32
        %dma_start3A_234 = arith.constant 0 : i32
        %dma_start3A_235 = tpu.memref_slice %arg13[%dma_start3A_233, %dma_start3A_234] : memref<10240x16xf32, #tpu.memory_space<vmem_shared>> -> memref<10240x16xf32, #tpu.memory_space<vmem_shared>>
        tpu.enqueue_indirect_dma source(%dma_start3A_235 : memref<10240x16xf32, #tpu.memory_space<vmem_shared>>) target(%arg7 : memref<80x16xf32, #tpu.memory_space<vmem>>) offsets(%dma_start3A_232 : memref<80xi32, #tpu.memory_space<vmem>>) semaphore(%arg15 : memref<!tpu.dma_semaphore, #tpu.memory_space<semaphore_mem>>)
      } else {
      }
      %mul3A_172 = arith.constant 4 : i32
      %mul3A_173 = arith.muli %mul3A_172, %scan3A_119 : i32
      %add3A_174 = arith.constant 2 : i32
      %add3A_175 = arith.addi %mul3A_173, %add3A_174 : i32
      %dma_wait3A_176 = arith.constant 0 : i32
      %dma_wait3A_177 = tpu.memref_slice %arg5[%add3A_175, %dma_wait3A_176] : memref<125x80xi32, #tpu.memory_space<vmem>> -> memref<1x80xi32, #tpu.memory_space<vmem>>
      %dma_wait3A_178 = tpu.memref_squeeze %dma_wait3A_177 : memref<1x80xi32, #tpu.memory_space<vmem>> -> memref<80xi32, #tpu.memory_space<vmem>>
      %dma_wait3A_179 = arith.constant 0 : i32
      %dma_wait3A_180 = arith.constant 0 : i32
      %dma_wait3A_181 = tpu.memref_slice %arg13[%dma_wait3A_179, %dma_wait3A_180] : memref<10240x16xf32, #tpu.memory_space<vmem_shared>> -> memref<10240x16xf32, #tpu.memory_space<vmem_shared>>
      tpu.wait_indirect_dma semaphore(%arg17 : memref<!tpu.dma_semaphore, #tpu.memory_space<semaphore_mem>>) src(%dma_wait3A_181 : memref<10240x16xf32, #tpu.memory_space<vmem_shared>>) dst(%arg9 : memref<80x16xf32, #tpu.memory_space<vmem>>)
      %dma_start3A_182 = arith.constant 0 : i32
      %dma_start3A_183 = tpu.memref_slice %arg6[%add3A_175, %dma_start3A_182] : memref<125x80xi32, #tpu.memory_space<vmem>> -> memref<1x80xi32, #tpu.memory_space<vmem>>
      %dma_start3A_184 = tpu.memref_squeeze %dma_start3A_183 : memref<1x80xi32, #tpu.memory_space<vmem>> -> memref<80xi32, #tpu.memory_space<vmem>>
      %dma_start3A_185 = arith.constant 0 : i32
      %dma_start3A_186 = arith.constant 0 : i32
      %dma_start3A_187 = tpu.memref_slice %arg12[%dma_start3A_185, %dma_start3A_186] : memref<10240x16xf32, #tpu.memory_space<vmem_shared>> -> memref<10240x16xf32, #tpu.memory_space<vmem_shared>>
      tpu.enqueue_indirect_dma source(%arg9 : memref<80x16xf32, #tpu.memory_space<vmem>>) target(%dma_start3A_187 : memref<10240x16xf32, #tpu.memory_space<vmem_shared>>) offsets(%dma_start3A_184 : memref<80xi32, #tpu.memory_space<vmem>>) semaphore(%arg21 : memref<!tpu.dma_semaphore, #tpu.memory_space<semaphore_mem>>) {add = true}
      %ge3A_188 = arith.constant 1 : i32
      %ge3A_189 = arith.cmpi sge, %add3A_175, %ge3A_188 : i32
      %convert_element_type3A_190 = arith.extui %ge3A_189 : i1 to i32
      %cond3A_191 = arith.constant 0 : i32
      %cond3A_192 = arith.cmpi ne, %convert_element_type3A_190, %cond3A_191 : i32
      scf.if %cond3A_192 {
        %dma_wait3A_228 = arith.constant 0 : i32
        %dma_wait3A_229 = arith.constant 0 : i32
        %dma_wait3A_230 = tpu.memref_slice %arg6[%dma_wait3A_228, %dma_wait3A_229] : memref<125x80xi32, #tpu.memory_space<vmem>> -> memref<1x80xi32, #tpu.memory_space<vmem>>
        %dma_wait3A_231 = tpu.memref_squeeze %dma_wait3A_230 : memref<1x80xi32, #tpu.memory_space<vmem>> -> memref<80xi32, #tpu.memory_space<vmem>>
        %dma_wait3A_232 = arith.constant 0 : i32
        %dma_wait3A_233 = arith.constant 0 : i32
        %dma_wait3A_234 = tpu.memref_slice %arg12[%dma_wait3A_232, %dma_wait3A_233] : memref<10240x16xf32, #tpu.memory_space<vmem_shared>> -> memref<10240x16xf32, #tpu.memory_space<vmem_shared>>
        tpu.wait_indirect_dma semaphore(%arg20 : memref<!tpu.dma_semaphore, #tpu.memory_space<semaphore_mem>>) src(%arg8 : memref<80x16xf32, #tpu.memory_space<vmem>>) dst(%dma_wait3A_234 : memref<10240x16xf32, #tpu.memory_space<vmem_shared>>)
      } else {
      }
      %add3A_193 = arith.constant 3 : i32
      %add3A_194 = arith.addi %add3A_175, %add3A_193 : i32
      %lt3A_195 = arith.constant 125 : i32
      %lt3A_196 = arith.cmpi slt, %add3A_194, %lt3A_195 : i32
      %convert_element_type3A_197 = arith.extui %lt3A_196 : i1 to i32
      %cond3A_198 = arith.constant 0 : i32
      %cond3A_199 = arith.cmpi ne, %convert_element_type3A_197, %cond3A_198 : i32
      scf.if %cond3A_199 {
        %add3A_228 = arith.constant 3 : i32
        %add3A_229 = arith.addi %add3A_175, %add3A_228 : i32
        %dma_start3A_230 = arith.constant 0 : i32
        %dma_start3A_231 = tpu.memref_slice %arg5[%add3A_229, %dma_start3A_230] : memref<125x80xi32, #tpu.memory_space<vmem>> -> memref<1x80xi32, #tpu.memory_space<vmem>>
        %dma_start3A_232 = tpu.memref_squeeze %dma_start3A_231 : memref<1x80xi32, #tpu.memory_space<vmem>> -> memref<80xi32, #tpu.memory_space<vmem>>
        %dma_start3A_233 = arith.constant 0 : i32
        %dma_start3A_234 = arith.constant 0 : i32
        %dma_start3A_235 = tpu.memref_slice %arg13[%dma_start3A_233, %dma_start3A_234] : memref<10240x16xf32, #tpu.memory_space<vmem_shared>> -> memref<10240x16xf32, #tpu.memory_space<vmem_shared>>
        tpu.enqueue_indirect_dma source(%dma_start3A_235 : memref<10240x16xf32, #tpu.memory_space<vmem_shared>>) target(%arg8 : memref<80x16xf32, #tpu.memory_space<vmem>>) offsets(%dma_start3A_232 : memref<80xi32, #tpu.memory_space<vmem>>) semaphore(%arg16 : memref<!tpu.dma_semaphore, #tpu.memory_space<semaphore_mem>>)
      } else {
      }
      %mul3A_200 = arith.constant 4 : i32
      %mul3A_201 = arith.muli %mul3A_200, %scan3A_119 : i32
      %add3A_202 = arith.constant 3 : i32
      %add3A_203 = arith.addi %mul3A_201, %add3A_202 : i32
      %dma_wait3A_204 = arith.constant 0 : i32
      %dma_wait3A_205 = tpu.memref_slice %arg5[%add3A_203, %dma_wait3A_204] : memref<125x80xi32, #tpu.memory_space<vmem>> -> memref<1x80xi32, #tpu.memory_space<vmem>>
      %dma_wait3A_206 = tpu.memref_squeeze %dma_wait3A_205 : memref<1x80xi32, #tpu.memory_space<vmem>> -> memref<80xi32, #tpu.memory_space<vmem>>
      %dma_wait3A_207 = arith.constant 0 : i32
      %dma_wait3A_208 = arith.constant 0 : i32
      %dma_wait3A_209 = tpu.memref_slice %arg13[%dma_wait3A_207, %dma_wait3A_208] : memref<10240x16xf32, #tpu.memory_space<vmem_shared>> -> memref<10240x16xf32, #tpu.memory_space<vmem_shared>>
      tpu.wait_indirect_dma semaphore(%arg18 : memref<!tpu.dma_semaphore, #tpu.memory_space<semaphore_mem>>) src(%dma_wait3A_209 : memref<10240x16xf32, #tpu.memory_space<vmem_shared>>) dst(%arg10 : memref<80x16xf32, #tpu.memory_space<vmem>>)
      %dma_start3A_210 = arith.constant 0 : i32
      %dma_start3A_211 = tpu.memref_slice %arg6[%add3A_203, %dma_start3A_210] : memref<125x80xi32, #tpu.memory_space<vmem>> -> memref<1x80xi32, #tpu.memory_space<vmem>>
      %dma_start3A_212 = tpu.memref_squeeze %dma_start3A_211 : memref<1x80xi32, #tpu.memory_space<vmem>> -> memref<80xi32, #tpu.memory_space<vmem>>
      %dma_start3A_213 = arith.constant 0 : i32
      %dma_start3A_214 = arith.constant 0 : i32
      %dma_start3A_215 = tpu.memref_slice %arg12[%dma_start3A_213, %dma_start3A_214] : memref<10240x16xf32, #tpu.memory_space<vmem_shared>> -> memref<10240x16xf32, #tpu.memory_space<vmem_shared>>
      tpu.enqueue_indirect_dma source(%arg10 : memref<80x16xf32, #tpu.memory_space<vmem>>) target(%dma_start3A_215 : memref<10240x16xf32, #tpu.memory_space<vmem_shared>>) offsets(%dma_start3A_212 : memref<80xi32, #tpu.memory_space<vmem>>) semaphore(%arg22 : memref<!tpu.dma_semaphore, #tpu.memory_space<semaphore_mem>>) {add = true}
      %ge3A_216 = arith.constant 1 : i32
      %ge3A_217 = arith.cmpi sge, %add3A_203, %ge3A_216 : i32
      %convert_element_type3A_218 = arith.extui %ge3A_217 : i1 to i32
      %cond3A_219 = arith.constant 0 : i32
      %cond3A_220 = arith.cmpi ne, %convert_element_type3A_218, %cond3A_219 : i32
      scf.if %cond3A_220 {
        %dma_wait3A_228 = arith.constant 0 : i32
        %dma_wait3A_229 = arith.constant 0 : i32
        %dma_wait3A_230 = tpu.memref_slice %arg6[%dma_wait3A_228, %dma_wait3A_229] : memref<125x80xi32, #tpu.memory_space<vmem>> -> memref<1x80xi32, #tpu.memory_space<vmem>>
        %dma_wait3A_231 = tpu.memref_squeeze %dma_wait3A_230 : memref<1x80xi32, #tpu.memory_space<vmem>> -> memref<80xi32, #tpu.memory_space<vmem>>
        %dma_wait3A_232 = arith.constant 0 : i32
        %dma_wait3A_233 = arith.constant 0 : i32
        %dma_wait3A_234 = tpu.memref_slice %arg12[%dma_wait3A_232, %dma_wait3A_233] : memref<10240x16xf32, #tpu.memory_space<vmem_shared>> -> memref<10240x16xf32, #tpu.memory_space<vmem_shared>>
        tpu.wait_indirect_dma semaphore(%arg21 : memref<!tpu.dma_semaphore, #tpu.memory_space<semaphore_mem>>) src(%arg9 : memref<80x16xf32, #tpu.memory_space<vmem>>) dst(%dma_wait3A_234 : memref<10240x16xf32, #tpu.memory_space<vmem_shared>>)
      } else {
      }
      %add3A_221 = arith.constant 3 : i32
      %add3A_222 = arith.addi %add3A_203, %add3A_221 : i32
      %lt3A_223 = arith.constant 125 : i32
      %lt3A_224 = arith.cmpi slt, %add3A_222, %lt3A_223 : i32
      %convert_element_type3A_225 = arith.extui %lt3A_224 : i1 to i32
      %cond3A_226 = arith.constant 0 : i32
      %cond3A_227 = arith.cmpi ne, %convert_element_type3A_225, %cond3A_226 : i32
      scf.if %cond3A_227 {
        %add3A_228 = arith.constant 3 : i32
        %add3A_229 = arith.addi %add3A_203, %add3A_228 : i32
        %dma_start3A_230 = arith.constant 0 : i32
        %dma_start3A_231 = tpu.memref_slice %arg5[%add3A_229, %dma_start3A_230] : memref<125x80xi32, #tpu.memory_space<vmem>> -> memref<1x80xi32, #tpu.memory_space<vmem>>
        %dma_start3A_232 = tpu.memref_squeeze %dma_start3A_231 : memref<1x80xi32, #tpu.memory_space<vmem>> -> memref<80xi32, #tpu.memory_space<vmem>>
        %dma_start3A_233 = arith.constant 0 : i32
        %dma_start3A_234 = arith.constant 0 : i32
        %dma_start3A_235 = tpu.memref_slice %arg13[%dma_start3A_233, %dma_start3A_234] : memref<10240x16xf32, #tpu.memory_space<vmem_shared>> -> memref<10240x16xf32, #tpu.memory_space<vmem_shared>>
        tpu.enqueue_indirect_dma source(%dma_start3A_235 : memref<10240x16xf32, #tpu.memory_space<vmem_shared>>) target(%arg9 : memref<80x16xf32, #tpu.memory_space<vmem>>) offsets(%dma_start3A_232 : memref<80xi32, #tpu.memory_space<vmem>>) semaphore(%arg17 : memref<!tpu.dma_semaphore, #tpu.memory_space<semaphore_mem>>)
      } else {
      }
    }
    %scan3A_85 = arith.constant 31 : i32
    %dma_wait3A_86 = arith.constant 124 : i32
    %dma_wait3A_87 = arith.constant 0 : i32
    %dma_wait3A_88 = tpu.memref_slice %arg5[%dma_wait3A_86, %dma_wait3A_87] : memref<125x80xi32, #tpu.memory_space<vmem>> -> memref<1x80xi32, #tpu.memory_space<vmem>>
    %dma_wait3A_89 = tpu.memref_squeeze %dma_wait3A_88 : memref<1x80xi32, #tpu.memory_space<vmem>> -> memref<80xi32, #tpu.memory_space<vmem>>
    %dma_wait3A_90 = arith.constant 0 : i32
    %dma_wait3A_91 = arith.constant 0 : i32
    %dma_wait3A_92 = tpu.memref_slice %arg13[%dma_wait3A_90, %dma_wait3A_91] : memref<10240x16xf32, #tpu.memory_space<vmem_shared>> -> memref<10240x16xf32, #tpu.memory_space<vmem_shared>>
    tpu.wait_indirect_dma semaphore(%arg15 : memref<!tpu.dma_semaphore, #tpu.memory_space<semaphore_mem>>) src(%dma_wait3A_92 : memref<10240x16xf32, #tpu.memory_space<vmem_shared>>) dst(%arg7 : memref<80x16xf32, #tpu.memory_space<vmem>>)
    %dma_start3A_93 = arith.constant 124 : i32
    %dma_start3A_94 = arith.constant 0 : i32
    %dma_start3A_95 = tpu.memref_slice %arg6[%dma_start3A_93, %dma_start3A_94] : memref<125x80xi32, #tpu.memory_space<vmem>> -> memref<1x80xi32, #tpu.memory_space<vmem>>
    %dma_start3A_96 = tpu.memref_squeeze %dma_start3A_95 : memref<1x80xi32, #tpu.memory_space<vmem>> -> memref<80xi32, #tpu.memory_space<vmem>>
    %dma_start3A_97 = arith.constant 0 : i32
    %dma_start3A_98 = arith.constant 0 : i32
    %dma_start3A_99 = tpu.memref_slice %arg12[%dma_start3A_97, %dma_start3A_98] : memref<10240x16xf32, #tpu.memory_space<vmem_shared>> -> memref<10240x16xf32, #tpu.memory_space<vmem_shared>>
    tpu.enqueue_indirect_dma source(%arg7 : memref<80x16xf32, #tpu.memory_space<vmem>>) target(%dma_start3A_99 : memref<10240x16xf32, #tpu.memory_space<vmem_shared>>) offsets(%dma_start3A_96 : memref<80xi32, #tpu.memory_space<vmem>>) semaphore(%arg19 : memref<!tpu.dma_semaphore, #tpu.memory_space<semaphore_mem>>) {add = true}
    %dma_wait3A_100 = arith.constant 0 : i32
    %dma_wait3A_101 = arith.constant 0 : i32
    %dma_wait3A_102 = tpu.memref_slice %arg6[%dma_wait3A_100, %dma_wait3A_101] : memref<125x80xi32, #tpu.memory_space<vmem>> -> memref<1x80xi32, #tpu.memory_space<vmem>>
    %dma_wait3A_103 = tpu.memref_squeeze %dma_wait3A_102 : memref<1x80xi32, #tpu.memory_space<vmem>> -> memref<80xi32, #tpu.memory_space<vmem>>
    %dma_wait3A_104 = arith.constant 0 : i32
    %dma_wait3A_105 = arith.constant 0 : i32
    %dma_wait3A_106 = tpu.memref_slice %arg12[%dma_wait3A_104, %dma_wait3A_105] : memref<10240x16xf32, #tpu.memory_space<vmem_shared>> -> memref<10240x16xf32, #tpu.memory_space<vmem_shared>>
    tpu.wait_indirect_dma semaphore(%arg22 : memref<!tpu.dma_semaphore, #tpu.memory_space<semaphore_mem>>) src(%arg10 : memref<80x16xf32, #tpu.memory_space<vmem>>) dst(%dma_wait3A_106 : memref<10240x16xf32, #tpu.memory_space<vmem_shared>>)
    %dma_wait3A_107 = arith.constant 0 : i32
    %dma_wait3A_108 = arith.constant 0 : i32
    %dma_wait3A_109 = tpu.memref_slice %arg6[%dma_wait3A_107, %dma_wait3A_108] : memref<125x80xi32, #tpu.memory_space<vmem>> -> memref<1x80xi32, #tpu.memory_space<vmem>>
    %dma_wait3A_110 = tpu.memref_squeeze %dma_wait3A_109 : memref<1x80xi32, #tpu.memory_space<vmem>> -> memref<80xi32, #tpu.memory_space<vmem>>
    %dma_wait3A_111 = arith.constant 0 : i32
    %dma_wait3A_112 = arith.constant 0 : i32
    %dma_wait3A_113 = tpu.memref_slice %arg12[%dma_wait3A_111, %dma_wait3A_112] : memref<10240x16xf32, #tpu.memory_space<vmem_shared>> -> memref<10240x16xf32, #tpu.memory_space<vmem_shared>>
    tpu.wait_indirect_dma semaphore(%arg19 : memref<!tpu.dma_semaphore, #tpu.memory_space<semaphore_mem>>) src(%arg7 : memref<80x16xf32, #tpu.memory_space<vmem>>) dst(%dma_wait3A_113 : memref<10240x16xf32, #tpu.memory_space<vmem_shared>>)
    %barrier3A_114 = arith.constant 0 : index
    tpu.barrier barrier_id(%barrier3A_114)
    %mul3A_115 = arith.constant 640 : i32
    %mul3A_116 = arith.muli %arg1, %mul3A_115 : i32
    %mul3A_117 = arith.constant 640 : i32
    %mul3A_118 = arith.muli %arg1, %mul3A_117 : i32
    "tpu.region"() ({
      %run_scoped3A = tpu.sem_alloc : memref<!tpu.dma_semaphore, #tpu.memory_space<semaphore_mem>>
      %dma_start3A_119 = arith.constant 0 : i32
      %dma_start3A_120 = tpu.memref_slice %arg4[%arg0, %mul3A_118, %dma_start3A_119] : memref<2x10240x16xf32, #tpu.memory_space<hbm>> -> memref<1x640x16xf32, #tpu.memory_space<hbm>>
      %dma_start3A_121 = tpu.memref_squeeze %dma_start3A_120 : memref<1x640x16xf32, #tpu.memory_space<hbm>> -> memref<640x16xf32, #tpu.memory_space<hbm>>
      %dma_start3A_122 = arith.constant 0 : i32
      %dma_start3A_123 = tpu.memref_slice %arg12[%mul3A_116, %dma_start3A_122] : memref<10240x16xf32, #tpu.memory_space<vmem_shared>> -> memref<640x16xf32, #tpu.memory_space<vmem_shared>>
      tpu.enqueue_dma source(%dma_start3A_123 : memref<640x16xf32, #tpu.memory_space<vmem_shared>>) target(%dma_start3A_121 : memref<640x16xf32, #tpu.memory_space<hbm>>) target_semaphore(%run_scoped3A : memref<!tpu.dma_semaphore, #tpu.memory_space<semaphore_mem>>)
      %dma_wait3A_124 = arith.constant 0 : i32
      %dma_wait3A_125 = tpu.memref_slice %arg4[%arg0, %mul3A_118, %dma_wait3A_124] : memref<2x10240x16xf32, #tpu.memory_space<hbm>> -> memref<1x640x16xf32, #tpu.memory_space<hbm>>
      %dma_wait3A_126 = tpu.memref_squeeze %dma_wait3A_125 : memref<1x640x16xf32, #tpu.memory_space<hbm>> -> memref<640x16xf32, #tpu.memory_space<hbm>>
      %dma_wait3A_127 = arith.constant 0 : i32
      %dma_wait3A_128 = tpu.memref_slice %arg12[%mul3A_116, %dma_wait3A_127] : memref<10240x16xf32, #tpu.memory_space<vmem_shared>> -> memref<640x16xf32, #tpu.memory_space<vmem_shared>>
      tpu.wait_dma2 semaphore(%run_scoped3A : memref<!tpu.dma_semaphore, #tpu.memory_space<semaphore_mem>>) src(%dma_wait3A_128 : memref<640x16xf32, #tpu.memory_space<vmem_shared>>) dst(%dma_wait3A_126 : memref<640x16xf32, #tpu.memory_space<hbm>>)
      tpu.yield
    }) : () -> ()
    return
  }
}

#map = affine_map<(d0, d1) -> (0, 0, 0, 0)>
#map1 = affine_map<(d0, d1) -> (0, 0)>
#map2 = affine_map<(d0, d1) -> (0)>
#map3 = affine_map<(d0, d1) -> (0, 0, 0)>
module attributes {stable_mosaic.version = 14 : i64} {
  func.func @_edge_kernel(%arg0: i32, %arg1: i32, %arg2: memref<2x32x125x80xi32, #tpu.memory_space<hbm>>, %arg3: memref<10240x64xf32, #tpu.memory_space<hbm>>, %arg4: memref<10240xf32, #tpu.memory_space<hbm>>, %arg5: memref<2x10240x64xf32, #tpu.memory_space<hbm>>, %arg6: memref<125x80xi32, #tpu.memory_space<vmem>>, %arg7: memref<125x80xi32, #tpu.memory_space<vmem>>, %arg8: memref<80x64xf32, #tpu.memory_space<vmem>>, %arg9: memref<80x64xf32, #tpu.memory_space<vmem>>, %arg10: memref<80x64xf32, #tpu.memory_space<vmem>>, %arg11: memref<80x64xf32, #tpu.memory_space<vmem>>, %arg12: memref<32x64xf32, #tpu.memory_space<vmem>>, %arg13: memref<640xf32, #tpu.memory_space<vmem>>, %arg14: memref<10240x64xf32, #tpu.memory_space<vmem_shared>>, %arg15: memref<10240x64xf32, #tpu.memory_space<vmem_shared>>, %arg16: memref<!tpu.dma_semaphore, #tpu.memory_space<semaphore_mem>>, %arg17: memref<!tpu.dma_semaphore, #tpu.memory_space<semaphore_mem>>, %arg18: memref<!tpu.dma_semaphore, #tpu.memory_space<semaphore_mem>>, %arg19: memref<!tpu.dma_semaphore, #tpu.memory_space<semaphore_mem>>, %arg20: memref<!tpu.dma_semaphore, #tpu.memory_space<semaphore_mem>>, %arg21: memref<!tpu.dma_semaphore, #tpu.memory_space<semaphore_mem>>, %arg22: memref<!tpu.dma_semaphore, #tpu.memory_space<semaphore_mem>>, %arg23: memref<!tpu.dma_semaphore, #tpu.memory_space<semaphore_mem>>, %arg24: memref<!tpu.dma_semaphore, #tpu.memory_space<semaphore_mem>>) attributes {dimension_semantics = [#tpu.dimension_semantics<core_parallel>, #tpu.dimension_semantics<subcore_parallel>], iteration_bounds = array<i64: 2, 16>, scalar_prefetch = 0 : i64, scratch_operands = 19 : i64, tpu.core_type = #tpu.core_type<sc_vector_subcore>, window_params = [{transform_indices = #map}, {transform_indices = #map1}, {transform_indices = #map2}, {transform_indices = #map3}]} {
    %mul3A = arith.constant 16 : i32
    %mul3A_0 = arith.muli %arg0, %mul3A : i32
    %add3A = arith.addi %mul3A_0, %arg1 : i32
    %dma_start3A = arith.constant 0 : i32
    %dma_start3A_1 = arith.constant 0 : i32
    %dma_start3A_2 = arith.constant 0 : i32
    %dma_start3A_3 = tpu.memref_slice %arg2[%dma_start3A, %add3A, %dma_start3A_1, %dma_start3A_2] : memref<2x32x125x80xi32, #tpu.memory_space<hbm>> -> memref<1x1x125x80xi32, #tpu.memory_space<hbm>>
    %dma_start3A_4 = tpu.memref_squeeze %dma_start3A_3 : memref<1x1x125x80xi32, #tpu.memory_space<hbm>> -> memref<125x80xi32, #tpu.memory_space<hbm>>
    %dma_start3A_5 = arith.constant 0 : i32
    %dma_start3A_6 = arith.constant 0 : i32
    %dma_start3A_7 = tpu.memref_slice %arg2[%dma_start3A, %add3A, %dma_start3A_5, %dma_start3A_6] : memref<2x32x125x80xi32, #tpu.memory_space<hbm>> -> memref<1x1x125x80xi32, #tpu.memory_space<hbm>>
    %dma_start3A_8 = tpu.memref_squeeze %dma_start3A_7 : memref<1x1x125x80xi32, #tpu.memory_space<hbm>> -> memref<125x80xi32, #tpu.memory_space<hbm>>
    tpu.enqueue_dma source(%dma_start3A_8 : memref<125x80xi32, #tpu.memory_space<hbm>>) target(%arg6 : memref<125x80xi32, #tpu.memory_space<vmem>>) target_semaphore(%arg16 : memref<!tpu.dma_semaphore, #tpu.memory_space<semaphore_mem>>)
    %dma_start3A_9 = arith.constant 1 : i32
    %dma_start3A_10 = arith.constant 0 : i32
    %dma_start3A_11 = arith.constant 0 : i32
    %dma_start3A_12 = tpu.memref_slice %arg2[%dma_start3A_9, %add3A, %dma_start3A_10, %dma_start3A_11] : memref<2x32x125x80xi32, #tpu.memory_space<hbm>> -> memref<1x1x125x80xi32, #tpu.memory_space<hbm>>
    %dma_start3A_13 = tpu.memref_squeeze %dma_start3A_12 : memref<1x1x125x80xi32, #tpu.memory_space<hbm>> -> memref<125x80xi32, #tpu.memory_space<hbm>>
    %dma_start3A_14 = arith.constant 0 : i32
    %dma_start3A_15 = arith.constant 0 : i32
    %dma_start3A_16 = tpu.memref_slice %arg2[%dma_start3A_9, %add3A, %dma_start3A_14, %dma_start3A_15] : memref<2x32x125x80xi32, #tpu.memory_space<hbm>> -> memref<1x1x125x80xi32, #tpu.memory_space<hbm>>
    %dma_start3A_17 = tpu.memref_squeeze %dma_start3A_16 : memref<1x1x125x80xi32, #tpu.memory_space<hbm>> -> memref<125x80xi32, #tpu.memory_space<hbm>>
    tpu.enqueue_dma source(%dma_start3A_17 : memref<125x80xi32, #tpu.memory_space<hbm>>) target(%arg7 : memref<125x80xi32, #tpu.memory_space<vmem>>) target_semaphore(%arg16 : memref<!tpu.dma_semaphore, #tpu.memory_space<semaphore_mem>>)
    %mul3A_18 = arith.constant 640 : i32
    %mul3A_19 = arith.muli %arg1, %mul3A_18 : i32
    %dma_start3A_20 = tpu.memref_slice %arg4[%mul3A_19] : memref<10240xf32, #tpu.memory_space<hbm>> -> memref<640xf32, #tpu.memory_space<hbm>>
    %dma_start3A_21 = tpu.memref_slice %arg4[%mul3A_19] : memref<10240xf32, #tpu.memory_space<hbm>> -> memref<640xf32, #tpu.memory_space<hbm>>
    tpu.enqueue_dma source(%dma_start3A_21 : memref<640xf32, #tpu.memory_space<hbm>>) target(%arg13 : memref<640xf32, #tpu.memory_space<vmem>>) target_semaphore(%arg16 : memref<!tpu.dma_semaphore, #tpu.memory_space<semaphore_mem>>)
    %broadcast_in_dim3A = arith.constant 0.000000e+00 : f32
    %broadcast_in_dim3A_22 = vector.broadcast %broadcast_in_dim3A : f32 to vector<16xf32>
    %scan3A = arith.constant 0 : i32
    %scan3A_23 = arith.constant 0 : i32
    %scan3A_24 = arith.constant 32 : i32
    %scan3A_25 = arith.addi %scan3A_23, %scan3A_24 : i32
    %scan3A_26 = arith.constant 1 : i32
    scf.for %scan3A_225 = %scan3A_23 to %scan3A_25 step %scan3A_26  : i32 {
      %swap3A = arith.index_cast %scan3A_225 : i32 to index
      %swap3A_226 = arith.constant 0 : index
      %swap3A_227 = tpu.vector_load %arg12[%swap3A, %swap3A_226] {strides = array<i32>} : memref<32x64xf32, #tpu.memory_space<vmem>>, vector<16xf32>,
      tpu.vector_store %arg12[%swap3A, %swap3A_226], %broadcast_in_dim3A_22 {strides = array<i32>} : memref<32x64xf32, #tpu.memory_space<vmem>>, vector<16xf32>,
      %swap3A_228 = arith.index_cast %scan3A_225 : i32 to index
      %swap3A_229 = arith.constant 16 : index
      %swap3A_230 = tpu.vector_load %arg12[%swap3A_228, %swap3A_229] {strides = array<i32>} : memref<32x64xf32, #tpu.memory_space<vmem>>, vector<16xf32>,
      tpu.vector_store %arg12[%swap3A_228, %swap3A_229], %broadcast_in_dim3A_22 {strides = array<i32>} : memref<32x64xf32, #tpu.memory_space<vmem>>, vector<16xf32>,
      %swap3A_231 = arith.index_cast %scan3A_225 : i32 to index
      %swap3A_232 = arith.constant 32 : index
      %swap3A_233 = tpu.vector_load %arg12[%swap3A_231, %swap3A_232] {strides = array<i32>} : memref<32x64xf32, #tpu.memory_space<vmem>>, vector<16xf32>,
      tpu.vector_store %arg12[%swap3A_231, %swap3A_232], %broadcast_in_dim3A_22 {strides = array<i32>} : memref<32x64xf32, #tpu.memory_space<vmem>>, vector<16xf32>,
      %swap3A_234 = arith.index_cast %scan3A_225 : i32 to index
      %swap3A_235 = arith.constant 48 : index
      %swap3A_236 = tpu.vector_load %arg12[%swap3A_234, %swap3A_235] {strides = array<i32>} : memref<32x64xf32, #tpu.memory_space<vmem>>, vector<16xf32>,
      tpu.vector_store %arg12[%swap3A_234, %swap3A_235], %broadcast_in_dim3A_22 {strides = array<i32>} : memref<32x64xf32, #tpu.memory_space<vmem>>, vector<16xf32>,
    }
    %scan3A_27 = arith.constant 32 : i32
    %scan3A_28 = arith.constant 0 : i32
    %scan3A_29 = arith.constant 0 : i32
    %scan3A_30 = arith.constant 20 : i32
    %scan3A_31 = arith.addi %scan3A_29, %scan3A_30 : i32
    %scan3A_32 = arith.constant 1 : i32
    scf.for %scan3A_225 = %scan3A_29 to %scan3A_31 step %scan3A_32  : i32 {
      %mul3A_226 = arith.constant 640 : i32
      %mul3A_227 = arith.muli %arg1, %mul3A_226 : i32
      %mul3A_228 = arith.constant 32 : i32
      %mul3A_229 = arith.muli %scan3A_225, %mul3A_228 : i32
      %add3A_230 = arith.addi %mul3A_227, %mul3A_229 : i32
      "tpu.region"() ({
        %run_scoped3A = tpu.sem_alloc : memref<!tpu.dma_semaphore, #tpu.memory_space<semaphore_mem>>
        %dma_start3A_231 = arith.constant 0 : i32
        %dma_start3A_232 = tpu.memref_slice %arg14[%add3A_230, %dma_start3A_231] : memref<10240x64xf32, #tpu.memory_space<vmem_shared>> -> memref<32x64xf32, #tpu.memory_space<vmem_shared>>
        %dma_start3A_233 = arith.constant 0 : i32
        %dma_start3A_234 = tpu.memref_slice %arg14[%add3A_230, %dma_start3A_233] : memref<10240x64xf32, #tpu.memory_space<vmem_shared>> -> memref<32x64xf32, #tpu.memory_space<vmem_shared>>
        tpu.enqueue_dma source(%arg12 : memref<32x64xf32, #tpu.memory_space<vmem>>) target(%dma_start3A_234 : memref<32x64xf32, #tpu.memory_space<vmem_shared>>) target_semaphore(%run_scoped3A : memref<!tpu.dma_semaphore, #tpu.memory_space<semaphore_mem>>)
        %dma_wait3A_235 = arith.constant 0 : i32
        %dma_wait3A_236 = tpu.memref_slice %arg14[%add3A_230, %dma_wait3A_235] : memref<10240x64xf32, #tpu.memory_space<vmem_shared>> -> memref<32x64xf32, #tpu.memory_space<vmem_shared>>
        %dma_wait3A_237 = arith.constant 0 : i32
        %dma_wait3A_238 = tpu.memref_slice %arg14[%add3A_230, %dma_wait3A_237] : memref<10240x64xf32, #tpu.memory_space<vmem_shared>> -> memref<32x64xf32, #tpu.memory_space<vmem_shared>>
        tpu.wait_dma2 semaphore(%run_scoped3A : memref<!tpu.dma_semaphore, #tpu.memory_space<semaphore_mem>>) src(%arg12 : memref<32x64xf32, #tpu.memory_space<vmem>>) dst(%dma_wait3A_238 : memref<32x64xf32, #tpu.memory_space<vmem_shared>>)
        tpu.yield
      }) : () -> ()
    }
    %scan3A_33 = arith.constant 20 : i32
    %dma_wait3A = arith.constant 0 : i32
    %dma_wait3A_34 = arith.constant 0 : i32
    %dma_wait3A_35 = arith.constant 0 : i32
    %dma_wait3A_36 = tpu.memref_slice %arg2[%dma_wait3A, %add3A, %dma_wait3A_34, %dma_wait3A_35] : memref<2x32x125x80xi32, #tpu.memory_space<hbm>> -> memref<1x1x125x80xi32, #tpu.memory_space<hbm>>
    %dma_wait3A_37 = tpu.memref_squeeze %dma_wait3A_36 : memref<1x1x125x80xi32, #tpu.memory_space<hbm>> -> memref<125x80xi32, #tpu.memory_space<hbm>>
    %dma_wait3A_38 = arith.constant 0 : i32
    %dma_wait3A_39 = arith.constant 0 : i32
    %dma_wait3A_40 = tpu.memref_slice %arg2[%dma_wait3A, %add3A, %dma_wait3A_38, %dma_wait3A_39] : memref<2x32x125x80xi32, #tpu.memory_space<hbm>> -> memref<1x1x125x80xi32, #tpu.memory_space<hbm>>
    %dma_wait3A_41 = tpu.memref_squeeze %dma_wait3A_40 : memref<1x1x125x80xi32, #tpu.memory_space<hbm>> -> memref<125x80xi32, #tpu.memory_space<hbm>>
    tpu.wait_dma2 semaphore(%arg16 : memref<!tpu.dma_semaphore, #tpu.memory_space<semaphore_mem>>) src(%dma_wait3A_41 : memref<125x80xi32, #tpu.memory_space<hbm>>) dst(%arg6 : memref<125x80xi32, #tpu.memory_space<vmem>>)
    %dma_wait3A_42 = arith.constant 1 : i32
    %dma_wait3A_43 = arith.constant 0 : i32
    %dma_wait3A_44 = arith.constant 0 : i32
    %dma_wait3A_45 = tpu.memref_slice %arg2[%dma_wait3A_42, %add3A, %dma_wait3A_43, %dma_wait3A_44] : memref<2x32x125x80xi32, #tpu.memory_space<hbm>> -> memref<1x1x125x80xi32, #tpu.memory_space<hbm>>
    %dma_wait3A_46 = tpu.memref_squeeze %dma_wait3A_45 : memref<1x1x125x80xi32, #tpu.memory_space<hbm>> -> memref<125x80xi32, #tpu.memory_space<hbm>>
    %dma_wait3A_47 = arith.constant 0 : i32
    %dma_wait3A_48 = arith.constant 0 : i32
    %dma_wait3A_49 = tpu.memref_slice %arg2[%dma_wait3A_42, %add3A, %dma_wait3A_47, %dma_wait3A_48] : memref<2x32x125x80xi32, #tpu.memory_space<hbm>> -> memref<1x1x125x80xi32, #tpu.memory_space<hbm>>
    %dma_wait3A_50 = tpu.memref_squeeze %dma_wait3A_49 : memref<1x1x125x80xi32, #tpu.memory_space<hbm>> -> memref<125x80xi32, #tpu.memory_space<hbm>>
    tpu.wait_dma2 semaphore(%arg16 : memref<!tpu.dma_semaphore, #tpu.memory_space<semaphore_mem>>) src(%dma_wait3A_50 : memref<125x80xi32, #tpu.memory_space<hbm>>) dst(%arg7 : memref<125x80xi32, #tpu.memory_space<vmem>>)
    %dma_wait3A_51 = tpu.memref_slice %arg4[%mul3A_19] : memref<10240xf32, #tpu.memory_space<hbm>> -> memref<640xf32, #tpu.memory_space<hbm>>
    %dma_wait3A_52 = tpu.memref_slice %arg4[%mul3A_19] : memref<10240xf32, #tpu.memory_space<hbm>> -> memref<640xf32, #tpu.memory_space<hbm>>
    tpu.wait_dma2 semaphore(%arg16 : memref<!tpu.dma_semaphore, #tpu.memory_space<semaphore_mem>>) src(%dma_wait3A_52 : memref<640xf32, #tpu.memory_space<hbm>>) dst(%arg13 : memref<640xf32, #tpu.memory_space<vmem>>)
    %mul3A_53 = arith.constant 640 : i32
    %mul3A_54 = arith.muli %arg1, %mul3A_53 : i32
    %add3A_55 = arith.constant 0 : i32
    %add3A_56 = arith.addi %mul3A_54, %add3A_55 : i32
    "tpu.region"() ({
      %run_scoped3A = tpu.sem_alloc : memref<!tpu.dma_semaphore, #tpu.memory_space<semaphore_mem>>
      %dma_start3A_225 = arith.constant 0 : i32
      %dma_start3A_226 = tpu.memref_slice %arg3[%add3A_56, %dma_start3A_225] : memref<10240x64xf32, #tpu.memory_space<hbm>> -> memref<80x64xf32, #tpu.memory_space<hbm>>
      %dma_start3A_227 = arith.constant 0 : i32
      %dma_start3A_228 = tpu.memref_slice %arg3[%add3A_56, %dma_start3A_227] : memref<10240x64xf32, #tpu.memory_space<hbm>> -> memref<80x64xf32, #tpu.memory_space<hbm>>
      tpu.enqueue_dma source(%dma_start3A_228 : memref<80x64xf32, #tpu.memory_space<hbm>>) target(%arg8 : memref<80x64xf32, #tpu.memory_space<vmem>>) target_semaphore(%run_scoped3A : memref<!tpu.dma_semaphore, #tpu.memory_space<semaphore_mem>>)
      %dma_wait3A_229 = arith.constant 0 : i32
      %dma_wait3A_230 = tpu.memref_slice %arg3[%add3A_56, %dma_wait3A_229] : memref<10240x64xf32, #tpu.memory_space<hbm>> -> memref<80x64xf32, #tpu.memory_space<hbm>>
      %dma_wait3A_231 = arith.constant 0 : i32
      %dma_wait3A_232 = tpu.memref_slice %arg3[%add3A_56, %dma_wait3A_231] : memref<10240x64xf32, #tpu.memory_space<hbm>> -> memref<80x64xf32, #tpu.memory_space<hbm>>
      tpu.wait_dma2 semaphore(%run_scoped3A : memref<!tpu.dma_semaphore, #tpu.memory_space<semaphore_mem>>) src(%dma_wait3A_232 : memref<80x64xf32, #tpu.memory_space<hbm>>) dst(%arg8 : memref<80x64xf32, #tpu.memory_space<vmem>>)
      tpu.yield
    }) : () -> ()
    %scan3A_57 = arith.constant 0 : i32
    %scan3A_58 = arith.constant 0 : i32
    %scan3A_59 = arith.constant 80 : i32
    %scan3A_60 = arith.addi %scan3A_58, %scan3A_59 : i32
    %scan3A_61 = arith.constant 1 : i32
    scf.for %scan3A_225 = %scan3A_58 to %scan3A_60 step %scan3A_61  : i32 {
      %add3A_226 = arith.constant 0 : i32
      %add3A_227 = arith.addi %add3A_226, %scan3A_225 : i32
      %broadcast_in_dim3A_228 = vector.broadcast %add3A_227 : i32 to vector<16xi32>
      %gather3A = tpu.vector_load_idx %arg13[%broadcast_in_dim3A_228] : memref<640xf32, #tpu.memory_space<vmem>>[vector<16xi32>], vector<16xf32>,
      %get3A = arith.index_cast %scan3A_225 : i32 to index
      %get3A_229 = arith.constant 0 : index
      %get3A_230 = tpu.vector_load %arg8[%get3A, %get3A_229] {strides = array<i32>} : memref<80x64xf32, #tpu.memory_space<vmem>>, vector<16xf32>,
      %mul3A_231 = arith.mulf %get3A_230, %gather3A : vector<16xf32>
      %swap3A = arith.index_cast %scan3A_225 : i32 to index
      %swap3A_232 = arith.constant 0 : index
      %swap3A_233 = tpu.vector_load %arg8[%swap3A, %swap3A_232] {strides = array<i32>} : memref<80x64xf32, #tpu.memory_space<vmem>>, vector<16xf32>,
      tpu.vector_store %arg8[%swap3A, %swap3A_232], %mul3A_231 {strides = array<i32>} : memref<80x64xf32, #tpu.memory_space<vmem>>, vector<16xf32>,
      %get3A_234 = arith.index_cast %scan3A_225 : i32 to index
      %get3A_235 = arith.constant 16 : index
      %get3A_236 = tpu.vector_load %arg8[%get3A_234, %get3A_235] {strides = array<i32>} : memref<80x64xf32, #tpu.memory_space<vmem>>, vector<16xf32>,
      %mul3A_237 = arith.mulf %get3A_236, %gather3A : vector<16xf32>
      %swap3A_238 = arith.index_cast %scan3A_225 : i32 to index
      %swap3A_239 = arith.constant 16 : index
      %swap3A_240 = tpu.vector_load %arg8[%swap3A_238, %swap3A_239] {strides = array<i32>} : memref<80x64xf32, #tpu.memory_space<vmem>>, vector<16xf32>,
      tpu.vector_store %arg8[%swap3A_238, %swap3A_239], %mul3A_237 {strides = array<i32>} : memref<80x64xf32, #tpu.memory_space<vmem>>, vector<16xf32>,
      %get3A_241 = arith.index_cast %scan3A_225 : i32 to index
      %get3A_242 = arith.constant 32 : index
      %get3A_243 = tpu.vector_load %arg8[%get3A_241, %get3A_242] {strides = array<i32>} : memref<80x64xf32, #tpu.memory_space<vmem>>, vector<16xf32>,
      %mul3A_244 = arith.mulf %get3A_243, %gather3A : vector<16xf32>
      %swap3A_245 = arith.index_cast %scan3A_225 : i32 to index
      %swap3A_246 = arith.constant 32 : index
      %swap3A_247 = tpu.vector_load %arg8[%swap3A_245, %swap3A_246] {strides = array<i32>} : memref<80x64xf32, #tpu.memory_space<vmem>>, vector<16xf32>,
      tpu.vector_store %arg8[%swap3A_245, %swap3A_246], %mul3A_244 {strides = array<i32>} : memref<80x64xf32, #tpu.memory_space<vmem>>, vector<16xf32>,
      %get3A_248 = arith.index_cast %scan3A_225 : i32 to index
      %get3A_249 = arith.constant 48 : index
      %get3A_250 = tpu.vector_load %arg8[%get3A_248, %get3A_249] {strides = array<i32>} : memref<80x64xf32, #tpu.memory_space<vmem>>, vector<16xf32>,
      %mul3A_251 = arith.mulf %get3A_250, %gather3A : vector<16xf32>
      %swap3A_252 = arith.index_cast %scan3A_225 : i32 to index
      %swap3A_253 = arith.constant 48 : index
      %swap3A_254 = tpu.vector_load %arg8[%swap3A_252, %swap3A_253] {strides = array<i32>} : memref<80x64xf32, #tpu.memory_space<vmem>>, vector<16xf32>,
      tpu.vector_store %arg8[%swap3A_252, %swap3A_253], %mul3A_251 {strides = array<i32>} : memref<80x64xf32, #tpu.memory_space<vmem>>, vector<16xf32>,
    }
    %scan3A_62 = arith.constant 80 : i32
    %mul3A_63 = arith.constant 640 : i32
    %mul3A_64 = arith.muli %arg1, %mul3A_63 : i32
    %add3A_65 = arith.constant 0 : i32
    %add3A_66 = arith.addi %mul3A_64, %add3A_65 : i32
    "tpu.region"() ({
      %run_scoped3A = tpu.sem_alloc : memref<!tpu.dma_semaphore, #tpu.memory_space<semaphore_mem>>
      %dma_start3A_225 = arith.constant 0 : i32
      %dma_start3A_226 = tpu.memref_slice %arg15[%add3A_66, %dma_start3A_225] : memref<10240x64xf32, #tpu.memory_space<vmem_shared>> -> memref<80x64xf32, #tpu.memory_space<vmem_shared>>
      %dma_start3A_227 = arith.constant 0 : i32
      %dma_start3A_228 = tpu.memref_slice %arg15[%add3A_66, %dma_start3A_227] : memref<10240x64xf32, #tpu.memory_space<vmem_shared>> -> memref<80x64xf32, #tpu.memory_space<vmem_shared>>
      tpu.enqueue_dma source(%arg8 : memref<80x64xf32, #tpu.memory_space<vmem>>) target(%dma_start3A_228 : memref<80x64xf32, #tpu.memory_space<vmem_shared>>) target_semaphore(%run_scoped3A : memref<!tpu.dma_semaphore, #tpu.memory_space<semaphore_mem>>)
      %dma_wait3A_229 = arith.constant 0 : i32
      %dma_wait3A_230 = tpu.memref_slice %arg15[%add3A_66, %dma_wait3A_229] : memref<10240x64xf32, #tpu.memory_space<vmem_shared>> -> memref<80x64xf32, #tpu.memory_space<vmem_shared>>
      %dma_wait3A_231 = arith.constant 0 : i32
      %dma_wait3A_232 = tpu.memref_slice %arg15[%add3A_66, %dma_wait3A_231] : memref<10240x64xf32, #tpu.memory_space<vmem_shared>> -> memref<80x64xf32, #tpu.memory_space<vmem_shared>>
      tpu.wait_dma2 semaphore(%run_scoped3A : memref<!tpu.dma_semaphore, #tpu.memory_space<semaphore_mem>>) src(%arg8 : memref<80x64xf32, #tpu.memory_space<vmem>>) dst(%dma_wait3A_232 : memref<80x64xf32, #tpu.memory_space<vmem_shared>>)
      tpu.yield
    }) : () -> ()
    %mul3A_67 = arith.constant 640 : i32
    %mul3A_68 = arith.muli %arg1, %mul3A_67 : i32
    %add3A_69 = arith.constant 80 : i32
    %add3A_70 = arith.addi %mul3A_68, %add3A_69 : i32
    "tpu.region"() ({
      %run_scoped3A = tpu.sem_alloc : memref<!tpu.dma_semaphore, #tpu.memory_space<semaphore_mem>>
      %dma_start3A_225 = arith.constant 0 : i32
      %dma_start3A_226 = tpu.memref_slice %arg3[%add3A_70, %dma_start3A_225] : memref<10240x64xf32, #tpu.memory_space<hbm>> -> memref<80x64xf32, #tpu.memory_space<hbm>>
      %dma_start3A_227 = arith.constant 0 : i32
      %dma_start3A_228 = tpu.memref_slice %arg3[%add3A_70, %dma_start3A_227] : memref<10240x64xf32, #tpu.memory_space<hbm>> -> memref<80x64xf32, #tpu.memory_space<hbm>>
      tpu.enqueue_dma source(%dma_start3A_228 : memref<80x64xf32, #tpu.memory_space<hbm>>) target(%arg9 : memref<80x64xf32, #tpu.memory_space<vmem>>) target_semaphore(%run_scoped3A : memref<!tpu.dma_semaphore, #tpu.memory_space<semaphore_mem>>)
      %dma_wait3A_229 = arith.constant 0 : i32
      %dma_wait3A_230 = tpu.memref_slice %arg3[%add3A_70, %dma_wait3A_229] : memref<10240x64xf32, #tpu.memory_space<hbm>> -> memref<80x64xf32, #tpu.memory_space<hbm>>
      %dma_wait3A_231 = arith.constant 0 : i32
      %dma_wait3A_232 = tpu.memref_slice %arg3[%add3A_70, %dma_wait3A_231] : memref<10240x64xf32, #tpu.memory_space<hbm>> -> memref<80x64xf32, #tpu.memory_space<hbm>>
      tpu.wait_dma2 semaphore(%run_scoped3A : memref<!tpu.dma_semaphore, #tpu.memory_space<semaphore_mem>>) src(%dma_wait3A_232 : memref<80x64xf32, #tpu.memory_space<hbm>>) dst(%arg9 : memref<80x64xf32, #tpu.memory_space<vmem>>)
      tpu.yield
    }) : () -> ()
    %scan3A_71 = arith.constant 0 : i32
    %scan3A_72 = arith.constant 0 : i32
    %scan3A_73 = arith.constant 80 : i32
    %scan3A_74 = arith.addi %scan3A_72, %scan3A_73 : i32
    %scan3A_75 = arith.constant 1 : i32
    scf.for %scan3A_225 = %scan3A_72 to %scan3A_74 step %scan3A_75  : i32 {
      %add3A_226 = arith.constant 80 : i32
      %add3A_227 = arith.addi %add3A_226, %scan3A_225 : i32
      %broadcast_in_dim3A_228 = vector.broadcast %add3A_227 : i32 to vector<16xi32>
      %gather3A = tpu.vector_load_idx %arg13[%broadcast_in_dim3A_228] : memref<640xf32, #tpu.memory_space<vmem>>[vector<16xi32>], vector<16xf32>,
      %get3A = arith.index_cast %scan3A_225 : i32 to index
      %get3A_229 = arith.constant 0 : index
      %get3A_230 = tpu.vector_load %arg9[%get3A, %get3A_229] {strides = array<i32>} : memref<80x64xf32, #tpu.memory_space<vmem>>, vector<16xf32>,
      %mul3A_231 = arith.mulf %get3A_230, %gather3A : vector<16xf32>
      %swap3A = arith.index_cast %scan3A_225 : i32 to index
      %swap3A_232 = arith.constant 0 : index
      %swap3A_233 = tpu.vector_load %arg9[%swap3A, %swap3A_232] {strides = array<i32>} : memref<80x64xf32, #tpu.memory_space<vmem>>, vector<16xf32>,
      tpu.vector_store %arg9[%swap3A, %swap3A_232], %mul3A_231 {strides = array<i32>} : memref<80x64xf32, #tpu.memory_space<vmem>>, vector<16xf32>,
      %get3A_234 = arith.index_cast %scan3A_225 : i32 to index
      %get3A_235 = arith.constant 16 : index
      %get3A_236 = tpu.vector_load %arg9[%get3A_234, %get3A_235] {strides = array<i32>} : memref<80x64xf32, #tpu.memory_space<vmem>>, vector<16xf32>,
      %mul3A_237 = arith.mulf %get3A_236, %gather3A : vector<16xf32>
      %swap3A_238 = arith.index_cast %scan3A_225 : i32 to index
      %swap3A_239 = arith.constant 16 : index
      %swap3A_240 = tpu.vector_load %arg9[%swap3A_238, %swap3A_239] {strides = array<i32>} : memref<80x64xf32, #tpu.memory_space<vmem>>, vector<16xf32>,
      tpu.vector_store %arg9[%swap3A_238, %swap3A_239], %mul3A_237 {strides = array<i32>} : memref<80x64xf32, #tpu.memory_space<vmem>>, vector<16xf32>,
      %get3A_241 = arith.index_cast %scan3A_225 : i32 to index
      %get3A_242 = arith.constant 32 : index
      %get3A_243 = tpu.vector_load %arg9[%get3A_241, %get3A_242] {strides = array<i32>} : memref<80x64xf32, #tpu.memory_space<vmem>>, vector<16xf32>,
      %mul3A_244 = arith.mulf %get3A_243, %gather3A : vector<16xf32>
      %swap3A_245 = arith.index_cast %scan3A_225 : i32 to index
      %swap3A_246 = arith.constant 32 : index
      %swap3A_247 = tpu.vector_load %arg9[%swap3A_245, %swap3A_246] {strides = array<i32>} : memref<80x64xf32, #tpu.memory_space<vmem>>, vector<16xf32>,
      tpu.vector_store %arg9[%swap3A_245, %swap3A_246], %mul3A_244 {strides = array<i32>} : memref<80x64xf32, #tpu.memory_space<vmem>>, vector<16xf32>,
      %get3A_248 = arith.index_cast %scan3A_225 : i32 to index
      %get3A_249 = arith.constant 48 : index
      %get3A_250 = tpu.vector_load %arg9[%get3A_248, %get3A_249] {strides = array<i32>} : memref<80x64xf32, #tpu.memory_space<vmem>>, vector<16xf32>,
      %mul3A_251 = arith.mulf %get3A_250, %gather3A : vector<16xf32>
      %swap3A_252 = arith.index_cast %scan3A_225 : i32 to index
      %swap3A_253 = arith.constant 48 : index
      %swap3A_254 = tpu.vector_load %arg9[%swap3A_252, %swap3A_253] {strides = array<i32>} : memref<80x64xf32, #tpu.memory_space<vmem>>, vector<16xf32>,
      tpu.vector_store %arg9[%swap3A_252, %swap3A_253], %mul3A_251 {strides = array<i32>} : memref<80x64xf32, #tpu.memory_space<vmem>>, vector<16xf32>,
    }
    %scan3A_76 = arith.constant 80 : i32
    %mul3A_77 = arith.constant 640 : i32
    %mul3A_78 = arith.muli %arg1, %mul3A_77 : i32
    %add3A_79 = arith.constant 80 : i32
    %add3A_80 = arith.addi %mul3A_78, %add3A_79 : i32
    "tpu.region"() ({
      %run_scoped3A = tpu.sem_alloc : memref<!tpu.dma_semaphore, #tpu.memory_space<semaphore_mem>>
      %dma_start3A_225 = arith.constant 0 : i32
      %dma_start3A_226 = tpu.memref_slice %arg15[%add3A_80, %dma_start3A_225] : memref<10240x64xf32, #tpu.memory_space<vmem_shared>> -> memref<80x64xf32, #tpu.memory_space<vmem_shared>>
      %dma_start3A_227 = arith.constant 0 : i32
      %dma_start3A_228 = tpu.memref_slice %arg15[%add3A_80, %dma_start3A_227] : memref<10240x64xf32, #tpu.memory_space<vmem_shared>> -> memref<80x64xf32, #tpu.memory_space<vmem_shared>>
      tpu.enqueue_dma source(%arg9 : memref<80x64xf32, #tpu.memory_space<vmem>>) target(%dma_start3A_228 : memref<80x64xf32, #tpu.memory_space<vmem_shared>>) target_semaphore(%run_scoped3A : memref<!tpu.dma_semaphore, #tpu.memory_space<semaphore_mem>>)
      %dma_wait3A_229 = arith.constant 0 : i32
      %dma_wait3A_230 = tpu.memref_slice %arg15[%add3A_80, %dma_wait3A_229] : memref<10240x64xf32, #tpu.memory_space<vmem_shared>> -> memref<80x64xf32, #tpu.memory_space<vmem_shared>>
      %dma_wait3A_231 = arith.constant 0 : i32
      %dma_wait3A_232 = tpu.memref_slice %arg15[%add3A_80, %dma_wait3A_231] : memref<10240x64xf32, #tpu.memory_space<vmem_shared>> -> memref<80x64xf32, #tpu.memory_space<vmem_shared>>
      tpu.wait_dma2 semaphore(%run_scoped3A : memref<!tpu.dma_semaphore, #tpu.memory_space<semaphore_mem>>) src(%arg9 : memref<80x64xf32, #tpu.memory_space<vmem>>) dst(%dma_wait3A_232 : memref<80x64xf32, #tpu.memory_space<vmem_shared>>)
      tpu.yield
    }) : () -> ()
    %mul3A_81 = arith.constant 640 : i32
    %mul3A_82 = arith.muli %arg1, %mul3A_81 : i32
    %add3A_83 = arith.constant 160 : i32
    %add3A_84 = arith.addi %mul3A_82, %add3A_83 : i32
    "tpu.region"() ({
      %run_scoped3A = tpu.sem_alloc : memref<!tpu.dma_semaphore, #tpu.memory_space<semaphore_mem>>
      %dma_start3A_225 = arith.constant 0 : i32
      %dma_start3A_226 = tpu.memref_slice %arg3[%add3A_84, %dma_start3A_225] : memref<10240x64xf32, #tpu.memory_space<hbm>> -> memref<80x64xf32, #tpu.memory_space<hbm>>
      %dma_start3A_227 = arith.constant 0 : i32
      %dma_start3A_228 = tpu.memref_slice %arg3[%add3A_84, %dma_start3A_227] : memref<10240x64xf32, #tpu.memory_space<hbm>> -> memref<80x64xf32, #tpu.memory_space<hbm>>
      tpu.enqueue_dma source(%dma_start3A_228 : memref<80x64xf32, #tpu.memory_space<hbm>>) target(%arg8 : memref<80x64xf32, #tpu.memory_space<vmem>>) target_semaphore(%run_scoped3A : memref<!tpu.dma_semaphore, #tpu.memory_space<semaphore_mem>>)
      %dma_wait3A_229 = arith.constant 0 : i32
      %dma_wait3A_230 = tpu.memref_slice %arg3[%add3A_84, %dma_wait3A_229] : memref<10240x64xf32, #tpu.memory_space<hbm>> -> memref<80x64xf32, #tpu.memory_space<hbm>>
      %dma_wait3A_231 = arith.constant 0 : i32
      %dma_wait3A_232 = tpu.memref_slice %arg3[%add3A_84, %dma_wait3A_231] : memref<10240x64xf32, #tpu.memory_space<hbm>> -> memref<80x64xf32, #tpu.memory_space<hbm>>
      tpu.wait_dma2 semaphore(%run_scoped3A : memref<!tpu.dma_semaphore, #tpu.memory_space<semaphore_mem>>) src(%dma_wait3A_232 : memref<80x64xf32, #tpu.memory_space<hbm>>) dst(%arg8 : memref<80x64xf32, #tpu.memory_space<vmem>>)
      tpu.yield
    }) : () -> ()
    %scan3A_85 = arith.constant 0 : i32
    %scan3A_86 = arith.constant 0 : i32
    %scan3A_87 = arith.constant 80 : i32
    %scan3A_88 = arith.addi %scan3A_86, %scan3A_87 : i32
    %scan3A_89 = arith.constant 1 : i32
    scf.for %scan3A_225 = %scan3A_86 to %scan3A_88 step %scan3A_89  : i32 {
      %add3A_226 = arith.constant 160 : i32
      %add3A_227 = arith.addi %add3A_226, %scan3A_225 : i32
      %broadcast_in_dim3A_228 = vector.broadcast %add3A_227 : i32 to vector<16xi32>
      %gather3A = tpu.vector_load_idx %arg13[%broadcast_in_dim3A_228] : memref<640xf32, #tpu.memory_space<vmem>>[vector<16xi32>], vector<16xf32>,
      %get3A = arith.index_cast %scan3A_225 : i32 to index
      %get3A_229 = arith.constant 0 : index
      %get3A_230 = tpu.vector_load %arg8[%get3A, %get3A_229] {strides = array<i32>} : memref<80x64xf32, #tpu.memory_space<vmem>>, vector<16xf32>,
      %mul3A_231 = arith.mulf %get3A_230, %gather3A : vector<16xf32>
      %swap3A = arith.index_cast %scan3A_225 : i32 to index
      %swap3A_232 = arith.constant 0 : index
      %swap3A_233 = tpu.vector_load %arg8[%swap3A, %swap3A_232] {strides = array<i32>} : memref<80x64xf32, #tpu.memory_space<vmem>>, vector<16xf32>,
      tpu.vector_store %arg8[%swap3A, %swap3A_232], %mul3A_231 {strides = array<i32>} : memref<80x64xf32, #tpu.memory_space<vmem>>, vector<16xf32>,
      %get3A_234 = arith.index_cast %scan3A_225 : i32 to index
      %get3A_235 = arith.constant 16 : index
      %get3A_236 = tpu.vector_load %arg8[%get3A_234, %get3A_235] {strides = array<i32>} : memref<80x64xf32, #tpu.memory_space<vmem>>, vector<16xf32>,
      %mul3A_237 = arith.mulf %get3A_236, %gather3A : vector<16xf32>
      %swap3A_238 = arith.index_cast %scan3A_225 : i32 to index
      %swap3A_239 = arith.constant 16 : index
      %swap3A_240 = tpu.vector_load %arg8[%swap3A_238, %swap3A_239] {strides = array<i32>} : memref<80x64xf32, #tpu.memory_space<vmem>>, vector<16xf32>,
      tpu.vector_store %arg8[%swap3A_238, %swap3A_239], %mul3A_237 {strides = array<i32>} : memref<80x64xf32, #tpu.memory_space<vmem>>, vector<16xf32>,
      %get3A_241 = arith.index_cast %scan3A_225 : i32 to index
      %get3A_242 = arith.constant 32 : index
      %get3A_243 = tpu.vector_load %arg8[%get3A_241, %get3A_242] {strides = array<i32>} : memref<80x64xf32, #tpu.memory_space<vmem>>, vector<16xf32>,
      %mul3A_244 = arith.mulf %get3A_243, %gather3A : vector<16xf32>
      %swap3A_245 = arith.index_cast %scan3A_225 : i32 to index
      %swap3A_246 = arith.constant 32 : index
      %swap3A_247 = tpu.vector_load %arg8[%swap3A_245, %swap3A_246] {strides = array<i32>} : memref<80x64xf32, #tpu.memory_space<vmem>>, vector<16xf32>,
      tpu.vector_store %arg8[%swap3A_245, %swap3A_246], %mul3A_244 {strides = array<i32>} : memref<80x64xf32, #tpu.memory_space<vmem>>, vector<16xf32>,
      %get3A_248 = arith.index_cast %scan3A_225 : i32 to index
      %get3A_249 = arith.constant 48 : index
      %get3A_250 = tpu.vector_load %arg8[%get3A_248, %get3A_249] {strides = array<i32>} : memref<80x64xf32, #tpu.memory_space<vmem>>, vector<16xf32>,
      %mul3A_251 = arith.mulf %get3A_250, %gather3A : vector<16xf32>
      %swap3A_252 = arith.index_cast %scan3A_225 : i32 to index
      %swap3A_253 = arith.constant 48 : index
      %swap3A_254 = tpu.vector_load %arg8[%swap3A_252, %swap3A_253] {strides = array<i32>} : memref<80x64xf32, #tpu.memory_space<vmem>>, vector<16xf32>,
      tpu.vector_store %arg8[%swap3A_252, %swap3A_253], %mul3A_251 {strides = array<i32>} : memref<80x64xf32, #tpu.memory_space<vmem>>, vector<16xf32>,
    }
    %scan3A_90 = arith.constant 80 : i32
    %mul3A_91 = arith.constant 640 : i32
    %mul3A_92 = arith.muli %arg1, %mul3A_91 : i32
    %add3A_93 = arith.constant 160 : i32
    %add3A_94 = arith.addi %mul3A_92, %add3A_93 : i32
    "tpu.region"() ({
      %run_scoped3A = tpu.sem_alloc : memref<!tpu.dma_semaphore, #tpu.memory_space<semaphore_mem>>
      %dma_start3A_225 = arith.constant 0 : i32
      %dma_start3A_226 = tpu.memref_slice %arg15[%add3A_94, %dma_start3A_225] : memref<10240x64xf32, #tpu.memory_space<vmem_shared>> -> memref<80x64xf32, #tpu.memory_space<vmem_shared>>
      %dma_start3A_227 = arith.constant 0 : i32
      %dma_start3A_228 = tpu.memref_slice %arg15[%add3A_94, %dma_start3A_227] : memref<10240x64xf32, #tpu.memory_space<vmem_shared>> -> memref<80x64xf32, #tpu.memory_space<vmem_shared>>
      tpu.enqueue_dma source(%arg8 : memref<80x64xf32, #tpu.memory_space<vmem>>) target(%dma_start3A_228 : memref<80x64xf32, #tpu.memory_space<vmem_shared>>) target_semaphore(%run_scoped3A : memref<!tpu.dma_semaphore, #tpu.memory_space<semaphore_mem>>)
      %dma_wait3A_229 = arith.constant 0 : i32
      %dma_wait3A_230 = tpu.memref_slice %arg15[%add3A_94, %dma_wait3A_229] : memref<10240x64xf32, #tpu.memory_space<vmem_shared>> -> memref<80x64xf32, #tpu.memory_space<vmem_shared>>
      %dma_wait3A_231 = arith.constant 0 : i32
      %dma_wait3A_232 = tpu.memref_slice %arg15[%add3A_94, %dma_wait3A_231] : memref<10240x64xf32, #tpu.memory_space<vmem_shared>> -> memref<80x64xf32, #tpu.memory_space<vmem_shared>>
      tpu.wait_dma2 semaphore(%run_scoped3A : memref<!tpu.dma_semaphore, #tpu.memory_space<semaphore_mem>>) src(%arg8 : memref<80x64xf32, #tpu.memory_space<vmem>>) dst(%dma_wait3A_232 : memref<80x64xf32, #tpu.memory_space<vmem_shared>>)
      tpu.yield
    }) : () -> ()
    %mul3A_95 = arith.constant 640 : i32
    %mul3A_96 = arith.muli %arg1, %mul3A_95 : i32
    %add3A_97 = arith.constant 240 : i32
    %add3A_98 = arith.addi %mul3A_96, %add3A_97 : i32
    "tpu.region"() ({
      %run_scoped3A = tpu.sem_alloc : memref<!tpu.dma_semaphore, #tpu.memory_space<semaphore_mem>>
      %dma_start3A_225 = arith.constant 0 : i32
      %dma_start3A_226 = tpu.memref_slice %arg3[%add3A_98, %dma_start3A_225] : memref<10240x64xf32, #tpu.memory_space<hbm>> -> memref<80x64xf32, #tpu.memory_space<hbm>>
      %dma_start3A_227 = arith.constant 0 : i32
      %dma_start3A_228 = tpu.memref_slice %arg3[%add3A_98, %dma_start3A_227] : memref<10240x64xf32, #tpu.memory_space<hbm>> -> memref<80x64xf32, #tpu.memory_space<hbm>>
      tpu.enqueue_dma source(%dma_start3A_228 : memref<80x64xf32, #tpu.memory_space<hbm>>) target(%arg9 : memref<80x64xf32, #tpu.memory_space<vmem>>) target_semaphore(%run_scoped3A : memref<!tpu.dma_semaphore, #tpu.memory_space<semaphore_mem>>)
      %dma_wait3A_229 = arith.constant 0 : i32
      %dma_wait3A_230 = tpu.memref_slice %arg3[%add3A_98, %dma_wait3A_229] : memref<10240x64xf32, #tpu.memory_space<hbm>> -> memref<80x64xf32, #tpu.memory_space<hbm>>
      %dma_wait3A_231 = arith.constant 0 : i32
      %dma_wait3A_232 = tpu.memref_slice %arg3[%add3A_98, %dma_wait3A_231] : memref<10240x64xf32, #tpu.memory_space<hbm>> -> memref<80x64xf32, #tpu.memory_space<hbm>>
      tpu.wait_dma2 semaphore(%run_scoped3A : memref<!tpu.dma_semaphore, #tpu.memory_space<semaphore_mem>>) src(%dma_wait3A_232 : memref<80x64xf32, #tpu.memory_space<hbm>>) dst(%arg9 : memref<80x64xf32, #tpu.memory_space<vmem>>)
      tpu.yield
    }) : () -> ()
    %scan3A_99 = arith.constant 0 : i32
    %scan3A_100 = arith.constant 0 : i32
    %scan3A_101 = arith.constant 80 : i32
    %scan3A_102 = arith.addi %scan3A_100, %scan3A_101 : i32
    %scan3A_103 = arith.constant 1 : i32
    scf.for %scan3A_225 = %scan3A_100 to %scan3A_102 step %scan3A_103  : i32 {
      %add3A_226 = arith.constant 240 : i32
      %add3A_227 = arith.addi %add3A_226, %scan3A_225 : i32
      %broadcast_in_dim3A_228 = vector.broadcast %add3A_227 : i32 to vector<16xi32>
      %gather3A = tpu.vector_load_idx %arg13[%broadcast_in_dim3A_228] : memref<640xf32, #tpu.memory_space<vmem>>[vector<16xi32>], vector<16xf32>,
      %get3A = arith.index_cast %scan3A_225 : i32 to index
      %get3A_229 = arith.constant 0 : index
      %get3A_230 = tpu.vector_load %arg9[%get3A, %get3A_229] {strides = array<i32>} : memref<80x64xf32, #tpu.memory_space<vmem>>, vector<16xf32>,
      %mul3A_231 = arith.mulf %get3A_230, %gather3A : vector<16xf32>
      %swap3A = arith.index_cast %scan3A_225 : i32 to index
      %swap3A_232 = arith.constant 0 : index
      %swap3A_233 = tpu.vector_load %arg9[%swap3A, %swap3A_232] {strides = array<i32>} : memref<80x64xf32, #tpu.memory_space<vmem>>, vector<16xf32>,
      tpu.vector_store %arg9[%swap3A, %swap3A_232], %mul3A_231 {strides = array<i32>} : memref<80x64xf32, #tpu.memory_space<vmem>>, vector<16xf32>,
      %get3A_234 = arith.index_cast %scan3A_225 : i32 to index
      %get3A_235 = arith.constant 16 : index
      %get3A_236 = tpu.vector_load %arg9[%get3A_234, %get3A_235] {strides = array<i32>} : memref<80x64xf32, #tpu.memory_space<vmem>>, vector<16xf32>,
      %mul3A_237 = arith.mulf %get3A_236, %gather3A : vector<16xf32>
      %swap3A_238 = arith.index_cast %scan3A_225 : i32 to index
      %swap3A_239 = arith.constant 16 : index
      %swap3A_240 = tpu.vector_load %arg9[%swap3A_238, %swap3A_239] {strides = array<i32>} : memref<80x64xf32, #tpu.memory_space<vmem>>, vector<16xf32>,
      tpu.vector_store %arg9[%swap3A_238, %swap3A_239], %mul3A_237 {strides = array<i32>} : memref<80x64xf32, #tpu.memory_space<vmem>>, vector<16xf32>,
      %get3A_241 = arith.index_cast %scan3A_225 : i32 to index
      %get3A_242 = arith.constant 32 : index
      %get3A_243 = tpu.vector_load %arg9[%get3A_241, %get3A_242] {strides = array<i32>} : memref<80x64xf32, #tpu.memory_space<vmem>>, vector<16xf32>,
      %mul3A_244 = arith.mulf %get3A_243, %gather3A : vector<16xf32>
      %swap3A_245 = arith.index_cast %scan3A_225 : i32 to index
      %swap3A_246 = arith.constant 32 : index
      %swap3A_247 = tpu.vector_load %arg9[%swap3A_245, %swap3A_246] {strides = array<i32>} : memref<80x64xf32, #tpu.memory_space<vmem>>, vector<16xf32>,
      tpu.vector_store %arg9[%swap3A_245, %swap3A_246], %mul3A_244 {strides = array<i32>} : memref<80x64xf32, #tpu.memory_space<vmem>>, vector<16xf32>,
      %get3A_248 = arith.index_cast %scan3A_225 : i32 to index
      %get3A_249 = arith.constant 48 : index
      %get3A_250 = tpu.vector_load %arg9[%get3A_248, %get3A_249] {strides = array<i32>} : memref<80x64xf32, #tpu.memory_space<vmem>>, vector<16xf32>,
      %mul3A_251 = arith.mulf %get3A_250, %gather3A : vector<16xf32>
      %swap3A_252 = arith.index_cast %scan3A_225 : i32 to index
      %swap3A_253 = arith.constant 48 : index
      %swap3A_254 = tpu.vector_load %arg9[%swap3A_252, %swap3A_253] {strides = array<i32>} : memref<80x64xf32, #tpu.memory_space<vmem>>, vector<16xf32>,
      tpu.vector_store %arg9[%swap3A_252, %swap3A_253], %mul3A_251 {strides = array<i32>} : memref<80x64xf32, #tpu.memory_space<vmem>>, vector<16xf32>,
    }
    %scan3A_104 = arith.constant 80 : i32
    %mul3A_105 = arith.constant 640 : i32
    %mul3A_106 = arith.muli %arg1, %mul3A_105 : i32
    %add3A_107 = arith.constant 240 : i32
    %add3A_108 = arith.addi %mul3A_106, %add3A_107 : i32
    "tpu.region"() ({
      %run_scoped3A = tpu.sem_alloc : memref<!tpu.dma_semaphore, #tpu.memory_space<semaphore_mem>>
      %dma_start3A_225 = arith.constant 0 : i32
      %dma_start3A_226 = tpu.memref_slice %arg15[%add3A_108, %dma_start3A_225] : memref<10240x64xf32, #tpu.memory_space<vmem_shared>> -> memref<80x64xf32, #tpu.memory_space<vmem_shared>>
      %dma_start3A_227 = arith.constant 0 : i32
      %dma_start3A_228 = tpu.memref_slice %arg15[%add3A_108, %dma_start3A_227] : memref<10240x64xf32, #tpu.memory_space<vmem_shared>> -> memref<80x64xf32, #tpu.memory_space<vmem_shared>>
      tpu.enqueue_dma source(%arg9 : memref<80x64xf32, #tpu.memory_space<vmem>>) target(%dma_start3A_228 : memref<80x64xf32, #tpu.memory_space<vmem_shared>>) target_semaphore(%run_scoped3A : memref<!tpu.dma_semaphore, #tpu.memory_space<semaphore_mem>>)
      %dma_wait3A_229 = arith.constant 0 : i32
      %dma_wait3A_230 = tpu.memref_slice %arg15[%add3A_108, %dma_wait3A_229] : memref<10240x64xf32, #tpu.memory_space<vmem_shared>> -> memref<80x64xf32, #tpu.memory_space<vmem_shared>>
      %dma_wait3A_231 = arith.constant 0 : i32
      %dma_wait3A_232 = tpu.memref_slice %arg15[%add3A_108, %dma_wait3A_231] : memref<10240x64xf32, #tpu.memory_space<vmem_shared>> -> memref<80x64xf32, #tpu.memory_space<vmem_shared>>
      tpu.wait_dma2 semaphore(%run_scoped3A : memref<!tpu.dma_semaphore, #tpu.memory_space<semaphore_mem>>) src(%arg9 : memref<80x64xf32, #tpu.memory_space<vmem>>) dst(%dma_wait3A_232 : memref<80x64xf32, #tpu.memory_space<vmem_shared>>)
      tpu.yield
    }) : () -> ()
    %mul3A_109 = arith.constant 640 : i32
    %mul3A_110 = arith.muli %arg1, %mul3A_109 : i32
    %add3A_111 = arith.constant 320 : i32
    %add3A_112 = arith.addi %mul3A_110, %add3A_111 : i32
    "tpu.region"() ({
      %run_scoped3A = tpu.sem_alloc : memref<!tpu.dma_semaphore, #tpu.memory_space<semaphore_mem>>
      %dma_start3A_225 = arith.constant 0 : i32
      %dma_start3A_226 = tpu.memref_slice %arg3[%add3A_112, %dma_start3A_225] : memref<10240x64xf32, #tpu.memory_space<hbm>> -> memref<80x64xf32, #tpu.memory_space<hbm>>
      %dma_start3A_227 = arith.constant 0 : i32
      %dma_start3A_228 = tpu.memref_slice %arg3[%add3A_112, %dma_start3A_227] : memref<10240x64xf32, #tpu.memory_space<hbm>> -> memref<80x64xf32, #tpu.memory_space<hbm>>
      tpu.enqueue_dma source(%dma_start3A_228 : memref<80x64xf32, #tpu.memory_space<hbm>>) target(%arg8 : memref<80x64xf32, #tpu.memory_space<vmem>>) target_semaphore(%run_scoped3A : memref<!tpu.dma_semaphore, #tpu.memory_space<semaphore_mem>>)
      %dma_wait3A_229 = arith.constant 0 : i32
      %dma_wait3A_230 = tpu.memref_slice %arg3[%add3A_112, %dma_wait3A_229] : memref<10240x64xf32, #tpu.memory_space<hbm>> -> memref<80x64xf32, #tpu.memory_space<hbm>>
      %dma_wait3A_231 = arith.constant 0 : i32
      %dma_wait3A_232 = tpu.memref_slice %arg3[%add3A_112, %dma_wait3A_231] : memref<10240x64xf32, #tpu.memory_space<hbm>> -> memref<80x64xf32, #tpu.memory_space<hbm>>
      tpu.wait_dma2 semaphore(%run_scoped3A : memref<!tpu.dma_semaphore, #tpu.memory_space<semaphore_mem>>) src(%dma_wait3A_232 : memref<80x64xf32, #tpu.memory_space<hbm>>) dst(%arg8 : memref<80x64xf32, #tpu.memory_space<vmem>>)
      tpu.yield
    }) : () -> ()
    %scan3A_113 = arith.constant 0 : i32
    %scan3A_114 = arith.constant 0 : i32
    %scan3A_115 = arith.constant 80 : i32
    %scan3A_116 = arith.addi %scan3A_114, %scan3A_115 : i32
    %scan3A_117 = arith.constant 1 : i32
    scf.for %scan3A_225 = %scan3A_114 to %scan3A_116 step %scan3A_117  : i32 {
      %add3A_226 = arith.constant 320 : i32
      %add3A_227 = arith.addi %add3A_226, %scan3A_225 : i32
      %broadcast_in_dim3A_228 = vector.broadcast %add3A_227 : i32 to vector<16xi32>
      %gather3A = tpu.vector_load_idx %arg13[%broadcast_in_dim3A_228] : memref<640xf32, #tpu.memory_space<vmem>>[vector<16xi32>], vector<16xf32>,
      %get3A = arith.index_cast %scan3A_225 : i32 to index
      %get3A_229 = arith.constant 0 : index
      %get3A_230 = tpu.vector_load %arg8[%get3A, %get3A_229] {strides = array<i32>} : memref<80x64xf32, #tpu.memory_space<vmem>>, vector<16xf32>,
      %mul3A_231 = arith.mulf %get3A_230, %gather3A : vector<16xf32>
      %swap3A = arith.index_cast %scan3A_225 : i32 to index
      %swap3A_232 = arith.constant 0 : index
      %swap3A_233 = tpu.vector_load %arg8[%swap3A, %swap3A_232] {strides = array<i32>} : memref<80x64xf32, #tpu.memory_space<vmem>>, vector<16xf32>,
      tpu.vector_store %arg8[%swap3A, %swap3A_232], %mul3A_231 {strides = array<i32>} : memref<80x64xf32, #tpu.memory_space<vmem>>, vector<16xf32>,
      %get3A_234 = arith.index_cast %scan3A_225 : i32 to index
      %get3A_235 = arith.constant 16 : index
      %get3A_236 = tpu.vector_load %arg8[%get3A_234, %get3A_235] {strides = array<i32>} : memref<80x64xf32, #tpu.memory_space<vmem>>, vector<16xf32>,
      %mul3A_237 = arith.mulf %get3A_236, %gather3A : vector<16xf32>
      %swap3A_238 = arith.index_cast %scan3A_225 : i32 to index
      %swap3A_239 = arith.constant 16 : index
      %swap3A_240 = tpu.vector_load %arg8[%swap3A_238, %swap3A_239] {strides = array<i32>} : memref<80x64xf32, #tpu.memory_space<vmem>>, vector<16xf32>,
      tpu.vector_store %arg8[%swap3A_238, %swap3A_239], %mul3A_237 {strides = array<i32>} : memref<80x64xf32, #tpu.memory_space<vmem>>, vector<16xf32>,
      %get3A_241 = arith.index_cast %scan3A_225 : i32 to index
      %get3A_242 = arith.constant 32 : index
      %get3A_243 = tpu.vector_load %arg8[%get3A_241, %get3A_242] {strides = array<i32>} : memref<80x64xf32, #tpu.memory_space<vmem>>, vector<16xf32>,
      %mul3A_244 = arith.mulf %get3A_243, %gather3A : vector<16xf32>
      %swap3A_245 = arith.index_cast %scan3A_225 : i32 to index
      %swap3A_246 = arith.constant 32 : index
      %swap3A_247 = tpu.vector_load %arg8[%swap3A_245, %swap3A_246] {strides = array<i32>} : memref<80x64xf32, #tpu.memory_space<vmem>>, vector<16xf32>,
      tpu.vector_store %arg8[%swap3A_245, %swap3A_246], %mul3A_244 {strides = array<i32>} : memref<80x64xf32, #tpu.memory_space<vmem>>, vector<16xf32>,
      %get3A_248 = arith.index_cast %scan3A_225 : i32 to index
      %get3A_249 = arith.constant 48 : index
      %get3A_250 = tpu.vector_load %arg8[%get3A_248, %get3A_249] {strides = array<i32>} : memref<80x64xf32, #tpu.memory_space<vmem>>, vector<16xf32>,
      %mul3A_251 = arith.mulf %get3A_250, %gather3A : vector<16xf32>
      %swap3A_252 = arith.index_cast %scan3A_225 : i32 to index
      %swap3A_253 = arith.constant 48 : index
      %swap3A_254 = tpu.vector_load %arg8[%swap3A_252, %swap3A_253] {strides = array<i32>} : memref<80x64xf32, #tpu.memory_space<vmem>>, vector<16xf32>,
      tpu.vector_store %arg8[%swap3A_252, %swap3A_253], %mul3A_251 {strides = array<i32>} : memref<80x64xf32, #tpu.memory_space<vmem>>, vector<16xf32>,
    }
    %scan3A_118 = arith.constant 80 : i32
    %mul3A_119 = arith.constant 640 : i32
    %mul3A_120 = arith.muli %arg1, %mul3A_119 : i32
    %add3A_121 = arith.constant 320 : i32
    %add3A_122 = arith.addi %mul3A_120, %add3A_121 : i32
    "tpu.region"() ({
      %run_scoped3A = tpu.sem_alloc : memref<!tpu.dma_semaphore, #tpu.memory_space<semaphore_mem>>
      %dma_start3A_225 = arith.constant 0 : i32
      %dma_start3A_226 = tpu.memref_slice %arg15[%add3A_122, %dma_start3A_225] : memref<10240x64xf32, #tpu.memory_space<vmem_shared>> -> memref<80x64xf32, #tpu.memory_space<vmem_shared>>
      %dma_start3A_227 = arith.constant 0 : i32
      %dma_start3A_228 = tpu.memref_slice %arg15[%add3A_122, %dma_start3A_227] : memref<10240x64xf32, #tpu.memory_space<vmem_shared>> -> memref<80x64xf32, #tpu.memory_space<vmem_shared>>
      tpu.enqueue_dma source(%arg8 : memref<80x64xf32, #tpu.memory_space<vmem>>) target(%dma_start3A_228 : memref<80x64xf32, #tpu.memory_space<vmem_shared>>) target_semaphore(%run_scoped3A : memref<!tpu.dma_semaphore, #tpu.memory_space<semaphore_mem>>)
      %dma_wait3A_229 = arith.constant 0 : i32
      %dma_wait3A_230 = tpu.memref_slice %arg15[%add3A_122, %dma_wait3A_229] : memref<10240x64xf32, #tpu.memory_space<vmem_shared>> -> memref<80x64xf32, #tpu.memory_space<vmem_shared>>
      %dma_wait3A_231 = arith.constant 0 : i32
      %dma_wait3A_232 = tpu.memref_slice %arg15[%add3A_122, %dma_wait3A_231] : memref<10240x64xf32, #tpu.memory_space<vmem_shared>> -> memref<80x64xf32, #tpu.memory_space<vmem_shared>>
      tpu.wait_dma2 semaphore(%run_scoped3A : memref<!tpu.dma_semaphore, #tpu.memory_space<semaphore_mem>>) src(%arg8 : memref<80x64xf32, #tpu.memory_space<vmem>>) dst(%dma_wait3A_232 : memref<80x64xf32, #tpu.memory_space<vmem_shared>>)
      tpu.yield
    }) : () -> ()
    %mul3A_123 = arith.constant 640 : i32
    %mul3A_124 = arith.muli %arg1, %mul3A_123 : i32
    %add3A_125 = arith.constant 400 : i32
    %add3A_126 = arith.addi %mul3A_124, %add3A_125 : i32
    "tpu.region"() ({
      %run_scoped3A = tpu.sem_alloc : memref<!tpu.dma_semaphore, #tpu.memory_space<semaphore_mem>>
      %dma_start3A_225 = arith.constant 0 : i32
      %dma_start3A_226 = tpu.memref_slice %arg3[%add3A_126, %dma_start3A_225] : memref<10240x64xf32, #tpu.memory_space<hbm>> -> memref<80x64xf32, #tpu.memory_space<hbm>>
      %dma_start3A_227 = arith.constant 0 : i32
      %dma_start3A_228 = tpu.memref_slice %arg3[%add3A_126, %dma_start3A_227] : memref<10240x64xf32, #tpu.memory_space<hbm>> -> memref<80x64xf32, #tpu.memory_space<hbm>>
      tpu.enqueue_dma source(%dma_start3A_228 : memref<80x64xf32, #tpu.memory_space<hbm>>) target(%arg9 : memref<80x64xf32, #tpu.memory_space<vmem>>) target_semaphore(%run_scoped3A : memref<!tpu.dma_semaphore, #tpu.memory_space<semaphore_mem>>)
      %dma_wait3A_229 = arith.constant 0 : i32
      %dma_wait3A_230 = tpu.memref_slice %arg3[%add3A_126, %dma_wait3A_229] : memref<10240x64xf32, #tpu.memory_space<hbm>> -> memref<80x64xf32, #tpu.memory_space<hbm>>
      %dma_wait3A_231 = arith.constant 0 : i32
      %dma_wait3A_232 = tpu.memref_slice %arg3[%add3A_126, %dma_wait3A_231] : memref<10240x64xf32, #tpu.memory_space<hbm>> -> memref<80x64xf32, #tpu.memory_space<hbm>>
      tpu.wait_dma2 semaphore(%run_scoped3A : memref<!tpu.dma_semaphore, #tpu.memory_space<semaphore_mem>>) src(%dma_wait3A_232 : memref<80x64xf32, #tpu.memory_space<hbm>>) dst(%arg9 : memref<80x64xf32, #tpu.memory_space<vmem>>)
      tpu.yield
    }) : () -> ()
    %scan3A_127 = arith.constant 0 : i32
    %scan3A_128 = arith.constant 0 : i32
    %scan3A_129 = arith.constant 80 : i32
    %scan3A_130 = arith.addi %scan3A_128, %scan3A_129 : i32
    %scan3A_131 = arith.constant 1 : i32
    scf.for %scan3A_225 = %scan3A_128 to %scan3A_130 step %scan3A_131  : i32 {
      %add3A_226 = arith.constant 400 : i32
      %add3A_227 = arith.addi %add3A_226, %scan3A_225 : i32
      %broadcast_in_dim3A_228 = vector.broadcast %add3A_227 : i32 to vector<16xi32>
      %gather3A = tpu.vector_load_idx %arg13[%broadcast_in_dim3A_228] : memref<640xf32, #tpu.memory_space<vmem>>[vector<16xi32>], vector<16xf32>,
      %get3A = arith.index_cast %scan3A_225 : i32 to index
      %get3A_229 = arith.constant 0 : index
      %get3A_230 = tpu.vector_load %arg9[%get3A, %get3A_229] {strides = array<i32>} : memref<80x64xf32, #tpu.memory_space<vmem>>, vector<16xf32>,
      %mul3A_231 = arith.mulf %get3A_230, %gather3A : vector<16xf32>
      %swap3A = arith.index_cast %scan3A_225 : i32 to index
      %swap3A_232 = arith.constant 0 : index
      %swap3A_233 = tpu.vector_load %arg9[%swap3A, %swap3A_232] {strides = array<i32>} : memref<80x64xf32, #tpu.memory_space<vmem>>, vector<16xf32>,
      tpu.vector_store %arg9[%swap3A, %swap3A_232], %mul3A_231 {strides = array<i32>} : memref<80x64xf32, #tpu.memory_space<vmem>>, vector<16xf32>,
      %get3A_234 = arith.index_cast %scan3A_225 : i32 to index
      %get3A_235 = arith.constant 16 : index
      %get3A_236 = tpu.vector_load %arg9[%get3A_234, %get3A_235] {strides = array<i32>} : memref<80x64xf32, #tpu.memory_space<vmem>>, vector<16xf32>,
      %mul3A_237 = arith.mulf %get3A_236, %gather3A : vector<16xf32>
      %swap3A_238 = arith.index_cast %scan3A_225 : i32 to index
      %swap3A_239 = arith.constant 16 : index
      %swap3A_240 = tpu.vector_load %arg9[%swap3A_238, %swap3A_239] {strides = array<i32>} : memref<80x64xf32, #tpu.memory_space<vmem>>, vector<16xf32>,
      tpu.vector_store %arg9[%swap3A_238, %swap3A_239], %mul3A_237 {strides = array<i32>} : memref<80x64xf32, #tpu.memory_space<vmem>>, vector<16xf32>,
      %get3A_241 = arith.index_cast %scan3A_225 : i32 to index
      %get3A_242 = arith.constant 32 : index
      %get3A_243 = tpu.vector_load %arg9[%get3A_241, %get3A_242] {strides = array<i32>} : memref<80x64xf32, #tpu.memory_space<vmem>>, vector<16xf32>,
      %mul3A_244 = arith.mulf %get3A_243, %gather3A : vector<16xf32>
      %swap3A_245 = arith.index_cast %scan3A_225 : i32 to index
      %swap3A_246 = arith.constant 32 : index
      %swap3A_247 = tpu.vector_load %arg9[%swap3A_245, %swap3A_246] {strides = array<i32>} : memref<80x64xf32, #tpu.memory_space<vmem>>, vector<16xf32>,
      tpu.vector_store %arg9[%swap3A_245, %swap3A_246], %mul3A_244 {strides = array<i32>} : memref<80x64xf32, #tpu.memory_space<vmem>>, vector<16xf32>,
      %get3A_248 = arith.index_cast %scan3A_225 : i32 to index
      %get3A_249 = arith.constant 48 : index
      %get3A_250 = tpu.vector_load %arg9[%get3A_248, %get3A_249] {strides = array<i32>} : memref<80x64xf32, #tpu.memory_space<vmem>>, vector<16xf32>,
      %mul3A_251 = arith.mulf %get3A_250, %gather3A : vector<16xf32>
      %swap3A_252 = arith.index_cast %scan3A_225 : i32 to index
      %swap3A_253 = arith.constant 48 : index
      %swap3A_254 = tpu.vector_load %arg9[%swap3A_252, %swap3A_253] {strides = array<i32>} : memref<80x64xf32, #tpu.memory_space<vmem>>, vector<16xf32>,
      tpu.vector_store %arg9[%swap3A_252, %swap3A_253], %mul3A_251 {strides = array<i32>} : memref<80x64xf32, #tpu.memory_space<vmem>>, vector<16xf32>,
    }
    %scan3A_132 = arith.constant 80 : i32
    %mul3A_133 = arith.constant 640 : i32
    %mul3A_134 = arith.muli %arg1, %mul3A_133 : i32
    %add3A_135 = arith.constant 400 : i32
    %add3A_136 = arith.addi %mul3A_134, %add3A_135 : i32
    "tpu.region"() ({
      %run_scoped3A = tpu.sem_alloc : memref<!tpu.dma_semaphore, #tpu.memory_space<semaphore_mem>>
      %dma_start3A_225 = arith.constant 0 : i32
      %dma_start3A_226 = tpu.memref_slice %arg15[%add3A_136, %dma_start3A_225] : memref<10240x64xf32, #tpu.memory_space<vmem_shared>> -> memref<80x64xf32, #tpu.memory_space<vmem_shared>>
      %dma_start3A_227 = arith.constant 0 : i32
      %dma_start3A_228 = tpu.memref_slice %arg15[%add3A_136, %dma_start3A_227] : memref<10240x64xf32, #tpu.memory_space<vmem_shared>> -> memref<80x64xf32, #tpu.memory_space<vmem_shared>>
      tpu.enqueue_dma source(%arg9 : memref<80x64xf32, #tpu.memory_space<vmem>>) target(%dma_start3A_228 : memref<80x64xf32, #tpu.memory_space<vmem_shared>>) target_semaphore(%run_scoped3A : memref<!tpu.dma_semaphore, #tpu.memory_space<semaphore_mem>>)
      %dma_wait3A_229 = arith.constant 0 : i32
      %dma_wait3A_230 = tpu.memref_slice %arg15[%add3A_136, %dma_wait3A_229] : memref<10240x64xf32, #tpu.memory_space<vmem_shared>> -> memref<80x64xf32, #tpu.memory_space<vmem_shared>>
      %dma_wait3A_231 = arith.constant 0 : i32
      %dma_wait3A_232 = tpu.memref_slice %arg15[%add3A_136, %dma_wait3A_231] : memref<10240x64xf32, #tpu.memory_space<vmem_shared>> -> memref<80x64xf32, #tpu.memory_space<vmem_shared>>
      tpu.wait_dma2 semaphore(%run_scoped3A : memref<!tpu.dma_semaphore, #tpu.memory_space<semaphore_mem>>) src(%arg9 : memref<80x64xf32, #tpu.memory_space<vmem>>) dst(%dma_wait3A_232 : memref<80x64xf32, #tpu.memory_space<vmem_shared>>)
      tpu.yield
    }) : () -> ()
    %mul3A_137 = arith.constant 640 : i32
    %mul3A_138 = arith.muli %arg1, %mul3A_137 : i32
    %add3A_139 = arith.constant 480 : i32
    %add3A_140 = arith.addi %mul3A_138, %add3A_139 : i32
    "tpu.region"() ({
      %run_scoped3A = tpu.sem_alloc : memref<!tpu.dma_semaphore, #tpu.memory_space<semaphore_mem>>
      %dma_start3A_225 = arith.constant 0 : i32
      %dma_start3A_226 = tpu.memref_slice %arg3[%add3A_140, %dma_start3A_225] : memref<10240x64xf32, #tpu.memory_space<hbm>> -> memref<80x64xf32, #tpu.memory_space<hbm>>
      %dma_start3A_227 = arith.constant 0 : i32
      %dma_start3A_228 = tpu.memref_slice %arg3[%add3A_140, %dma_start3A_227] : memref<10240x64xf32, #tpu.memory_space<hbm>> -> memref<80x64xf32, #tpu.memory_space<hbm>>
      tpu.enqueue_dma source(%dma_start3A_228 : memref<80x64xf32, #tpu.memory_space<hbm>>) target(%arg8 : memref<80x64xf32, #tpu.memory_space<vmem>>) target_semaphore(%run_scoped3A : memref<!tpu.dma_semaphore, #tpu.memory_space<semaphore_mem>>)
      %dma_wait3A_229 = arith.constant 0 : i32
      %dma_wait3A_230 = tpu.memref_slice %arg3[%add3A_140, %dma_wait3A_229] : memref<10240x64xf32, #tpu.memory_space<hbm>> -> memref<80x64xf32, #tpu.memory_space<hbm>>
      %dma_wait3A_231 = arith.constant 0 : i32
      %dma_wait3A_232 = tpu.memref_slice %arg3[%add3A_140, %dma_wait3A_231] : memref<10240x64xf32, #tpu.memory_space<hbm>> -> memref<80x64xf32, #tpu.memory_space<hbm>>
      tpu.wait_dma2 semaphore(%run_scoped3A : memref<!tpu.dma_semaphore, #tpu.memory_space<semaphore_mem>>) src(%dma_wait3A_232 : memref<80x64xf32, #tpu.memory_space<hbm>>) dst(%arg8 : memref<80x64xf32, #tpu.memory_space<vmem>>)
      tpu.yield
    }) : () -> ()
    %scan3A_141 = arith.constant 0 : i32
    %scan3A_142 = arith.constant 0 : i32
    %scan3A_143 = arith.constant 80 : i32
    %scan3A_144 = arith.addi %scan3A_142, %scan3A_143 : i32
    %scan3A_145 = arith.constant 1 : i32
    scf.for %scan3A_225 = %scan3A_142 to %scan3A_144 step %scan3A_145  : i32 {
      %add3A_226 = arith.constant 480 : i32
      %add3A_227 = arith.addi %add3A_226, %scan3A_225 : i32
      %broadcast_in_dim3A_228 = vector.broadcast %add3A_227 : i32 to vector<16xi32>
      %gather3A = tpu.vector_load_idx %arg13[%broadcast_in_dim3A_228] : memref<640xf32, #tpu.memory_space<vmem>>[vector<16xi32>], vector<16xf32>,
      %get3A = arith.index_cast %scan3A_225 : i32 to index
      %get3A_229 = arith.constant 0 : index
      %get3A_230 = tpu.vector_load %arg8[%get3A, %get3A_229] {strides = array<i32>} : memref<80x64xf32, #tpu.memory_space<vmem>>, vector<16xf32>,
      %mul3A_231 = arith.mulf %get3A_230, %gather3A : vector<16xf32>
      %swap3A = arith.index_cast %scan3A_225 : i32 to index
      %swap3A_232 = arith.constant 0 : index
      %swap3A_233 = tpu.vector_load %arg8[%swap3A, %swap3A_232] {strides = array<i32>} : memref<80x64xf32, #tpu.memory_space<vmem>>, vector<16xf32>,
      tpu.vector_store %arg8[%swap3A, %swap3A_232], %mul3A_231 {strides = array<i32>} : memref<80x64xf32, #tpu.memory_space<vmem>>, vector<16xf32>,
      %get3A_234 = arith.index_cast %scan3A_225 : i32 to index
      %get3A_235 = arith.constant 16 : index
      %get3A_236 = tpu.vector_load %arg8[%get3A_234, %get3A_235] {strides = array<i32>} : memref<80x64xf32, #tpu.memory_space<vmem>>, vector<16xf32>,
      %mul3A_237 = arith.mulf %get3A_236, %gather3A : vector<16xf32>
      %swap3A_238 = arith.index_cast %scan3A_225 : i32 to index
      %swap3A_239 = arith.constant 16 : index
      %swap3A_240 = tpu.vector_load %arg8[%swap3A_238, %swap3A_239] {strides = array<i32>} : memref<80x64xf32, #tpu.memory_space<vmem>>, vector<16xf32>,
      tpu.vector_store %arg8[%swap3A_238, %swap3A_239], %mul3A_237 {strides = array<i32>} : memref<80x64xf32, #tpu.memory_space<vmem>>, vector<16xf32>,
      %get3A_241 = arith.index_cast %scan3A_225 : i32 to index
      %get3A_242 = arith.constant 32 : index
      %get3A_243 = tpu.vector_load %arg8[%get3A_241, %get3A_242] {strides = array<i32>} : memref<80x64xf32, #tpu.memory_space<vmem>>, vector<16xf32>,
      %mul3A_244 = arith.mulf %get3A_243, %gather3A : vector<16xf32>
      %swap3A_245 = arith.index_cast %scan3A_225 : i32 to index
      %swap3A_246 = arith.constant 32 : index
      %swap3A_247 = tpu.vector_load %arg8[%swap3A_245, %swap3A_246] {strides = array<i32>} : memref<80x64xf32, #tpu.memory_space<vmem>>, vector<16xf32>,
      tpu.vector_store %arg8[%swap3A_245, %swap3A_246], %mul3A_244 {strides = array<i32>} : memref<80x64xf32, #tpu.memory_space<vmem>>, vector<16xf32>,
      %get3A_248 = arith.index_cast %scan3A_225 : i32 to index
      %get3A_249 = arith.constant 48 : index
      %get3A_250 = tpu.vector_load %arg8[%get3A_248, %get3A_249] {strides = array<i32>} : memref<80x64xf32, #tpu.memory_space<vmem>>, vector<16xf32>,
      %mul3A_251 = arith.mulf %get3A_250, %gather3A : vector<16xf32>
      %swap3A_252 = arith.index_cast %scan3A_225 : i32 to index
      %swap3A_253 = arith.constant 48 : index
      %swap3A_254 = tpu.vector_load %arg8[%swap3A_252, %swap3A_253] {strides = array<i32>} : memref<80x64xf32, #tpu.memory_space<vmem>>, vector<16xf32>,
      tpu.vector_store %arg8[%swap3A_252, %swap3A_253], %mul3A_251 {strides = array<i32>} : memref<80x64xf32, #tpu.memory_space<vmem>>, vector<16xf32>,
    }
    %scan3A_146 = arith.constant 80 : i32
    %mul3A_147 = arith.constant 640 : i32
    %mul3A_148 = arith.muli %arg1, %mul3A_147 : i32
    %add3A_149 = arith.constant 480 : i32
    %add3A_150 = arith.addi %mul3A_148, %add3A_149 : i32
    "tpu.region"() ({
      %run_scoped3A = tpu.sem_alloc : memref<!tpu.dma_semaphore, #tpu.memory_space<semaphore_mem>>
      %dma_start3A_225 = arith.constant 0 : i32
      %dma_start3A_226 = tpu.memref_slice %arg15[%add3A_150, %dma_start3A_225] : memref<10240x64xf32, #tpu.memory_space<vmem_shared>> -> memref<80x64xf32, #tpu.memory_space<vmem_shared>>
      %dma_start3A_227 = arith.constant 0 : i32
      %dma_start3A_228 = tpu.memref_slice %arg15[%add3A_150, %dma_start3A_227] : memref<10240x64xf32, #tpu.memory_space<vmem_shared>> -> memref<80x64xf32, #tpu.memory_space<vmem_shared>>
      tpu.enqueue_dma source(%arg8 : memref<80x64xf32, #tpu.memory_space<vmem>>) target(%dma_start3A_228 : memref<80x64xf32, #tpu.memory_space<vmem_shared>>) target_semaphore(%run_scoped3A : memref<!tpu.dma_semaphore, #tpu.memory_space<semaphore_mem>>)
      %dma_wait3A_229 = arith.constant 0 : i32
      %dma_wait3A_230 = tpu.memref_slice %arg15[%add3A_150, %dma_wait3A_229] : memref<10240x64xf32, #tpu.memory_space<vmem_shared>> -> memref<80x64xf32, #tpu.memory_space<vmem_shared>>
      %dma_wait3A_231 = arith.constant 0 : i32
      %dma_wait3A_232 = tpu.memref_slice %arg15[%add3A_150, %dma_wait3A_231] : memref<10240x64xf32, #tpu.memory_space<vmem_shared>> -> memref<80x64xf32, #tpu.memory_space<vmem_shared>>
      tpu.wait_dma2 semaphore(%run_scoped3A : memref<!tpu.dma_semaphore, #tpu.memory_space<semaphore_mem>>) src(%arg8 : memref<80x64xf32, #tpu.memory_space<vmem>>) dst(%dma_wait3A_232 : memref<80x64xf32, #tpu.memory_space<vmem_shared>>)
      tpu.yield
    }) : () -> ()
    %mul3A_151 = arith.constant 640 : i32
    %mul3A_152 = arith.muli %arg1, %mul3A_151 : i32
    %add3A_153 = arith.constant 560 : i32
    %add3A_154 = arith.addi %mul3A_152, %add3A_153 : i32
    "tpu.region"() ({
      %run_scoped3A = tpu.sem_alloc : memref<!tpu.dma_semaphore, #tpu.memory_space<semaphore_mem>>
      %dma_start3A_225 = arith.constant 0 : i32
      %dma_start3A_226 = tpu.memref_slice %arg3[%add3A_154, %dma_start3A_225] : memref<10240x64xf32, #tpu.memory_space<hbm>> -> memref<80x64xf32, #tpu.memory_space<hbm>>
      %dma_start3A_227 = arith.constant 0 : i32
      %dma_start3A_228 = tpu.memref_slice %arg3[%add3A_154, %dma_start3A_227] : memref<10240x64xf32, #tpu.memory_space<hbm>> -> memref<80x64xf32, #tpu.memory_space<hbm>>
      tpu.enqueue_dma source(%dma_start3A_228 : memref<80x64xf32, #tpu.memory_space<hbm>>) target(%arg9 : memref<80x64xf32, #tpu.memory_space<vmem>>) target_semaphore(%run_scoped3A : memref<!tpu.dma_semaphore, #tpu.memory_space<semaphore_mem>>)
      %dma_wait3A_229 = arith.constant 0 : i32
      %dma_wait3A_230 = tpu.memref_slice %arg3[%add3A_154, %dma_wait3A_229] : memref<10240x64xf32, #tpu.memory_space<hbm>> -> memref<80x64xf32, #tpu.memory_space<hbm>>
      %dma_wait3A_231 = arith.constant 0 : i32
      %dma_wait3A_232 = tpu.memref_slice %arg3[%add3A_154, %dma_wait3A_231] : memref<10240x64xf32, #tpu.memory_space<hbm>> -> memref<80x64xf32, #tpu.memory_space<hbm>>
      tpu.wait_dma2 semaphore(%run_scoped3A : memref<!tpu.dma_semaphore, #tpu.memory_space<semaphore_mem>>) src(%dma_wait3A_232 : memref<80x64xf32, #tpu.memory_space<hbm>>) dst(%arg9 : memref<80x64xf32, #tpu.memory_space<vmem>>)
      tpu.yield
    }) : () -> ()
    %scan3A_155 = arith.constant 0 : i32
    %scan3A_156 = arith.constant 0 : i32
    %scan3A_157 = arith.constant 80 : i32
    %scan3A_158 = arith.addi %scan3A_156, %scan3A_157 : i32
    %scan3A_159 = arith.constant 1 : i32
    scf.for %scan3A_225 = %scan3A_156 to %scan3A_158 step %scan3A_159  : i32 {
      %add3A_226 = arith.constant 560 : i32
      %add3A_227 = arith.addi %add3A_226, %scan3A_225 : i32
      %broadcast_in_dim3A_228 = vector.broadcast %add3A_227 : i32 to vector<16xi32>
      %gather3A = tpu.vector_load_idx %arg13[%broadcast_in_dim3A_228] : memref<640xf32, #tpu.memory_space<vmem>>[vector<16xi32>], vector<16xf32>,
      %get3A = arith.index_cast %scan3A_225 : i32 to index
      %get3A_229 = arith.constant 0 : index
      %get3A_230 = tpu.vector_load %arg9[%get3A, %get3A_229] {strides = array<i32>} : memref<80x64xf32, #tpu.memory_space<vmem>>, vector<16xf32>,
      %mul3A_231 = arith.mulf %get3A_230, %gather3A : vector<16xf32>
      %swap3A = arith.index_cast %scan3A_225 : i32 to index
      %swap3A_232 = arith.constant 0 : index
      %swap3A_233 = tpu.vector_load %arg9[%swap3A, %swap3A_232] {strides = array<i32>} : memref<80x64xf32, #tpu.memory_space<vmem>>, vector<16xf32>,
      tpu.vector_store %arg9[%swap3A, %swap3A_232], %mul3A_231 {strides = array<i32>} : memref<80x64xf32, #tpu.memory_space<vmem>>, vector<16xf32>,
      %get3A_234 = arith.index_cast %scan3A_225 : i32 to index
      %get3A_235 = arith.constant 16 : index
      %get3A_236 = tpu.vector_load %arg9[%get3A_234, %get3A_235] {strides = array<i32>} : memref<80x64xf32, #tpu.memory_space<vmem>>, vector<16xf32>,
      %mul3A_237 = arith.mulf %get3A_236, %gather3A : vector<16xf32>
      %swap3A_238 = arith.index_cast %scan3A_225 : i32 to index
      %swap3A_239 = arith.constant 16 : index
      %swap3A_240 = tpu.vector_load %arg9[%swap3A_238, %swap3A_239] {strides = array<i32>} : memref<80x64xf32, #tpu.memory_space<vmem>>, vector<16xf32>,
      tpu.vector_store %arg9[%swap3A_238, %swap3A_239], %mul3A_237 {strides = array<i32>} : memref<80x64xf32, #tpu.memory_space<vmem>>, vector<16xf32>,
      %get3A_241 = arith.index_cast %scan3A_225 : i32 to index
      %get3A_242 = arith.constant 32 : index
      %get3A_243 = tpu.vector_load %arg9[%get3A_241, %get3A_242] {strides = array<i32>} : memref<80x64xf32, #tpu.memory_space<vmem>>, vector<16xf32>,
      %mul3A_244 = arith.mulf %get3A_243, %gather3A : vector<16xf32>
      %swap3A_245 = arith.index_cast %scan3A_225 : i32 to index
      %swap3A_246 = arith.constant 32 : index
      %swap3A_247 = tpu.vector_load %arg9[%swap3A_245, %swap3A_246] {strides = array<i32>} : memref<80x64xf32, #tpu.memory_space<vmem>>, vector<16xf32>,
      tpu.vector_store %arg9[%swap3A_245, %swap3A_246], %mul3A_244 {strides = array<i32>} : memref<80x64xf32, #tpu.memory_space<vmem>>, vector<16xf32>,
      %get3A_248 = arith.index_cast %scan3A_225 : i32 to index
      %get3A_249 = arith.constant 48 : index
      %get3A_250 = tpu.vector_load %arg9[%get3A_248, %get3A_249] {strides = array<i32>} : memref<80x64xf32, #tpu.memory_space<vmem>>, vector<16xf32>,
      %mul3A_251 = arith.mulf %get3A_250, %gather3A : vector<16xf32>
      %swap3A_252 = arith.index_cast %scan3A_225 : i32 to index
      %swap3A_253 = arith.constant 48 : index
      %swap3A_254 = tpu.vector_load %arg9[%swap3A_252, %swap3A_253] {strides = array<i32>} : memref<80x64xf32, #tpu.memory_space<vmem>>, vector<16xf32>,
      tpu.vector_store %arg9[%swap3A_252, %swap3A_253], %mul3A_251 {strides = array<i32>} : memref<80x64xf32, #tpu.memory_space<vmem>>, vector<16xf32>,
    }
    %scan3A_160 = arith.constant 80 : i32
    %mul3A_161 = arith.constant 640 : i32
    %mul3A_162 = arith.muli %arg1, %mul3A_161 : i32
    %add3A_163 = arith.constant 560 : i32
    %add3A_164 = arith.addi %mul3A_162, %add3A_163 : i32
    "tpu.region"() ({
      %run_scoped3A = tpu.sem_alloc : memref<!tpu.dma_semaphore, #tpu.memory_space<semaphore_mem>>
      %dma_start3A_225 = arith.constant 0 : i32
      %dma_start3A_226 = tpu.memref_slice %arg15[%add3A_164, %dma_start3A_225] : memref<10240x64xf32, #tpu.memory_space<vmem_shared>> -> memref<80x64xf32, #tpu.memory_space<vmem_shared>>
      %dma_start3A_227 = arith.constant 0 : i32
      %dma_start3A_228 = tpu.memref_slice %arg15[%add3A_164, %dma_start3A_227] : memref<10240x64xf32, #tpu.memory_space<vmem_shared>> -> memref<80x64xf32, #tpu.memory_space<vmem_shared>>
      tpu.enqueue_dma source(%arg9 : memref<80x64xf32, #tpu.memory_space<vmem>>) target(%dma_start3A_228 : memref<80x64xf32, #tpu.memory_space<vmem_shared>>) target_semaphore(%run_scoped3A : memref<!tpu.dma_semaphore, #tpu.memory_space<semaphore_mem>>)
      %dma_wait3A_229 = arith.constant 0 : i32
      %dma_wait3A_230 = tpu.memref_slice %arg15[%add3A_164, %dma_wait3A_229] : memref<10240x64xf32, #tpu.memory_space<vmem_shared>> -> memref<80x64xf32, #tpu.memory_space<vmem_shared>>
      %dma_wait3A_231 = arith.constant 0 : i32
      %dma_wait3A_232 = tpu.memref_slice %arg15[%add3A_164, %dma_wait3A_231] : memref<10240x64xf32, #tpu.memory_space<vmem_shared>> -> memref<80x64xf32, #tpu.memory_space<vmem_shared>>
      tpu.wait_dma2 semaphore(%run_scoped3A : memref<!tpu.dma_semaphore, #tpu.memory_space<semaphore_mem>>) src(%arg9 : memref<80x64xf32, #tpu.memory_space<vmem>>) dst(%dma_wait3A_232 : memref<80x64xf32, #tpu.memory_space<vmem_shared>>)
      tpu.yield
    }) : () -> ()
    %barrier3A = arith.constant 0 : index
    tpu.barrier barrier_id(%barrier3A)
    %dma_start3A_165 = arith.constant 0 : i32
    %dma_start3A_166 = arith.constant 0 : i32
    %dma_start3A_167 = tpu.memref_slice %arg6[%dma_start3A_165, %dma_start3A_166] : memref<125x80xi32, #tpu.memory_space<vmem>> -> memref<1x80xi32, #tpu.memory_space<vmem>>
    %dma_start3A_168 = tpu.memref_squeeze %dma_start3A_167 : memref<1x80xi32, #tpu.memory_space<vmem>> -> memref<80xi32, #tpu.memory_space<vmem>>
    %dma_start3A_169 = arith.constant 0 : i32
    %dma_start3A_170 = arith.constant 0 : i32
    %dma_start3A_171 = tpu.memref_slice %arg15[%dma_start3A_169, %dma_start3A_170] : memref<10240x64xf32, #tpu.memory_space<vmem_shared>> -> memref<10240x64xf32, #tpu.memory_space<vmem_shared>>
    tpu.enqueue_indirect_dma source(%dma_start3A_171 : memref<10240x64xf32, #tpu.memory_space<vmem_shared>>) target(%arg8 : memref<80x64xf32, #tpu.memory_space<vmem>>) offsets(%dma_start3A_168 : memref<80xi32, #tpu.memory_space<vmem>>) semaphore(%arg17 : memref<!tpu.dma_semaphore, #tpu.memory_space<semaphore_mem>>)
    %dma_start3A_172 = arith.constant 1 : i32
    %dma_start3A_173 = arith.constant 0 : i32
    %dma_start3A_174 = tpu.memref_slice %arg6[%dma_start3A_172, %dma_start3A_173] : memref<125x80xi32, #tpu.memory_space<vmem>> -> memref<1x80xi32, #tpu.memory_space<vmem>>
    %dma_start3A_175 = tpu.memref_squeeze %dma_start3A_174 : memref<1x80xi32, #tpu.memory_space<vmem>> -> memref<80xi32, #tpu.memory_space<vmem>>
    %dma_start3A_176 = arith.constant 0 : i32
    %dma_start3A_177 = arith.constant 0 : i32
    %dma_start3A_178 = tpu.memref_slice %arg15[%dma_start3A_176, %dma_start3A_177] : memref<10240x64xf32, #tpu.memory_space<vmem_shared>> -> memref<10240x64xf32, #tpu.memory_space<vmem_shared>>
    tpu.enqueue_indirect_dma source(%dma_start3A_178 : memref<10240x64xf32, #tpu.memory_space<vmem_shared>>) target(%arg9 : memref<80x64xf32, #tpu.memory_space<vmem>>) offsets(%dma_start3A_175 : memref<80xi32, #tpu.memory_space<vmem>>) semaphore(%arg18 : memref<!tpu.dma_semaphore, #tpu.memory_space<semaphore_mem>>)
    %dma_start3A_179 = arith.constant 2 : i32
    %dma_start3A_180 = arith.constant 0 : i32
    %dma_start3A_181 = tpu.memref_slice %arg6[%dma_start3A_179, %dma_start3A_180] : memref<125x80xi32, #tpu.memory_space<vmem>> -> memref<1x80xi32, #tpu.memory_space<vmem>>
    %dma_start3A_182 = tpu.memref_squeeze %dma_start3A_181 : memref<1x80xi32, #tpu.memory_space<vmem>> -> memref<80xi32, #tpu.memory_space<vmem>>
    %dma_start3A_183 = arith.constant 0 : i32
    %dma_start3A_184 = arith.constant 0 : i32
    %dma_start3A_185 = tpu.memref_slice %arg15[%dma_start3A_183, %dma_start3A_184] : memref<10240x64xf32, #tpu.memory_space<vmem_shared>> -> memref<10240x64xf32, #tpu.memory_space<vmem_shared>>
    tpu.enqueue_indirect_dma source(%dma_start3A_185 : memref<10240x64xf32, #tpu.memory_space<vmem_shared>>) target(%arg10 : memref<80x64xf32, #tpu.memory_space<vmem>>) offsets(%dma_start3A_182 : memref<80xi32, #tpu.memory_space<vmem>>) semaphore(%arg19 : memref<!tpu.dma_semaphore, #tpu.memory_space<semaphore_mem>>)
    %scan3A_186 = arith.constant 0 : i32
    %scan3A_187 = arith.constant 0 : i32
    %scan3A_188 = arith.constant 31 : i32
    %scan3A_189 = arith.addi %scan3A_187, %scan3A_188 : i32
    %scan3A_190 = arith.constant 1 : i32
    scf.for %scan3A_225 = %scan3A_187 to %scan3A_189 step %scan3A_190  : i32 {
      %mul3A_226 = arith.constant 4 : i32
      %mul3A_227 = arith.muli %mul3A_226, %scan3A_225 : i32
      %add3A_228 = arith.constant 0 : i32
      %add3A_229 = arith.addi %mul3A_227, %add3A_228 : i32
      %dma_wait3A_230 = arith.constant 0 : i32
      %dma_wait3A_231 = tpu.memref_slice %arg6[%add3A_229, %dma_wait3A_230] : memref<125x80xi32, #tpu.memory_space<vmem>> -> memref<1x80xi32, #tpu.memory_space<vmem>>
      %dma_wait3A_232 = tpu.memref_squeeze %dma_wait3A_231 : memref<1x80xi32, #tpu.memory_space<vmem>> -> memref<80xi32, #tpu.memory_space<vmem>>
      %dma_wait3A_233 = arith.constant 0 : i32
      %dma_wait3A_234 = arith.constant 0 : i32
      %dma_wait3A_235 = tpu.memref_slice %arg15[%dma_wait3A_233, %dma_wait3A_234] : memref<10240x64xf32, #tpu.memory_space<vmem_shared>> -> memref<10240x64xf32, #tpu.memory_space<vmem_shared>>
      tpu.wait_indirect_dma semaphore(%arg17 : memref<!tpu.dma_semaphore, #tpu.memory_space<semaphore_mem>>) src(%dma_wait3A_235 : memref<10240x64xf32, #tpu.memory_space<vmem_shared>>) dst(%arg8 : memref<80x64xf32, #tpu.memory_space<vmem>>)
      %dma_start3A_236 = arith.constant 0 : i32
      %dma_start3A_237 = tpu.memref_slice %arg7[%add3A_229, %dma_start3A_236] : memref<125x80xi32, #tpu.memory_space<vmem>> -> memref<1x80xi32, #tpu.memory_space<vmem>>
      %dma_start3A_238 = tpu.memref_squeeze %dma_start3A_237 : memref<1x80xi32, #tpu.memory_space<vmem>> -> memref<80xi32, #tpu.memory_space<vmem>>
      %dma_start3A_239 = arith.constant 0 : i32
      %dma_start3A_240 = arith.constant 0 : i32
      %dma_start3A_241 = tpu.memref_slice %arg14[%dma_start3A_239, %dma_start3A_240] : memref<10240x64xf32, #tpu.memory_space<vmem_shared>> -> memref<10240x64xf32, #tpu.memory_space<vmem_shared>>
      tpu.enqueue_indirect_dma source(%arg8 : memref<80x64xf32, #tpu.memory_space<vmem>>) target(%dma_start3A_241 : memref<10240x64xf32, #tpu.memory_space<vmem_shared>>) offsets(%dma_start3A_238 : memref<80xi32, #tpu.memory_space<vmem>>) semaphore(%arg21 : memref<!tpu.dma_semaphore, #tpu.memory_space<semaphore_mem>>) {add = true}
      %ge3A = arith.constant 1 : i32
      %ge3A_242 = arith.cmpi sge, %add3A_229, %ge3A : i32
      %convert_element_type3A = arith.extui %ge3A_242 : i1 to i32
      %cond3A = arith.constant 0 : i32
      %cond3A_243 = arith.cmpi ne, %convert_element_type3A, %cond3A : i32
      scf.if %cond3A_243 {
        %dma_wait3A_334 = arith.constant 0 : i32
        %dma_wait3A_335 = arith.constant 0 : i32
        %dma_wait3A_336 = tpu.memref_slice %arg7[%dma_wait3A_334, %dma_wait3A_335] : memref<125x80xi32, #tpu.memory_space<vmem>> -> memref<1x80xi32, #tpu.memory_space<vmem>>
        %dma_wait3A_337 = tpu.memref_squeeze %dma_wait3A_336 : memref<1x80xi32, #tpu.memory_space<vmem>> -> memref<80xi32, #tpu.memory_space<vmem>>
        %dma_wait3A_338 = arith.constant 0 : i32
        %dma_wait3A_339 = arith.constant 0 : i32
        %dma_wait3A_340 = tpu.memref_slice %arg14[%dma_wait3A_338, %dma_wait3A_339] : memref<10240x64xf32, #tpu.memory_space<vmem_shared>> -> memref<10240x64xf32, #tpu.memory_space<vmem_shared>>
        tpu.wait_indirect_dma semaphore(%arg24 : memref<!tpu.dma_semaphore, #tpu.memory_space<semaphore_mem>>) src(%arg11 : memref<80x64xf32, #tpu.memory_space<vmem>>) dst(%dma_wait3A_340 : memref<10240x64xf32, #tpu.memory_space<vmem_shared>>)
      } else {
      }
      %add3A_244 = arith.constant 3 : i32
      %add3A_245 = arith.addi %add3A_229, %add3A_244 : i32
      %lt3A = arith.constant 125 : i32
      %lt3A_246 = arith.cmpi slt, %add3A_245, %lt3A : i32
      %convert_element_type3A_247 = arith.extui %lt3A_246 : i1 to i32
      %cond3A_248 = arith.constant 0 : i32
      %cond3A_249 = arith.cmpi ne, %convert_element_type3A_247, %cond3A_248 : i32
      scf.if %cond3A_249 {
        %add3A_334 = arith.constant 3 : i32
        %add3A_335 = arith.addi %add3A_229, %add3A_334 : i32
        %dma_start3A_336 = arith.constant 0 : i32
        %dma_start3A_337 = tpu.memref_slice %arg6[%add3A_335, %dma_start3A_336] : memref<125x80xi32, #tpu.memory_space<vmem>> -> memref<1x80xi32, #tpu.memory_space<vmem>>
        %dma_start3A_338 = tpu.memref_squeeze %dma_start3A_337 : memref<1x80xi32, #tpu.memory_space<vmem>> -> memref<80xi32, #tpu.memory_space<vmem>>
        %dma_start3A_339 = arith.constant 0 : i32
        %dma_start3A_340 = arith.constant 0 : i32
        %dma_start3A_341 = tpu.memref_slice %arg15[%dma_start3A_339, %dma_start3A_340] : memref<10240x64xf32, #tpu.memory_space<vmem_shared>> -> memref<10240x64xf32, #tpu.memory_space<vmem_shared>>
        tpu.enqueue_indirect_dma source(%dma_start3A_341 : memref<10240x64xf32, #tpu.memory_space<vmem_shared>>) target(%arg11 : memref<80x64xf32, #tpu.memory_space<vmem>>) offsets(%dma_start3A_338 : memref<80xi32, #tpu.memory_space<vmem>>) semaphore(%arg20 : memref<!tpu.dma_semaphore, #tpu.memory_space<semaphore_mem>>)
      } else {
      }
      %mul3A_250 = arith.constant 4 : i32
      %mul3A_251 = arith.muli %mul3A_250, %scan3A_225 : i32
      %add3A_252 = arith.constant 1 : i32
      %add3A_253 = arith.addi %mul3A_251, %add3A_252 : i32
      %dma_wait3A_254 = arith.constant 0 : i32
      %dma_wait3A_255 = tpu.memref_slice %arg6[%add3A_253, %dma_wait3A_254] : memref<125x80xi32, #tpu.memory_space<vmem>> -> memref<1x80xi32, #tpu.memory_space<vmem>>
      %dma_wait3A_256 = tpu.memref_squeeze %dma_wait3A_255 : memref<1x80xi32, #tpu.memory_space<vmem>> -> memref<80xi32, #tpu.memory_space<vmem>>
      %dma_wait3A_257 = arith.constant 0 : i32
      %dma_wait3A_258 = arith.constant 0 : i32
      %dma_wait3A_259 = tpu.memref_slice %arg15[%dma_wait3A_257, %dma_wait3A_258] : memref<10240x64xf32, #tpu.memory_space<vmem_shared>> -> memref<10240x64xf32, #tpu.memory_space<vmem_shared>>
      tpu.wait_indirect_dma semaphore(%arg18 : memref<!tpu.dma_semaphore, #tpu.memory_space<semaphore_mem>>) src(%dma_wait3A_259 : memref<10240x64xf32, #tpu.memory_space<vmem_shared>>) dst(%arg9 : memref<80x64xf32, #tpu.memory_space<vmem>>)
      %dma_start3A_260 = arith.constant 0 : i32
      %dma_start3A_261 = tpu.memref_slice %arg7[%add3A_253, %dma_start3A_260] : memref<125x80xi32, #tpu.memory_space<vmem>> -> memref<1x80xi32, #tpu.memory_space<vmem>>
      %dma_start3A_262 = tpu.memref_squeeze %dma_start3A_261 : memref<1x80xi32, #tpu.memory_space<vmem>> -> memref<80xi32, #tpu.memory_space<vmem>>
      %dma_start3A_263 = arith.constant 0 : i32
      %dma_start3A_264 = arith.constant 0 : i32
      %dma_start3A_265 = tpu.memref_slice %arg14[%dma_start3A_263, %dma_start3A_264] : memref<10240x64xf32, #tpu.memory_space<vmem_shared>> -> memref<10240x64xf32, #tpu.memory_space<vmem_shared>>
      tpu.enqueue_indirect_dma source(%arg9 : memref<80x64xf32, #tpu.memory_space<vmem>>) target(%dma_start3A_265 : memref<10240x64xf32, #tpu.memory_space<vmem_shared>>) offsets(%dma_start3A_262 : memref<80xi32, #tpu.memory_space<vmem>>) semaphore(%arg22 : memref<!tpu.dma_semaphore, #tpu.memory_space<semaphore_mem>>) {add = true}
      %ge3A_266 = arith.constant 1 : i32
      %ge3A_267 = arith.cmpi sge, %add3A_253, %ge3A_266 : i32
      %convert_element_type3A_268 = arith.extui %ge3A_267 : i1 to i32
      %cond3A_269 = arith.constant 0 : i32
      %cond3A_270 = arith.cmpi ne, %convert_element_type3A_268, %cond3A_269 : i32
      scf.if %cond3A_270 {
        %dma_wait3A_334 = arith.constant 0 : i32
        %dma_wait3A_335 = arith.constant 0 : i32
        %dma_wait3A_336 = tpu.memref_slice %arg7[%dma_wait3A_334, %dma_wait3A_335] : memref<125x80xi32, #tpu.memory_space<vmem>> -> memref<1x80xi32, #tpu.memory_space<vmem>>
        %dma_wait3A_337 = tpu.memref_squeeze %dma_wait3A_336 : memref<1x80xi32, #tpu.memory_space<vmem>> -> memref<80xi32, #tpu.memory_space<vmem>>
        %dma_wait3A_338 = arith.constant 0 : i32
        %dma_wait3A_339 = arith.constant 0 : i32
        %dma_wait3A_340 = tpu.memref_slice %arg14[%dma_wait3A_338, %dma_wait3A_339] : memref<10240x64xf32, #tpu.memory_space<vmem_shared>> -> memref<10240x64xf32, #tpu.memory_space<vmem_shared>>
        tpu.wait_indirect_dma semaphore(%arg21 : memref<!tpu.dma_semaphore, #tpu.memory_space<semaphore_mem>>) src(%arg8 : memref<80x64xf32, #tpu.memory_space<vmem>>) dst(%dma_wait3A_340 : memref<10240x64xf32, #tpu.memory_space<vmem_shared>>)
      } else {
      }
      %add3A_271 = arith.constant 3 : i32
      %add3A_272 = arith.addi %add3A_253, %add3A_271 : i32
      %lt3A_273 = arith.constant 125 : i32
      %lt3A_274 = arith.cmpi slt, %add3A_272, %lt3A_273 : i32
      %convert_element_type3A_275 = arith.extui %lt3A_274 : i1 to i32
      %cond3A_276 = arith.constant 0 : i32
      %cond3A_277 = arith.cmpi ne, %convert_element_type3A_275, %cond3A_276 : i32
      scf.if %cond3A_277 {
        %add3A_334 = arith.constant 3 : i32
        %add3A_335 = arith.addi %add3A_253, %add3A_334 : i32
        %dma_start3A_336 = arith.constant 0 : i32
        %dma_start3A_337 = tpu.memref_slice %arg6[%add3A_335, %dma_start3A_336] : memref<125x80xi32, #tpu.memory_space<vmem>> -> memref<1x80xi32, #tpu.memory_space<vmem>>
        %dma_start3A_338 = tpu.memref_squeeze %dma_start3A_337 : memref<1x80xi32, #tpu.memory_space<vmem>> -> memref<80xi32, #tpu.memory_space<vmem>>
        %dma_start3A_339 = arith.constant 0 : i32
        %dma_start3A_340 = arith.constant 0 : i32
        %dma_start3A_341 = tpu.memref_slice %arg15[%dma_start3A_339, %dma_start3A_340] : memref<10240x64xf32, #tpu.memory_space<vmem_shared>> -> memref<10240x64xf32, #tpu.memory_space<vmem_shared>>
        tpu.enqueue_indirect_dma source(%dma_start3A_341 : memref<10240x64xf32, #tpu.memory_space<vmem_shared>>) target(%arg8 : memref<80x64xf32, #tpu.memory_space<vmem>>) offsets(%dma_start3A_338 : memref<80xi32, #tpu.memory_space<vmem>>) semaphore(%arg17 : memref<!tpu.dma_semaphore, #tpu.memory_space<semaphore_mem>>)
      } else {
      }
      %mul3A_278 = arith.constant 4 : i32
      %mul3A_279 = arith.muli %mul3A_278, %scan3A_225 : i32
      %add3A_280 = arith.constant 2 : i32
      %add3A_281 = arith.addi %mul3A_279, %add3A_280 : i32
      %dma_wait3A_282 = arith.constant 0 : i32
      %dma_wait3A_283 = tpu.memref_slice %arg6[%add3A_281, %dma_wait3A_282] : memref<125x80xi32, #tpu.memory_space<vmem>> -> memref<1x80xi32, #tpu.memory_space<vmem>>
      %dma_wait3A_284 = tpu.memref_squeeze %dma_wait3A_283 : memref<1x80xi32, #tpu.memory_space<vmem>> -> memref<80xi32, #tpu.memory_space<vmem>>
      %dma_wait3A_285 = arith.constant 0 : i32
      %dma_wait3A_286 = arith.constant 0 : i32
      %dma_wait3A_287 = tpu.memref_slice %arg15[%dma_wait3A_285, %dma_wait3A_286] : memref<10240x64xf32, #tpu.memory_space<vmem_shared>> -> memref<10240x64xf32, #tpu.memory_space<vmem_shared>>
      tpu.wait_indirect_dma semaphore(%arg19 : memref<!tpu.dma_semaphore, #tpu.memory_space<semaphore_mem>>) src(%dma_wait3A_287 : memref<10240x64xf32, #tpu.memory_space<vmem_shared>>) dst(%arg10 : memref<80x64xf32, #tpu.memory_space<vmem>>)
      %dma_start3A_288 = arith.constant 0 : i32
      %dma_start3A_289 = tpu.memref_slice %arg7[%add3A_281, %dma_start3A_288] : memref<125x80xi32, #tpu.memory_space<vmem>> -> memref<1x80xi32, #tpu.memory_space<vmem>>
      %dma_start3A_290 = tpu.memref_squeeze %dma_start3A_289 : memref<1x80xi32, #tpu.memory_space<vmem>> -> memref<80xi32, #tpu.memory_space<vmem>>
      %dma_start3A_291 = arith.constant 0 : i32
      %dma_start3A_292 = arith.constant 0 : i32
      %dma_start3A_293 = tpu.memref_slice %arg14[%dma_start3A_291, %dma_start3A_292] : memref<10240x64xf32, #tpu.memory_space<vmem_shared>> -> memref<10240x64xf32, #tpu.memory_space<vmem_shared>>
      tpu.enqueue_indirect_dma source(%arg10 : memref<80x64xf32, #tpu.memory_space<vmem>>) target(%dma_start3A_293 : memref<10240x64xf32, #tpu.memory_space<vmem_shared>>) offsets(%dma_start3A_290 : memref<80xi32, #tpu.memory_space<vmem>>) semaphore(%arg23 : memref<!tpu.dma_semaphore, #tpu.memory_space<semaphore_mem>>) {add = true}
      %ge3A_294 = arith.constant 1 : i32
      %ge3A_295 = arith.cmpi sge, %add3A_281, %ge3A_294 : i32
      %convert_element_type3A_296 = arith.extui %ge3A_295 : i1 to i32
      %cond3A_297 = arith.constant 0 : i32
      %cond3A_298 = arith.cmpi ne, %convert_element_type3A_296, %cond3A_297 : i32
      scf.if %cond3A_298 {
        %dma_wait3A_334 = arith.constant 0 : i32
        %dma_wait3A_335 = arith.constant 0 : i32
        %dma_wait3A_336 = tpu.memref_slice %arg7[%dma_wait3A_334, %dma_wait3A_335] : memref<125x80xi32, #tpu.memory_space<vmem>> -> memref<1x80xi32, #tpu.memory_space<vmem>>
        %dma_wait3A_337 = tpu.memref_squeeze %dma_wait3A_336 : memref<1x80xi32, #tpu.memory_space<vmem>> -> memref<80xi32, #tpu.memory_space<vmem>>
        %dma_wait3A_338 = arith.constant 0 : i32
        %dma_wait3A_339 = arith.constant 0 : i32
        %dma_wait3A_340 = tpu.memref_slice %arg14[%dma_wait3A_338, %dma_wait3A_339] : memref<10240x64xf32, #tpu.memory_space<vmem_shared>> -> memref<10240x64xf32, #tpu.memory_space<vmem_shared>>
        tpu.wait_indirect_dma semaphore(%arg22 : memref<!tpu.dma_semaphore, #tpu.memory_space<semaphore_mem>>) src(%arg9 : memref<80x64xf32, #tpu.memory_space<vmem>>) dst(%dma_wait3A_340 : memref<10240x64xf32, #tpu.memory_space<vmem_shared>>)
      } else {
      }
      %add3A_299 = arith.constant 3 : i32
      %add3A_300 = arith.addi %add3A_281, %add3A_299 : i32
      %lt3A_301 = arith.constant 125 : i32
      %lt3A_302 = arith.cmpi slt, %add3A_300, %lt3A_301 : i32
      %convert_element_type3A_303 = arith.extui %lt3A_302 : i1 to i32
      %cond3A_304 = arith.constant 0 : i32
      %cond3A_305 = arith.cmpi ne, %convert_element_type3A_303, %cond3A_304 : i32
      scf.if %cond3A_305 {
        %add3A_334 = arith.constant 3 : i32
        %add3A_335 = arith.addi %add3A_281, %add3A_334 : i32
        %dma_start3A_336 = arith.constant 0 : i32
        %dma_start3A_337 = tpu.memref_slice %arg6[%add3A_335, %dma_start3A_336] : memref<125x80xi32, #tpu.memory_space<vmem>> -> memref<1x80xi32, #tpu.memory_space<vmem>>
        %dma_start3A_338 = tpu.memref_squeeze %dma_start3A_337 : memref<1x80xi32, #tpu.memory_space<vmem>> -> memref<80xi32, #tpu.memory_space<vmem>>
        %dma_start3A_339 = arith.constant 0 : i32
        %dma_start3A_340 = arith.constant 0 : i32
        %dma_start3A_341 = tpu.memref_slice %arg15[%dma_start3A_339, %dma_start3A_340] : memref<10240x64xf32, #tpu.memory_space<vmem_shared>> -> memref<10240x64xf32, #tpu.memory_space<vmem_shared>>
        tpu.enqueue_indirect_dma source(%dma_start3A_341 : memref<10240x64xf32, #tpu.memory_space<vmem_shared>>) target(%arg9 : memref<80x64xf32, #tpu.memory_space<vmem>>) offsets(%dma_start3A_338 : memref<80xi32, #tpu.memory_space<vmem>>) semaphore(%arg18 : memref<!tpu.dma_semaphore, #tpu.memory_space<semaphore_mem>>)
      } else {
      }
      %mul3A_306 = arith.constant 4 : i32
      %mul3A_307 = arith.muli %mul3A_306, %scan3A_225 : i32
      %add3A_308 = arith.constant 3 : i32
      %add3A_309 = arith.addi %mul3A_307, %add3A_308 : i32
      %dma_wait3A_310 = arith.constant 0 : i32
      %dma_wait3A_311 = tpu.memref_slice %arg6[%add3A_309, %dma_wait3A_310] : memref<125x80xi32, #tpu.memory_space<vmem>> -> memref<1x80xi32, #tpu.memory_space<vmem>>
      %dma_wait3A_312 = tpu.memref_squeeze %dma_wait3A_311 : memref<1x80xi32, #tpu.memory_space<vmem>> -> memref<80xi32, #tpu.memory_space<vmem>>
      %dma_wait3A_313 = arith.constant 0 : i32
      %dma_wait3A_314 = arith.constant 0 : i32
      %dma_wait3A_315 = tpu.memref_slice %arg15[%dma_wait3A_313, %dma_wait3A_314] : memref<10240x64xf32, #tpu.memory_space<vmem_shared>> -> memref<10240x64xf32, #tpu.memory_space<vmem_shared>>
      tpu.wait_indirect_dma semaphore(%arg20 : memref<!tpu.dma_semaphore, #tpu.memory_space<semaphore_mem>>) src(%dma_wait3A_315 : memref<10240x64xf32, #tpu.memory_space<vmem_shared>>) dst(%arg11 : memref<80x64xf32, #tpu.memory_space<vmem>>)
      %dma_start3A_316 = arith.constant 0 : i32
      %dma_start3A_317 = tpu.memref_slice %arg7[%add3A_309, %dma_start3A_316] : memref<125x80xi32, #tpu.memory_space<vmem>> -> memref<1x80xi32, #tpu.memory_space<vmem>>
      %dma_start3A_318 = tpu.memref_squeeze %dma_start3A_317 : memref<1x80xi32, #tpu.memory_space<vmem>> -> memref<80xi32, #tpu.memory_space<vmem>>
      %dma_start3A_319 = arith.constant 0 : i32
      %dma_start3A_320 = arith.constant 0 : i32
      %dma_start3A_321 = tpu.memref_slice %arg14[%dma_start3A_319, %dma_start3A_320] : memref<10240x64xf32, #tpu.memory_space<vmem_shared>> -> memref<10240x64xf32, #tpu.memory_space<vmem_shared>>
      tpu.enqueue_indirect_dma source(%arg11 : memref<80x64xf32, #tpu.memory_space<vmem>>) target(%dma_start3A_321 : memref<10240x64xf32, #tpu.memory_space<vmem_shared>>) offsets(%dma_start3A_318 : memref<80xi32, #tpu.memory_space<vmem>>) semaphore(%arg24 : memref<!tpu.dma_semaphore, #tpu.memory_space<semaphore_mem>>) {add = true}
      %ge3A_322 = arith.constant 1 : i32
      %ge3A_323 = arith.cmpi sge, %add3A_309, %ge3A_322 : i32
      %convert_element_type3A_324 = arith.extui %ge3A_323 : i1 to i32
      %cond3A_325 = arith.constant 0 : i32
      %cond3A_326 = arith.cmpi ne, %convert_element_type3A_324, %cond3A_325 : i32
      scf.if %cond3A_326 {
        %dma_wait3A_334 = arith.constant 0 : i32
        %dma_wait3A_335 = arith.constant 0 : i32
        %dma_wait3A_336 = tpu.memref_slice %arg7[%dma_wait3A_334, %dma_wait3A_335] : memref<125x80xi32, #tpu.memory_space<vmem>> -> memref<1x80xi32, #tpu.memory_space<vmem>>
        %dma_wait3A_337 = tpu.memref_squeeze %dma_wait3A_336 : memref<1x80xi32, #tpu.memory_space<vmem>> -> memref<80xi32, #tpu.memory_space<vmem>>
        %dma_wait3A_338 = arith.constant 0 : i32
        %dma_wait3A_339 = arith.constant 0 : i32
        %dma_wait3A_340 = tpu.memref_slice %arg14[%dma_wait3A_338, %dma_wait3A_339] : memref<10240x64xf32, #tpu.memory_space<vmem_shared>> -> memref<10240x64xf32, #tpu.memory_space<vmem_shared>>
        tpu.wait_indirect_dma semaphore(%arg23 : memref<!tpu.dma_semaphore, #tpu.memory_space<semaphore_mem>>) src(%arg10 : memref<80x64xf32, #tpu.memory_space<vmem>>) dst(%dma_wait3A_340 : memref<10240x64xf32, #tpu.memory_space<vmem_shared>>)
      } else {
      }
      %add3A_327 = arith.constant 3 : i32
      %add3A_328 = arith.addi %add3A_309, %add3A_327 : i32
      %lt3A_329 = arith.constant 125 : i32
      %lt3A_330 = arith.cmpi slt, %add3A_328, %lt3A_329 : i32
      %convert_element_type3A_331 = arith.extui %lt3A_330 : i1 to i32
      %cond3A_332 = arith.constant 0 : i32
      %cond3A_333 = arith.cmpi ne, %convert_element_type3A_331, %cond3A_332 : i32
      scf.if %cond3A_333 {
        %add3A_334 = arith.constant 3 : i32
        %add3A_335 = arith.addi %add3A_309, %add3A_334 : i32
        %dma_start3A_336 = arith.constant 0 : i32
        %dma_start3A_337 = tpu.memref_slice %arg6[%add3A_335, %dma_start3A_336] : memref<125x80xi32, #tpu.memory_space<vmem>> -> memref<1x80xi32, #tpu.memory_space<vmem>>
        %dma_start3A_338 = tpu.memref_squeeze %dma_start3A_337 : memref<1x80xi32, #tpu.memory_space<vmem>> -> memref<80xi32, #tpu.memory_space<vmem>>
        %dma_start3A_339 = arith.constant 0 : i32
        %dma_start3A_340 = arith.constant 0 : i32
        %dma_start3A_341 = tpu.memref_slice %arg15[%dma_start3A_339, %dma_start3A_340] : memref<10240x64xf32, #tpu.memory_space<vmem_shared>> -> memref<10240x64xf32, #tpu.memory_space<vmem_shared>>
        tpu.enqueue_indirect_dma source(%dma_start3A_341 : memref<10240x64xf32, #tpu.memory_space<vmem_shared>>) target(%arg10 : memref<80x64xf32, #tpu.memory_space<vmem>>) offsets(%dma_start3A_338 : memref<80xi32, #tpu.memory_space<vmem>>) semaphore(%arg19 : memref<!tpu.dma_semaphore, #tpu.memory_space<semaphore_mem>>)
      } else {
      }
    }
    %scan3A_191 = arith.constant 31 : i32
    %dma_wait3A_192 = arith.constant 124 : i32
    %dma_wait3A_193 = arith.constant 0 : i32
    %dma_wait3A_194 = tpu.memref_slice %arg6[%dma_wait3A_192, %dma_wait3A_193] : memref<125x80xi32, #tpu.memory_space<vmem>> -> memref<1x80xi32, #tpu.memory_space<vmem>>
    %dma_wait3A_195 = tpu.memref_squeeze %dma_wait3A_194 : memref<1x80xi32, #tpu.memory_space<vmem>> -> memref<80xi32, #tpu.memory_space<vmem>>
    %dma_wait3A_196 = arith.constant 0 : i32
    %dma_wait3A_197 = arith.constant 0 : i32
    %dma_wait3A_198 = tpu.memref_slice %arg15[%dma_wait3A_196, %dma_wait3A_197] : memref<10240x64xf32, #tpu.memory_space<vmem_shared>> -> memref<10240x64xf32, #tpu.memory_space<vmem_shared>>
    tpu.wait_indirect_dma semaphore(%arg17 : memref<!tpu.dma_semaphore, #tpu.memory_space<semaphore_mem>>) src(%dma_wait3A_198 : memref<10240x64xf32, #tpu.memory_space<vmem_shared>>) dst(%arg8 : memref<80x64xf32, #tpu.memory_space<vmem>>)
    %dma_start3A_199 = arith.constant 124 : i32
    %dma_start3A_200 = arith.constant 0 : i32
    %dma_start3A_201 = tpu.memref_slice %arg7[%dma_start3A_199, %dma_start3A_200] : memref<125x80xi32, #tpu.memory_space<vmem>> -> memref<1x80xi32, #tpu.memory_space<vmem>>
    %dma_start3A_202 = tpu.memref_squeeze %dma_start3A_201 : memref<1x80xi32, #tpu.memory_space<vmem>> -> memref<80xi32, #tpu.memory_space<vmem>>
    %dma_start3A_203 = arith.constant 0 : i32
    %dma_start3A_204 = arith.constant 0 : i32
    %dma_start3A_205 = tpu.memref_slice %arg14[%dma_start3A_203, %dma_start3A_204] : memref<10240x64xf32, #tpu.memory_space<vmem_shared>> -> memref<10240x64xf32, #tpu.memory_space<vmem_shared>>
    tpu.enqueue_indirect_dma source(%arg8 : memref<80x64xf32, #tpu.memory_space<vmem>>) target(%dma_start3A_205 : memref<10240x64xf32, #tpu.memory_space<vmem_shared>>) offsets(%dma_start3A_202 : memref<80xi32, #tpu.memory_space<vmem>>) semaphore(%arg21 : memref<!tpu.dma_semaphore, #tpu.memory_space<semaphore_mem>>) {add = true}
    %dma_wait3A_206 = arith.constant 0 : i32
    %dma_wait3A_207 = arith.constant 0 : i32
    %dma_wait3A_208 = tpu.memref_slice %arg7[%dma_wait3A_206, %dma_wait3A_207] : memref<125x80xi32, #tpu.memory_space<vmem>> -> memref<1x80xi32, #tpu.memory_space<vmem>>
    %dma_wait3A_209 = tpu.memref_squeeze %dma_wait3A_208 : memref<1x80xi32, #tpu.memory_space<vmem>> -> memref<80xi32, #tpu.memory_space<vmem>>
    %dma_wait3A_210 = arith.constant 0 : i32
    %dma_wait3A_211 = arith.constant 0 : i32
    %dma_wait3A_212 = tpu.memref_slice %arg14[%dma_wait3A_210, %dma_wait3A_211] : memref<10240x64xf32, #tpu.memory_space<vmem_shared>> -> memref<10240x64xf32, #tpu.memory_space<vmem_shared>>
    tpu.wait_indirect_dma semaphore(%arg24 : memref<!tpu.dma_semaphore, #tpu.memory_space<semaphore_mem>>) src(%arg11 : memref<80x64xf32, #tpu.memory_space<vmem>>) dst(%dma_wait3A_212 : memref<10240x64xf32, #tpu.memory_space<vmem_shared>>)
    %dma_wait3A_213 = arith.constant 0 : i32
    %dma_wait3A_214 = arith.constant 0 : i32
    %dma_wait3A_215 = tpu.memref_slice %arg7[%dma_wait3A_213, %dma_wait3A_214] : memref<125x80xi32, #tpu.memory_space<vmem>> -> memref<1x80xi32, #tpu.memory_space<vmem>>
    %dma_wait3A_216 = tpu.memref_squeeze %dma_wait3A_215 : memref<1x80xi32, #tpu.memory_space<vmem>> -> memref<80xi32, #tpu.memory_space<vmem>>
    %dma_wait3A_217 = arith.constant 0 : i32
    %dma_wait3A_218 = arith.constant 0 : i32
    %dma_wait3A_219 = tpu.memref_slice %arg14[%dma_wait3A_217, %dma_wait3A_218] : memref<10240x64xf32, #tpu.memory_space<vmem_shared>> -> memref<10240x64xf32, #tpu.memory_space<vmem_shared>>
    tpu.wait_indirect_dma semaphore(%arg21 : memref<!tpu.dma_semaphore, #tpu.memory_space<semaphore_mem>>) src(%arg8 : memref<80x64xf32, #tpu.memory_space<vmem>>) dst(%dma_wait3A_219 : memref<10240x64xf32, #tpu.memory_space<vmem_shared>>)
    %barrier3A_220 = arith.constant 0 : index
    tpu.barrier barrier_id(%barrier3A_220)
    %mul3A_221 = arith.constant 640 : i32
    %mul3A_222 = arith.muli %arg1, %mul3A_221 : i32
    %mul3A_223 = arith.constant 640 : i32
    %mul3A_224 = arith.muli %arg1, %mul3A_223 : i32
    "tpu.region"() ({
      %run_scoped3A = tpu.sem_alloc : memref<!tpu.dma_semaphore, #tpu.memory_space<semaphore_mem>>
      %dma_start3A_225 = arith.constant 0 : i32
      %dma_start3A_226 = tpu.memref_slice %arg5[%arg0, %mul3A_224, %dma_start3A_225] : memref<2x10240x64xf32, #tpu.memory_space<hbm>> -> memref<1x640x64xf32, #tpu.memory_space<hbm>>
      %dma_start3A_227 = tpu.memref_squeeze %dma_start3A_226 : memref<1x640x64xf32, #tpu.memory_space<hbm>> -> memref<640x64xf32, #tpu.memory_space<hbm>>
      %dma_start3A_228 = arith.constant 0 : i32
      %dma_start3A_229 = tpu.memref_slice %arg14[%mul3A_222, %dma_start3A_228] : memref<10240x64xf32, #tpu.memory_space<vmem_shared>> -> memref<640x64xf32, #tpu.memory_space<vmem_shared>>
      tpu.enqueue_dma source(%dma_start3A_229 : memref<640x64xf32, #tpu.memory_space<vmem_shared>>) target(%dma_start3A_227 : memref<640x64xf32, #tpu.memory_space<hbm>>) target_semaphore(%run_scoped3A : memref<!tpu.dma_semaphore, #tpu.memory_space<semaphore_mem>>)
      %dma_wait3A_230 = arith.constant 0 : i32
      %dma_wait3A_231 = tpu.memref_slice %arg5[%arg0, %mul3A_224, %dma_wait3A_230] : memref<2x10240x64xf32, #tpu.memory_space<hbm>> -> memref<1x640x64xf32, #tpu.memory_space<hbm>>
      %dma_wait3A_232 = tpu.memref_squeeze %dma_wait3A_231 : memref<1x640x64xf32, #tpu.memory_space<hbm>> -> memref<640x64xf32, #tpu.memory_space<hbm>>
      %dma_wait3A_233 = arith.constant 0 : i32
      %dma_wait3A_234 = tpu.memref_slice %arg14[%mul3A_222, %dma_wait3A_233] : memref<10240x64xf32, #tpu.memory_space<vmem_shared>> -> memref<640x64xf32, #tpu.memory_space<vmem_shared>>
      tpu.wait_dma2 semaphore(%run_scoped3A : memref<!tpu.dma_semaphore, #tpu.memory_space<semaphore_mem>>) src(%dma_wait3A_234 : memref<640x64xf32, #tpu.memory_space<vmem_shared>>) dst(%dma_wait3A_232 : memref<640x64xf32, #tpu.memory_space<hbm>>)
      tpu.yield
    }) : () -> ()
    return
  }
}

module attributes {stable_mosaic.version = 14 : i64} {
  func.func @_mm_body(%arg0: memref<10000x128xf32, #tpu.memory_space<vmem>>, %arg1: memref<128x64xf32, #tpu.memory_space<vmem>>, %arg2: memref<10240x64xf32, #tpu.memory_space<vmem>>) attributes {dimension_semantics = [], scalar_prefetch = 0 : i64, scratch_operands = 0 : i64, tpu.core_type = #tpu.core_type<tc>} {
    %get3A = arith.constant 0 : index
    %get3A_0 = arith.constant 0 : index
    %get3A_1 = vector.load %arg0[%get3A, %get3A_0] : memref<10000x128xf32, #tpu.memory_space<vmem>>, vector<10000x128xf32>
    %get3A_2 = arith.constant 0 : index
    %get3A_3 = arith.constant 0 : index
    %get3A_4 = vector.load %arg1[%get3A_2, %get3A_3] : memref<128x64xf32, #tpu.memory_space<vmem>>, vector<128x64xf32>
    %dot_general3A = arith.constant dense<0.000000e+00> : vector<10000x64xf32>
    %dot_general3A_5 = tpu.matmul %get3A_1, %get3A_4, %dot_general3A {dimension_numbers = #tpu.dot_dimension_numbers<[1], [0], [0], [1], [0, 0, 1, 1], [], []>, transpose_lhs_hint = false} : vector<10000x128xf32>, vector<128x64xf32>, vector<10000x64xf32> -> vector<10000x64xf32>
    %swap3A = arith.constant 0 : index
    %swap3A_6 = arith.constant 0 : index
    %swap3A_7 = vector.load %arg2[%swap3A, %swap3A_6] : memref<10240x64xf32, #tpu.memory_space<vmem>>, vector<10000x64xf32>
    tpu.vector_store %arg2[%swap3A, %swap3A_6], %dot_general3A_5 {strides = array<i32>} : memref<10240x64xf32, #tpu.memory_space<vmem>>, vector<10000x64xf32>,
    %broadcast_in_dim3A = arith.constant 0.000000e+00 : f32
    %broadcast_in_dim3A_8 = vector.broadcast %broadcast_in_dim3A : f32 to vector<240x64xf32>
    %swap3A_9 = arith.constant 10000 : index
    %swap3A_10 = arith.constant 0 : index
    %swap3A_11 = vector.load %arg2[%swap3A_9, %swap3A_10] : memref<10240x64xf32, #tpu.memory_space<vmem>>, vector<240x64xf32>
    tpu.vector_store %arg2[%swap3A_9, %swap3A_10], %broadcast_in_dim3A_8 {strides = array<i32>} : memref<10240x64xf32, #tpu.memory_space<vmem>>, vector<240x64xf32>,
    return
  }
}

module attributes {stable_mosaic.version = 14 : i64} {
  func.func @_mid_body(%arg0: memref<2x10240x64xf32, #tpu.memory_space<vmem>>, %arg1: memref<10240x1xf32, #tpu.memory_space<vmem>>, %arg2: memref<10240x1xf32, #tpu.memory_space<vmem>>, %arg3: memref<1x64xf32, #tpu.memory_space<vmem>>, %arg4: memref<64x16xf32, #tpu.memory_space<vmem>>, %arg5: memref<10240x16xf32, #tpu.memory_space<vmem>>) attributes {dimension_semantics = [], scalar_prefetch = 0 : i64, scratch_operands = 0 : i64, tpu.core_type = #tpu.core_type<tc>} {
    %get3A = arith.constant 0 : index
    %get3A_0 = arith.constant 0 : index
    %get3A_1 = arith.constant 0 : index
    %get3A_2 = vector.load %arg0[%get3A, %get3A_0, %get3A_1] : memref<2x10240x64xf32, #tpu.memory_space<vmem>>, vector<1x10240x64xf32>
    %get3A_3 = vector.shape_cast %get3A_2 : vector<1x10240x64xf32> to vector<10240x64xf32>
    %get3A_4 = arith.constant 1 : index
    %get3A_5 = arith.constant 0 : index
    %get3A_6 = arith.constant 0 : index
    %get3A_7 = vector.load %arg0[%get3A_4, %get3A_5, %get3A_6] : memref<2x10240x64xf32, #tpu.memory_space<vmem>>, vector<1x10240x64xf32>
    %get3A_8 = vector.shape_cast %get3A_7 : vector<1x10240x64xf32> to vector<10240x64xf32>
    %add3A = arith.addf %get3A_3, %get3A_8 : vector<10240x64xf32>
    %get3A_9 = arith.constant 0 : index
    %get3A_10 = arith.constant 0 : index
    %get3A_11 = vector.load %arg1[%get3A_9, %get3A_10] : memref<10240x1xf32, #tpu.memory_space<vmem>>, vector<10240x1xf32>
    %mul3A = vector.broadcast %get3A_11 : vector<10240x1xf32> to vector<10240x64xf32>
    %mul3A_12 = arith.mulf %add3A, %mul3A : vector<10240x64xf32>
    %get3A_13 = arith.constant 0 : index
    %get3A_14 = arith.constant 0 : index
    %get3A_15 = vector.load %arg3[%get3A_13, %get3A_14] : memref<1x64xf32, #tpu.memory_space<vmem>>, vector<1x64xf32>
    %add3A_16 = vector.broadcast %get3A_15 : vector<1x64xf32> to vector<10240x64xf32>
    %add3A_17 = arith.addf %mul3A_12, %add3A_16 : vector<10240x64xf32>
    %max3A = arith.constant 0.000000e+00 : f32
    %max3A_18 = vector.broadcast %max3A : f32 to vector<10240x64xf32>
    %max3A_19 = arith.maximumf %add3A_17, %max3A_18 : vector<10240x64xf32>
    %get3A_20 = arith.constant 0 : index
    %get3A_21 = arith.constant 0 : index
    %get3A_22 = vector.load %arg2[%get3A_20, %get3A_21] : memref<10240x1xf32, #tpu.memory_space<vmem>>, vector<10240x1xf32>
    %mul3A_23 = vector.broadcast %get3A_22 : vector<10240x1xf32> to vector<10240x64xf32>
    %mul3A_24 = arith.mulf %max3A_19, %mul3A_23 : vector<10240x64xf32>
    %get3A_25 = arith.constant 0 : index
    %get3A_26 = arith.constant 0 : index
    %get3A_27 = vector.load %arg4[%get3A_25, %get3A_26] : memref<64x16xf32, #tpu.memory_space<vmem>>, vector<64x16xf32>
    %dot_general3A = arith.constant dense<0.000000e+00> : vector<10240x16xf32>
    %dot_general3A_28 = tpu.matmul %mul3A_24, %get3A_27, %dot_general3A {dimension_numbers = #tpu.dot_dimension_numbers<[1], [0], [0], [1], [0, 0, 1, 1], [], []>, transpose_lhs_hint = false} : vector<10240x64xf32>, vector<64x16xf32>, vector<10240x16xf32> -> vector<10240x16xf32>
    %swap3A = arith.constant 0 : index
    %swap3A_29 = arith.constant 0 : index
    %swap3A_30 = vector.load %arg5[%swap3A, %swap3A_29] : memref<10240x16xf32, #tpu.memory_space<vmem>>, vector<10240x16xf32>
    tpu.vector_store %arg5[%swap3A, %swap3A_29], %dot_general3A_28 {strides = array<i32>} : memref<10240x16xf32, #tpu.memory_space<vmem>>, vector<10240x16xf32>,
    return
  }
}

module attributes {stable_mosaic.version = 14 : i64} {
  func.func @_fin_body(%arg0: memref<2x10240x16xf32, #tpu.memory_space<vmem>>, %arg1: memref<10240x1xf32, #tpu.memory_space<vmem>>, %arg2: memref<1x16xf32, #tpu.memory_space<vmem>>, %arg3: memref<10000x16xf32, #tpu.memory_space<vmem>>) attributes {dimension_semantics = [], scalar_prefetch = 0 : i64, scratch_operands = 0 : i64, tpu.core_type = #tpu.core_type<tc>} {
    %get3A = arith.constant 0 : index
    %get3A_0 = arith.constant 0 : index
    %get3A_1 = arith.constant 0 : index
    %get3A_2 = vector.load %arg0[%get3A, %get3A_0, %get3A_1] : memref<2x10240x16xf32, #tpu.memory_space<vmem>>, vector<1x10000x16xf32>
    %get3A_3 = vector.shape_cast %get3A_2 : vector<1x10000x16xf32> to vector<10000x16xf32>
    %get3A_4 = arith.constant 1 : index
    %get3A_5 = arith.constant 0 : index
    %get3A_6 = arith.constant 0 : index
    %get3A_7 = vector.load %arg0[%get3A_4, %get3A_5, %get3A_6] : memref<2x10240x16xf32, #tpu.memory_space<vmem>>, vector<1x10000x16xf32>
    %get3A_8 = vector.shape_cast %get3A_7 : vector<1x10000x16xf32> to vector<10000x16xf32>
    %add3A = arith.addf %get3A_3, %get3A_8 : vector<10000x16xf32>
    %get3A_9 = arith.constant 0 : index
    %get3A_10 = arith.constant 0 : index
    %get3A_11 = vector.load %arg1[%get3A_9, %get3A_10] : memref<10240x1xf32, #tpu.memory_space<vmem>>, vector<10000x1xf32>
    %mul3A = vector.broadcast %get3A_11 : vector<10000x1xf32> to vector<10000x16xf32>
    %mul3A_12 = arith.mulf %add3A, %mul3A : vector<10000x16xf32>
    %get3A_13 = arith.constant 0 : index
    %get3A_14 = arith.constant 0 : index
    %get3A_15 = vector.load %arg2[%get3A_13, %get3A_14] : memref<1x16xf32, #tpu.memory_space<vmem>>, vector<1x16xf32>
    %add3A_16 = vector.broadcast %get3A_15 : vector<1x16xf32> to vector<10000x16xf32>
    %add3A_17 = arith.addf %mul3A_12, %add3A_16 : vector<10000x16xf32>
    %swap3A = arith.constant 0 : index
    %swap3A_18 = arith.constant 0 : index
    %swap3A_19 = vector.load %arg3[%swap3A, %swap3A_18] : memref<10000x16xf32, #tpu.memory_space<vmem>>, vector<10000x16xf32>
    tpu.vector_store %arg3[%swap3A, %swap3A_18], %add3A_17 {strides = array<i32>} : memref<10000x16xf32, #tpu.memory_space<vmem>>, vector<10000x16xf32>,
    return
  }
}

</mosaic_0001>

<sc_bundles>
// kernel: kernel.11.cloned.1.call-start
scs
__scs_entry_jumppad:
0x0: {  	(pc) =	sbr.rel $0x88, $3  }
0x1: {  	(tag) =	ssettag $0x0;
	lr =	simm.s32 $0x1  }
0x2: {  	[smem:$0x3F9B] =	sst lr;
	_ =	strace $0xD0000000  }
0x3: {  	_ = 	snop  }
0x4: {  	_ = 	snop  }
0x5: {  	_ = 	snop  }
0x6: {  	_ = 	snop  }
0x7: {  	_ = 	snop  }
__scs_overlays_trampoline_lowered:
0x8: {  	[smem:$0x3FAA] =	sst s0  }
0x9: {  	[smem:$0x3FAB] =	sst s1  }
0xa: {  	[smem:$0x3FAC] =	sst s2  }
0xb: {  	[smem:$0x3FAD] =	sst s3  }
0xc: {  	[smem:$0x3FAE] =	sst s4  }
0xd: {  	[smem:$0x3FAF] =	sst s5  }
0xe: {  	[smem:$0x3FB0] =	sst s6  }
0xf: {  	[smem:$0x3FB1] =	sst s7  }
0x10: {  	[smem:$0x3FB2] =	sst s8  }
0x11: {  	[smem:$0x3FB3] =	sst s9;
	s0 =	simm.s32 @!p0 $0x0  }
0x12: {  	s1 =	sld [smem:$0x3F99];
	s0 =	simm.s32 @p0 $0x1  }
0x13: {  	[smem:$0x3FB4] =	sst s0;
	s0 =	simm.s32 @!p1 $0x0  }
0x14: {  	s2 =	sld [smem:$0x3F98];
	s0 =	simm.s32 @p1 $0x1  }
0x15: {  	[smem:$0x3FB5] =	sst s0;
	s0 =	simm.s32 @!p2 $0x0  }
0x16: {  	s3 =	sld [smem:$0x3FDB];
	s0 =	simm.s32 @p2 $0x1  }
0x17: {  	s4 =	simm.s32 $0x1BF5;
	[smem:$0x3FB7] =	sst s0  }
0x18: {  	s0 =	sld [smem:$0x3F9A];
	_ =	swait.ge [sflag:s4], $0x0  }
0x19: {  	s7 =	sld [smem:$0x3F9B]  }
0x1a: {  	s8 =	sadd.s32 $0xFFFFE003, lr  }
0x1b: {  	s9 =	sadd.s32 $0xFFFFFEF7, lr;
	s5 =	simm.s32 $0xFFFFFFFF;
	p2 =	slt.u32 s8, $0xFFFFF086  }
0x1c: {  	p1 =	slt.u32 s9, $0xF7A;
	s5 =	simm.s32 @!p2 $0x0  }
0x1d: {  	s5 =	simm.s32 @p1 $0x1;
	p0 =	seq.s32 s7, s2  }
0x1e: {  	s7 =	smul.u32 @!p0 $0xF7A, s2;
	p2 =	seq.s32 @!p0 s5, $0x0  }
0x1f: {  	s9 =	smul.u32 $0xF7A, s1;
	s8 =	simm.s32 @!p0 $0x1BF5;
	p2 =	por !p2, p0  }
0x20: {  	[sflag:s8] =	ssyncset.s32 @!p0 $0xFFFFF086;
	s6 =	sadd.s32 @!p0 s3, s7;
	s7 =	simm.s32 @!p0 $0x108  }
0x21: {  	s3 =	sadd.s32 s3, s9;
	s6 =	sadd.s32 @!p0 $0x88, s6;
	s7 =	simm.s32 @p2 $0x1082  }
0x22: {  	[simem:s7], [sflag:s8] =	dma.local @!p0 [hbm:s6], $0xF7A  }
0x23: {  	s9 =	sor.u32 $0xD0000000, s2;
	s6 =	simm.s32 $0x108;
	_ =	swait.ge @!p0 [sflag:s8], $0x0  }
0x24: {  	s3 =	sadd.s32 $0x88, s3;
	s6 =	simm.s32 @!p1 $0x1082;
	[sflag:s4] =	ssyncset.s32 $0xFFFFF086  }
0x25: {  	[simem:s6], [sflag:s4] =	dma.local [hbm:s3], $0xF7A  }
0x26: {  	[smem:$0x3F9B] =	sst s1;
	(tag) =	ssettag s2;
	_ =	strace s9  }
0x27: {  	s1 =	sld [smem:$0x3FAB]  }
0x28: {  	s2 =	sld [smem:$0x3FAC]  }
0x29: {  	s4 =	sld [smem:$0x3FAE]  }
0x2a: {  	p0 =	seq.s32 s5, $0x0;
	s5 =	sld [smem:$0x3FAF]  }
0x2b: {  	s6 =	sld [smem:$0x3FB0]  }
0x2c: {  	s7 =	sld [smem:$0x3FB1]  }
0x2d: {  	s3 =	simm.s32 $0x108;
	s8 =	sld [smem:$0x3FB2]  }
0x2e: {  	s3 =	simm.s32 @!p0 $0x1082;
	s9 =	sld [smem:$0x3FB3]  }
0x2f: {  	lr =	sadd.s32 s0, s3;
	s0 =	sld [smem:$0x3FAA]  }
0x30: {  	s3 =	sld [smem:$0x3FAD]  }
0x31: {  	[smem:$0x3FB6] =	sst s10  }
0x32: {  	s10 =	sld [smem:$0x3FB4];
	_ =	sdelay $0x3  }
0x33: {  	p0 =	seq.s32 s10, $0x1;
	s10 =	sld [smem:$0x3FB6];
	_ =	sdelay $0x3  }
0x34: {  	[smem:$0x3FB6] =	sst s10  }
0x35: {  	s10 =	sld [smem:$0x3FB5];
	_ =	sdelay $0x3  }
0x36: {  	p1 =	seq.s32 s10, $0x1;
	s10 =	sld [smem:$0x3FB6];
	_ =	sdelay $0x3  }
0x37: {  	[smem:$0x3FB6] =	sst s10  }
0x38: {  	s10 =	sld [smem:$0x3FB7]  }
0x39: {  	_ = 	snop;
	(pc) =	sbr.ind lr, $3  }
0x3a: {  	_ = 	snop  }
0x3b: {  	_ = 	snop  }
0x3c: {  	p2 =	seq.s32 s10, $0x1;
	s10 =	sld [smem:$0x3FB6]  }
0x3d: {  	_ =	shalt  }
0x3e: {  	_ =	shalt  }
0x3f: {  	_ =	shalt  }
0x40: {  	_ =	shalt  }
0x41: {  	_ =	shalt  }
0x42: {  	_ =	shalt  }
0x43: {  	_ =	shalt  }
0x44: {  	_ =	shalt  }
0x45: {  	_ =	shalt  }
0x46: {  	_ =	shalt  }
0x47: {  	_ =	shalt  }
0x48: {  	_ =	shalt  }
0x49: {  	_ =	shalt  }
0x4a: {  	_ =	shalt  }
0x4b: {  	_ =	shalt  }
0x4c: {  	_ =	shalt  }
0x4d: {  	_ =	shalt  }
0x4e: {  	_ =	shalt  }
0x4f: {  	_ =	shalt  }
0x50: {  	_ =	shalt  }
0x51: {  	_ =	shalt  }
0x52: {  	_ =	shalt  }
0x53: {  	_ =	shalt  }
0x54: {  	_ =	shalt  }
0x55: {  	_ =	shalt  }
0x56: {  	_ =	shalt  }
0x57: {  	_ =	shalt  }
0x58: {  	_ =	shalt  }
0x59: {  	_ =	shalt  }
0x5a: {  	_ =	shalt  }
0x5b: {  	_ =	shalt  }
0x5c: {  	_ =	shalt  }
0x5d: {  	_ =	shalt  }
0x5e: {  	_ =	shalt  }
0x5f: {  	_ =	shalt  }
0x60: {  	_ =	shalt  }
0x61: {  	_ =	shalt  }
0x62: {  	_ =	shalt  }
0x63: {  	_ =	shalt  }
0x64: {  	_ =	shalt  }
0x65: {  	_ =	shalt  }
0x66: {  	_ =	shalt  }
0x67: {  	_ =	shalt  }
0x68: {  	_ =	shalt  }
0x69: {  	_ =	shalt  }
0x6a: {  	_ =	shalt  }
0x6b: {  	_ =	shalt  }
0x6c: {  	_ =	shalt  }
0x6d: {  	_ =	shalt  }
0x6e: {  	_ =	shalt  }
0x6f: {  	_ =	shalt  }
0x70: {  	_ =	shalt  }
0x71: {  	_ =	shalt  }
0x72: {  	_ =	shalt  }
0x73: {  	_ =	shalt  }
0x74: {  	_ =	shalt  }
0x75: {  	_ =	shalt  }
0x76: {  	_ =	shalt  }
0x77: {  	_ =	shalt  }
0x78: {  	_ =	shalt  }
0x79: {  	_ =	shalt  }
0x7a: {  	_ =	shalt  }
0x7b: {  	_ =	shalt  }
0x7c: {  	_ =	shalt  }
0x7d: {  	_ =	shalt  }
0x7e: {  	_ =	shalt  }
0x7f: {  	_ =	shalt  }
0x80: {  	_ =	shalt  }
0x81: {  	_ =	shalt  }
0x82: {  	_ =	shalt  }
0x83: {  	_ =	shalt  }
0x84: {  	_ =	shalt  }
0x85: {  	_ =	shalt  }
0x86: {  	_ =	shalt  }
0x87: {  	_ =	shalt  }
.Lfunc_end0:
.L_simem_size_0:
called_computation.1_lowered:
.L_overlay_start_0:
0x88: {  	s2 =	sld [smem:$0x3FD9]  }
0x89: {  	s3 =	sld [smem:$0x3FFE];
	_ =	sdelay $0x1  }
0x8a: {  	s1 =	srdreg.scid  }
0x8b: {  	s0 =	sand.u32 $0x1, s1  }
0x8c: {  	s16 =	sshll.u32 s0, $0xA;
	s2 =	sadd.s32 s3, s2  }
0x8d: {  	s2 =	sadd.s32 s2, s16  }
0x8e: {  	[smem:$0x3FC2] =	sst s2  }
0x8f: {  	_ = 	snop  }
0x90: {  	(tm) =	ssettm $0x1  }
0x91: {  	s17 =	sld [smem:$0x3FFB];
	_ =	sdelay $0x3  }
0x92: {  	_ =	strace s17  }
0x93: {  	s2 =	sld [smem:$0x3FFC];
	_ =	sdelay $0x3  }
0x94: {  	_ =	strace s2  }
0x95: {  	s2 =	sld [smem:$0x3FFD];
	_ =	sdelay $0x3  }
0x96: {  	_ =	strace s2  }
0x97: {  	_ =	strace $0x8FFFFFFF  }
0x98: {  	s18 =	sld [smem:$0x3FDB];
	_ =	sdelay $0x1  }
0x99: {  	s19 =	simm.s32 $_scs_section_size  }
0x9a: {  	s4 =	simm.s32 $_size__tile_overlayer_lowered;
	s5 =	simm.s32 $_tile_overlayer_lowered  }
0x9b: {  	s22 =	simm.s32 $0x1BFF;
	s21 =	sshll.u32 s5, $0x1;
	s2 =	sadd.s32 s19, s18  }
0x9c: {  	s6 =	simm.s32 $0x0;
	s20 =	sshll.u32 s4, $0x1;
	s4 =	sadd.s32 s21, s2  }
0x9d: {  	[timem:s6], [sflag:s22] =	dma.local [hbm:s4], s20  }
0x9e: {  	_ =	swait.ge [sflag:s22], s20  }
0x9f: {  	s3 =	ssub.s32 $0x0, s20;
	[sflag:s22] =	ssyncset.done $0x0  }
0xa0: {  	[sflag:s22] =	ssyncadd.s32 s3;
	_ =	sdelay $0x1  }
0xa1: {  	s23 =	simm.s32 $0x1B8B  }
0xa2: {  	_ =	swait.ge [sflag:s23], $0x1  }
0xa3: {  	[sflag:s23] =	ssyncset.done $0x0  }
0xa4: {  	s25 =	simm.s32 $0x1B8E;
	s24 =	sld [smem:$0x3FFE];
	[sflag:s23] =	ssyncadd.s32 $0xFFFFFFFF  }
0xa5: {  	s26 =	simm.s32 $execute0_lowered;
	[smem:$0x3FD2] =	sst s25  }
0xa6: {  	s4 =	sshll.u32 s26, $0x1;
	_ =	strace $0x80000049;
	[dreg:$0x1] =	wrdreg $0xFFFFFFFF  }
0xa7: {  	s28 =	simm.s32 $_size_execute0_lowered;
	s2 =	sadd.s32 s2, s4;
	[dreg:$0x0] =	wrdreg $0x0  }
0xa8: {  	s4 =	sshll.u32 s28, $0x1;
	[dreg:$0x2] =	wrdreg s2  }
0xa9: {  	[dreg:$0x3] =	wrdreg s4  }
0xaa: {  	[dreg:$0x4] =	wrdreg $0xC0  }
0xab: {  	_ =	task [dreg:s6], $0x5FFFF  }
0xac: {  	[dreg:$0x1] =	wrdreg $0xFFFFFFFF  }
0xad: {  	[dreg:$0x0] =	wrdreg $0x60  }
0xae: {  	[dreg:$0x2] =	wrdreg s24  }
0xaf: {  	[dreg:$0x3] =	wrdreg $0xA8A00  }
0xb0: {  	[dreg:$0x4] =	wrdreg $0x148A00  }
0xb1: {  	[dreg:$0x5] =	wrdreg $0x9  }
0xb2: {  	_ =	task.clear_ibuf [dreg:s6], $0x6FFFF;
	_ =	strace $0x90000049  }
0xb3: {  	s29 =	simm.s32 $0x9;
	_ =	strace $0x8000004B  }
0xb4: {  	_ =	swait.ge [sflag:s29], $0x1  }
0xb5: {  	[sflag:s29] =	ssyncadd.s32 $0xFFFFFFFF  }
0xb6: {  	_ =	strace $0x9000004B  }
0xb7: {  	_ =	sfence  }
0xb8: {  	s30 =	sld [smem:$0x0];
	_ =	sdelay $0x2  }
0xb9: {  	s31 =	sshll.u32 s1, $0xD;
	s1 =	sshrl.u32 s1, $0x2  }
0xba: {  	s3 =	sand.u32 $0x4000, s31;
	s1 =	sadd.s32 s1, s30  }
0xbb: {  	s0 =	sor.u32 s3, s0;
	s1 =	sshll.u32 s1, $0x11  }
0xbc: {  	s0 =	sor.u32 s1, s0  }
0xbd: {  	s0 =	sadd.s32 $0x8F2B, s0  }
0xbe: {  	[sflag:s0] =	ssyncadd.remote.s32 $0x1  }
0xbf: {  	_ =	sfence.sel $0xFFFF  }
0xc0: {  	[dreg:$0x0] =	wrdreg $0xFFFFFFFF;
	(pc) =	sbr.abs _section_cstart, $3  }
0xc1: {  	[dreg:$0x1] =	wrdreg $0xFFFFFFFF  }
0xc2: {  	_ =	task.clear_ibuf [dreg:s6], $0x2FFFF;
	_ =	strace $0x9FFFFFFF  }
0xc3: {  	(tm) =	ssettm $0x7FFFFFFF  }
tec
execute0_lowered:
.L_overlay_start_1:
0x0: {  	(tag) =	ssettag $0x1  }
0x1: {  	s0 =	srdreg.scid;
	s5 =	rddreg [dreg:$0x0]  }
0x2: {  	s11 =	stileid.u32;
	s2 =	rddreg [dreg:$0x1]  }
0x3: {  	s3 =	rddreg [dreg:$0x2];
	s4 =	simm.s32 $0x0;
	s6 =	smul.u32 $0xA000, s11  }
0x4: {  	s0 =	sand.u32 $0x1, s0;
	[smem:$0x7FF] =	sst s4;
	s8 =	smul.u32 $0x50, s11  }
0x5: {  	s9 =	sadd.s32 $0x16800, s5;
	s1 =	sshll.u32 s0, $0x4;
	s7 =	smul.u32 $0xA0000, s0  }
0x6: {  	s1 =	sor.u32 s11, s1;
	s8 =	sadd.s32 s8, s5;
	s20 =	sshrl.u32 s6, $0x3  }
0x7: {  	s10 =	sor.u32 $0x1400, s6;
	s22 =	sadd.s32 $0x2800, s6;
	s12 =	sadd.s32 $0x3C00, s6  }
0x8: {  	s15 =	sadd.s32 $0x5000, s6;
	s18 =	sadd.s32 $0x8C00, s6;
	s1 =	smul.u32 $0x2710, s1  }
0x9: {  	s7 =	sadd.s32 s6, s7;
	s21 =	sshrl.u32 s10, $0x3;
	s13 =	sshrl.u32 s22, $0x3  }
0xa: {  	s14 =	sshrl.u32 s12, $0x3;
	s24 =	sshrl.u32 s15, $0x3;
	s13 =	sadd.s32 s9, s13  }
0xb: {  	s7 =	sshrl.u32 s7, $0x3;
	s23 =	sadd.s32 s9, s14;
	[dreg:$0x6] =	wrdreg s13  }
0xc: {  	s14 =	sadd.s32 $0x7800, s6;
	s1 =	sshrl.u32 s1, $0x3;
	[dreg:$0x7] =	wrdreg s23  }
0xd: {  	s13 =	sadd.s32 s9, s24;
	s17 =	sshrl.u32 s14, $0x3;
	s1 =	sadd.s32 s1, s5  }
0xe: {  	s5 =	sadd.s32 s7, s5;
	s7 =	sadd.s32 s9, s20;
	[dreg:$0x8] =	wrdreg s13  }
0xf: {  	s13 =	sadd.s32 $0x6400, s6;
	s25 =	sadd.s32 s9, s17;
	[dreg:$0x4] =	wrdreg s7  }
0x10: {  	s7 =	sadd.s32 s9, s21;
	s16 =	sshrl.u32 s13, $0x3;
	[dreg:$0xa] =	wrdreg s25  }
0x11: {  	s26 =	sshrl.u32 s18, $0x3;
	[dreg:$0x5] =	wrdreg s7;
	s16 =	sadd.s32 s9, s16  }
0x12: {  	s0 =	ssub.s32 $0x2, s0;
	s9 =	sadd.s32 s9, s26;
	[dreg:$0x9] =	wrdreg s16  }
0x13: {  	s19 =	sshrl.u32 s0, $0x1;
	s17 =	sadd.s32 $0x2400, s1;
	[dreg:$0xb] =	wrdreg s9  }
0x14: {  	s1 =	sadd.s32 $0xC040, s1;
	_ =	strace $0x8000004A;
	[dreg:$0xc] =	wrdreg s17  }
0x15: {  	s0 =	ssub.s32 s0, s19;
	s19 =	sadd.s32 $0x2A800, s8;
	[dreg:$0xd] =	wrdreg s1  }
0x16: {  	s21 =	sadd.s32 s10, s3;
	[dreg:$0xe] =	wrdreg s19  }
0x17: {  	s22 =	sadd.s32 s22, s3;
	[dreg:$0xf] =	wrdreg s21  }
0x18: {  	s23 =	sadd.s32 s12, s3;
	[dreg:$0x10] =	wrdreg s22  }
0x19: {  	s24 =	sadd.s32 s15, s3;
	[dreg:$0x11] =	wrdreg s23  }
0x1a: {  	s25 =	sadd.s32 s13, s3;
	[dreg:$0x12] =	wrdreg s24  }
0x1b: {  	s26 =	sadd.s32 s14, s3;
	[dreg:$0x13] =	wrdreg s25  }
0x1c: {  	s7 =	sadd.s32 s18, s3;
	[dreg:$0x14] =	wrdreg s26  }
0x1d: {  	s11 =	smul.u32 $0x28000, s11;
	s8 =	sadd.s32 $0x2AE00, s5;
	[dreg:$0x15] =	wrdreg s7  }
0x1e: {  	s0 =	smax.u32 s0, $0x1;
	s9 =	sadd.s32 s6, s3;
	[dreg:$0x16] =	wrdreg s8  }
0x1f: {  	s20 =	sshrl.u32 s11, $0x2;
	s10 =	sadd.s32 s6, s2;
	[dreg:$0x17] =	wrdreg s9  }
0x20: {  	s11 =	sshrl.u32 s10, $0x3;
	s16 =	sadd.s32 s20, s2;
	[dreg:$0x18] =	wrdreg s0  }
0x21: {  	[dreg:$0x19] =	wrdreg s11;
	s12 =	sadd.s32 $0x800, s16  }
0x22: {  	s13 =	sadd.s32 $0x1000, s16;
	[dreg:$0x1a] =	wrdreg s12  }
0x23: {  	s14 =	sadd.s32 $0x1800, s16;
	[dreg:$0x1b] =	wrdreg s13  }
0x24: {  	s15 =	sadd.s32 $0x2000, s16;
	[dreg:$0x1c] =	wrdreg s14  }
0x25: {  	s28 =	simm.s32 $0x50;
	s17 =	sadd.s32 $0x2800, s16;
	[dreg:$0x1d] =	wrdreg s15  }
0x26: {  	s29 =	simm.s32 $0x7620;
	s18 =	sadd.s32 $0x3000, s16;
	[dreg:$0x1e] =	wrdreg s17  }
0x27: {  	s30 =	simm.s32 $0x2;
	s19 =	sadd.s32 $0x3800, s16;
	[dreg:$0x1f] =	wrdreg s18  }
0x28: {  	s31 =	simm.s32 $0x8A20;
	s20 =	sadd.s32 $0x4000, s16;
	[smem:$0x7F6] =	sst s19  }
0x29: {  	s5 =	simm.s32 $0x4;
	s21 =	sadd.s32 $0x4800, s16;
	[smem:$0x7F7] =	sst s20  }
0x2a: {  	s6 =	simm.s32 $0x5;
	s22 =	sadd.s32 $0x5000, s16;
	[smem:$0x7F8] =	sst s21  }
0x2b: {  	s23 =	sadd.s32 $0x5800, s16;
	s24 =	sadd.s32 $0x6000, s16;
	[smem:$0x7F9] =	sst s22  }
0x2c: {  	s25 =	sadd.s32 $0x6800, s16;
	s26 =	sadd.s32 $0x7000, s16;
	[smem:$0x7FA] =	sst s23  }
0x2d: {  	s1 =	simm.s32 $0x3;
	s0 =	simm.s32 $0x6;
	[smem:$0x7FB] =	sst s24  }
0x2e: {  	s7 =	simm.s32 $0x8;
	s8 =	simm.s32 $0x9;
	[smem:$0x7FC] =	sst s25  }
.Ltmp0:
0x2f: {  	s9 =	simm.s32 $0x0;
	[smem:$0x7FD] =	sst s26;
	(pc) =	sbr.rel .LBB2_1-.Ltmp0, $4  }
0x30: {  	s14 =	sadd.s32 $0x7800, s16;
	s15 =	sadd.s32 $0x8000, s16;
	s17 =	sadd.s32 $0x8800, s16  }
0x31: {  	s18 =	sadd.s32 $0x9000, s16;
	s19 =	sadd.s32 $0x9800, s16;
	s21 =	simm.s32 $0xA620  }
0x32: {  	s22 =	simm.s32 $0x9E20;
	s23 =	simm.s32 $0xA;
	s24 =	simm.s32 $0x1  }
0x33: {  	v0 =	vimm.f32 $0.0e+00;
	s25 =	simm.s32 $0x4E20;
	s26 =	simm.s32 $0x6220;
	s20 =	simm.s32 $0x7  }
.LBB2_22:
0x34: {  	_ =	swait.ge [sflag:s6], $0x1400  }
0x35: {  	[sflag:s6] =	ssyncset.done $0x0  }
0x36: {  	[sflag:s6] =	ssyncadd.s32 $0xFFFFEC00  }
0x37: {  	[spmem:s2] =	stream.indirect.scatter.add.f32 [tilespmem:s31], [sflag:$0x9], $0x40, s12, s28, $0xb8;
	[tilespmem:$0x1E8A0] =	vst v63  }
0x38: {  	_ =	swait.ge [sflag:s7], $0x1400  }
0x39: {  	[sflag:s7] =	ssyncset.done $0x0  }
0x3a: {  	[sflag:s7] =	ssyncadd.s32 $0xFFFFEC00  }
0x3b: {  	_ =	swait.ge [sflag:s30], $0x1400  }
0x3c: {  	[sflag:s30] =	ssyncset.done $0x0  }
0x3d: {  	s10 =	simm.s32 $0x4DD0;
	[sflag:s30] =	ssyncadd.s32 $0xFFFFEC00  }
0x3e: {  	[spmem:s2] =	stream.indirect.scatter.add.f32 [tilespmem:s25], [sflag:$0x6], $0x40, s10, s28, $0xb8;
	[tilespmem:$0x1E8A0] =	vst v63  }
0x3f: {  	_ =	swait.ge [sflag:s8], $0x1400  }
0x40: {  	[sflag:s8] =	ssyncset.done $0x0  }
0x41: {  	[sflag:s8] =	ssyncadd.s32 $0xFFFFEC00  }
0x42: {  	_ =	swait.ge [sflag:s0], $0x1400  }
0x43: {  	[sflag:s0] =	ssyncset.done $0x0  }
0x44: {  	[sflag:s0] =	ssyncadd.s32 $0xFFFFEC00  }
0x45: {  	s12 =	stileid.u32;
	[bflag:$0x0] =	sbarrier.arrive $0xFFFF  }
0x46: {  	s10 =	sshll.u32 s12, $0x6;
	s11 =	rddreg [dreg:$0x16]  }
0x47: {  	s10 =	sor.u32 $0x1C0A, s10;
	s13 =	rddreg [dreg:$0x19]  }
0x48: {  	[hbm:s11], [sflag:s10] =	dma.local [spmem:s13], $0x1400  }
0x49: {  	_ =	swait.ge [sflag:s23], $0x1400  }
0x4a: {  	s9 =	sadd.s32 $0x1, s9;
	s13 =	rddreg [dreg:$0x18]  }
0x4b: {  	p0 =	sne.s32 s9, s13  }
.Ltmp1:
0x4c: {  	_ = 	snop;
	(pc) =	sbr.rel @!p0 .LBB2_23-.Ltmp1, $3  }
0x4d: {  	_ =	sdelay $0x1  }
0x4e: {  	[sflag:s23] =	ssyncset.done $0x0  }
0x4f: {  	[sflag:s23] =	ssyncadd.s32 $0xFFFFEC00  }
.LBB2_1:
0x50: {  	s10 =	rddreg [dreg:$0xc]  }
0x51: {  	[tilespmem:s4], [sflag:$0x1] =	stream.linear.gather [hbm4b:s10+s4], $0x2710, $0x38;
	[tilespmem:$0x1E8A0] =	vst v63  }
0x52: {  	s12 =	rddreg [dreg:$0xd];
	s11 =	simm.s32 $0x2710  }
0x53: {  	[tilespmem:s11], [sflag:$0x1] =	stream.linear.gather [hbm4b:s12+s4], $0x2710, $0x38;
	[tilespmem:$0x1E8A0] =	vst v63  }
0x54: {  	s13 =	rddreg [dreg:$0xe];
	s10 =	simm.s32 $0x0;
	s11 =	simm.s32 $0x100  }
0x55: {  	[tilespmem:s21], [sflag:$0x1] =	stream.linear.gather [hbm4b:s13+s4], $0x280, $0x38;
	[tilespmem:$0x1E8A0] =	vst v63  }
.LBB2_2:
0x56: {  	p0 =	sne.s32 s11, $0x1F00;
	[tilespmem:s10+$0x9E50] =	vst v0;
	s12 =	smov.u32 s11;
	s11 =	sadd.s32 $0x100, s11  }
.Ltmp2:
0x57: {  	[tilespmem:s10+$0x9E40] =	vst v0;
	(pc) =	sbr.rel @p0 .LBB2_2-.Ltmp2, $3  }
0x58: {  	[tilespmem:s10+$0x9E20] =	vst v0  }
0x59: {  	[tilespmem:s10+$0x9E30] =	vst v0;
	_ =	sdelay $0x1  }
0x5a: {  	s10 =	sshra.s32 s12, $0x2  }
0x5b: {  	[tilespmem:s10+$0x9E50] =	vst v0  }
0x5c: {  	[tilespmem:s10+$0x9E40] =	vst v0  }
0x5d: {  	[tilespmem:s10+$0x9E20] =	vst v0  }
0x5e: {  	[tilespmem:s10+$0x9E30] =	vst v0  }
0x5f: {  	[spmem:s16] =	stream.linear.scatter [tilespmem:s22], [sflag:$0xA], $0x800, $0x38;
	[tilespmem:$0x1E8A0] =	vst v63  }
0x60: {  	_ =	swait.ge [sflag:s23], $0x800  }
0x61: {  	[sflag:s23] =	ssyncset.done $0x0  }
0x62: {  	s11 =	rddreg [dreg:$0x1a];
	[sflag:s23] =	ssyncadd.s32 $0xFFFFF800  }
0x63: {  	[spmem:s11] =	stream.linear.scatter [tilespmem:s22], [sflag:$0xA], $0x800, $0x38;
	[tilespmem:$0x1E8A0] =	vst v63  }
0x64: {  	_ =	swait.ge [sflag:s23], $0x800  }
0x65: {  	[sflag:s23] =	ssyncset.done $0x0  }
0x66: {  	s12 =	rddreg [dreg:$0x1b];
	[sflag:s23] =	ssyncadd.s32 $0xFFFFF800  }
0x67: {  	[spmem:s12] =	stream.linear.scatter [tilespmem:s22], [sflag:$0xA], $0x800, $0x38;
	[tilespmem:$0x1E8A0] =	vst v63  }
0x68: {  	_ =	swait.ge [sflag:s23], $0x800  }
0x69: {  	[sflag:s23] =	ssyncset.done $0x0  }
0x6a: {  	s13 =	rddreg [dreg:$0x1c];
	[sflag:s23] =	ssyncadd.s32 $0xFFFFF800  }
0x6b: {  	[spmem:s13] =	stream.linear.scatter [tilespmem:s22], [sflag:$0xA], $0x800, $0x38;
	[tilespmem:$0x1E8A0] =	vst v63  }
0x6c: {  	_ =	swait.ge [sflag:s23], $0x800  }
0x6d: {  	[sflag:s23] =	ssyncset.done $0x0  }
0x6e: {  	s11 =	rddreg [dreg:$0x1d];
	[sflag:s23] =	ssyncadd.s32 $0xFFFFF800  }
0x6f: {  	[spmem:s11] =	stream.linear.scatter [tilespmem:s22], [sflag:$0xA], $0x800, $0x38;
	[tilespmem:$0x1E8A0] =	vst v63  }
0x70: {  	_ =	swait.ge [sflag:s23], $0x800  }
0x71: {  	[sflag:s23] =	ssyncset.done $0x0  }
0x72: {  	s12 =	rddreg [dreg:$0x1e];
	[sflag:s23] =	ssyncadd.s32 $0xFFFFF800  }
0x73: {  	[spmem:s12] =	stream.linear.scatter [tilespmem:s22], [sflag:$0xA], $0x800, $0x38;
	[tilespmem:$0x1E8A0] =	vst v63  }
0x74: {  	_ =	swait.ge [sflag:s23], $0x800  }
0x75: {  	[sflag:s23] =	ssyncset.done $0x0  }
0x76: {  	s13 =	rddreg [dreg:$0x1f];
	[sflag:s23] =	ssyncadd.s32 $0xFFFFF800  }
0x77: {  	[spmem:s13] =	stream.linear.scatter [tilespmem:s22], [sflag:$0xA], $0x800, $0x38;
	[tilespmem:$0x1E8A0] =	vst v63  }
0x78: {  	_ =	swait.ge [sflag:s23], $0x800  }
0x79: {  	s11 =	sld [smem:$0x7F6]  }
0x7a: {  	[sflag:s23] =	ssyncset.done $0x0  }
0x7b: {  	[sflag:s23] =	ssyncadd.s32 $0xFFFFF800  }
0x7c: {  	[spmem:s11] =	stream.linear.scatter [tilespmem:s22], [sflag:$0xA], $0x800, $0x38;
	[tilespmem:$0x1E8A0] =	vst v63  }
0x7d: {  	_ =	swait.ge [sflag:s23], $0x800  }
0x7e: {  	s12 =	sld [smem:$0x7F7]  }
0x7f: {  	[sflag:s23] =	ssyncset.done $0x0  }
0x80: {  	[sflag:s23] =	ssyncadd.s32 $0xFFFFF800  }
0x81: {  	[spmem:s12] =	stream.linear.scatter [tilespmem:s22], [sflag:$0xA], $0x800, $0x38;
	[tilespmem:$0x1E8A0] =	vst v63  }
0x82: {  	_ =	swait.ge [sflag:s23], $0x800  }
0x83: {  	s13 =	sld [smem:$0x7F8]  }
0x84: {  	[sflag:s23] =	ssyncset.done $0x0  }
0x85: {  	[sflag:s23] =	ssyncadd.s32 $0xFFFFF800  }
0x86: {  	[spmem:s13] =	stream.linear.scatter [tilespmem:s22], [sflag:$0xA], $0x800, $0x38;
	[tilespmem:$0x1E8A0] =	vst v63  }
0x87: {  	_ =	swait.ge [sflag:s23], $0x800  }
0x88: {  	s11 =	sld [smem:$0x7F9]  }
0x89: {  	[sflag:s23] =	ssyncset.done $0x0  }
0x8a: {  	[sflag:s23] =	ssyncadd.s32 $0xFFFFF800  }
0x8b: {  	[spmem:s11] =	stream.linear.scatter [tilespmem:s22], [sflag:$0xA], $0x800, $0x38;
	[tilespmem:$0x1E8A0] =	vst v63  }
0x8c: {  	_ =	swait.ge [sflag:s23], $0x800  }
0x8d: {  	s12 =	sld [smem:$0x7FA]  }
0x8e: {  	[sflag:s23] =	ssyncset.done $0x0  }
0x8f: {  	[sflag:s23] =	ssyncadd.s32 $0xFFFFF800  }
0x90: {  	[spmem:s12] =	stream.linear.scatter [tilespmem:s22], [sflag:$0xA], $0x800, $0x38;
	[tilespmem:$0x1E8A0] =	vst v63  }
0x91: {  	_ =	swait.ge [sflag:s23], $0x800  }
0x92: {  	s13 =	sld [smem:$0x7FB]  }
0x93: {  	[sflag:s23] =	ssyncset.done $0x0  }
0x94: {  	[sflag:s23] =	ssyncadd.s32 $0xFFFFF800  }
0x95: {  	[spmem:s13] =	stream.linear.scatter [tilespmem:s22], [sflag:$0xA], $0x800, $0x38;
	[tilespmem:$0x1E8A0] =	vst v63  }
0x96: {  	_ =	swait.ge [sflag:s23], $0x800  }
0x97: {  	s11 =	sld [smem:$0x7FC]  }
0x98: {  	[sflag:s23] =	ssyncset.done $0x0  }
0x99: {  	[sflag:s23] =	ssyncadd.s32 $0xFFFFF800  }
0x9a: {  	[spmem:s11] =	stream.linear.scatter [tilespmem:s22], [sflag:$0xA], $0x800, $0x38;
	[tilespmem:$0x1E8A0] =	vst v63  }
0x9b: {  	_ =	swait.ge [sflag:s23], $0x800  }
0x9c: {  	s12 =	sld [smem:$0x7FD]  }
0x9d: {  	[sflag:s23] =	ssyncset.done $0x0  }
0x9e: {  	[sflag:s23] =	ssyncadd.s32 $0xFFFFF800  }
0x9f: {  	[spmem:s12] =	stream.linear.scatter [tilespmem:s22], [sflag:$0xA], $0x800, $0x38;
	[tilespmem:$0x1E8A0] =	vst v63  }
0xa0: {  	_ =	swait.ge [sflag:s23], $0x800  }
0xa1: {  	[sflag:s23] =	ssyncset.done $0x0  }
0xa2: {  	[sflag:s23] =	ssyncadd.s32 $0xFFFFF800  }
0xa3: {  	[spmem:s14] =	stream.linear.scatter [tilespmem:s22], [sflag:$0xA], $0x800, $0x38;
	[tilespmem:$0x1E8A0] =	vst v63  }
0xa4: {  	_ =	swait.ge [sflag:s23], $0x800  }
0xa5: {  	[sflag:s23] =	ssyncset.done $0x0  }
0xa6: {  	[sflag:s23] =	ssyncadd.s32 $0xFFFFF800  }
0xa7: {  	[spmem:s15] =	stream.linear.scatter [tilespmem:s22], [sflag:$0xA], $0x800, $0x38;
	[tilespmem:$0x1E8A0] =	vst v63  }
0xa8: {  	_ =	swait.ge [sflag:s23], $0x800  }
0xa9: {  	[sflag:s23] =	ssyncset.done $0x0  }
0xaa: {  	[sflag:s23] =	ssyncadd.s32 $0xFFFFF800  }
0xab: {  	[spmem:s17] =	stream.linear.scatter [tilespmem:s22], [sflag:$0xA], $0x800, $0x38;
	[tilespmem:$0x1E8A0] =	vst v63  }
0xac: {  	_ =	swait.ge [sflag:s23], $0x800  }
0xad: {  	[sflag:s23] =	ssyncset.done $0x0  }
0xae: {  	[sflag:s23] =	ssyncadd.s32 $0xFFFFF800  }
0xaf: {  	[spmem:s18] =	stream.linear.scatter [tilespmem:s22], [sflag:$0xA], $0x800, $0x38;
	[tilespmem:$0x1E8A0] =	vst v63  }
0xb0: {  	_ =	swait.ge [sflag:s23], $0x800  }
0xb1: {  	[sflag:s23] =	ssyncset.done $0x0  }
0xb2: {  	[sflag:s23] =	ssyncadd.s32 $0xFFFFF800  }
0xb3: {  	[spmem:s19] =	stream.linear.scatter [tilespmem:s22], [sflag:$0xA], $0x800, $0x38;
	[tilespmem:$0x1E8A0] =	vst v63  }
0xb4: {  	_ =	swait.ge [sflag:s23], $0x800  }
0xb5: {  	[sflag:s23] =	ssyncset.done $0x0  }
0xb6: {  	[sflag:s23] =	ssyncadd.s32 $0xFFFFF800  }
0xb7: {  	_ =	swait.ge [sflag:s24], $0x2710  }
0xb8: {  	[sflag:s24] =	ssyncset.done $0x0  }
0xb9: {  	[sflag:s24] =	ssyncadd.s32 $0xFFFFD8F0  }
0xba: {  	_ =	swait.ge [sflag:s24], $0x2710  }
0xbb: {  	[sflag:s24] =	ssyncset.done $0x0  }
0xbc: {  	[sflag:s24] =	ssyncadd.s32 $0xFFFFD8F0  }
0xbd: {  	_ =	swait.ge [sflag:s24], $0x280  }
0xbe: {  	[sflag:s24] =	ssyncset.done $0x0  }
0xbf: {  	s13 =	simm.s32 $0x0;
	s11 =	rddreg [dreg:$0x4];
	[sflag:s24] =	ssyncadd.s32 $0xFFFFFD80  }
0xc0: {  	[tilespmem:s25], [sflag:$0xA] =	stream.linear.gather [hbm4b:s11+s13], $0x1400, $0x38;
	[tilespmem:$0x1E8A0] =	vst v63  }
0xc1: {  	v1 =	vmov s13;
	_ =	swait.ge [sflag:s23], $0x1400  }
0xc2: {  	[sflag:s23] =	ssyncset.done $0x0  }
0xc3: {  	s10 =	simm.s32 $0x4E40;
	[sflag:s23] =	ssyncadd.s32 $0xFFFFEC00  }
0xc4: {  	v3 =	vld [tilespmem:s10+$0xFFFFFFF0]  }
0xc5: {  	v4 =	vld [tilespmem:s10+$0x10]  }
0xc6: {  	v6 =	vld.idx.msk [tilespmem:v1+s21+$0x0], $0xffff  }
0xc7: {  	v1 =	vld [tilespmem:s10+$0xFFFFFFE0]  }
0xc8: {  	v7 =	vld [tilespmem:s10+$0x0];
	_ =	sdelay $0x3  }
0xc9: {  	s12 =	simm.s32 $0x1;
	v2 =	vmul.f32 v1, v6;
	v5 =	vmul.f32 v4, v6  }
0xca: {  	s11 =	simm.s32 $0x2;
	v1 =	vmov s12;
	v4 =	vmul.f32 v3, v6;
	v3 =	vmul.f32 v7, v6;
	s12 =	simm.s32 $0x4E40  }
.LBB2_4:
0xcb: {  	p0 =	sne.s32 s11, $0x4F  }
0xcc: {  	[tilespmem:s10+$0x10] =	vst v5;
	s12 =	sadd.s32 $0x40, s12;
	s13 =	smov.u32 s11;
	s11 =	sadd.s32 $0x1, s11  }
0xcd: {  	[tilespmem:s10+$0xFFFFFFE0] =	vst v2  }
0xce: {  	v6 =	vld [tilespmem:s12+$0xFFFFFFF0];
	[tilespmem:s10+$0xFFFFFFF0] =	vst v4  }
0xcf: {  	v4 =	vld [tilespmem:s12+$0x10];
	[tilespmem:s10+$0x0] =	vst v3;
	s10 =	smov.u32 s12  }
0xd0: {  	v3 =	vld.idx.msk [tilespmem:v1+s21+$0x0], $0xffff  }
0xd1: {  	v1 =	vld [tilespmem:s12+$0xFFFFFFE0]  }
0xd2: {  	v7 =	vld [tilespmem:s12+$0x0]  }
.Ltmp3:
0xd3: {  	(pc) =	sbr.rel @p0 .LBB2_4-.Ltmp3, $3  }
0xd4: {  	_ =	sdelay $0x1  }
0xd5: {  	v5 =	vmul.f32 v4, v3;
	v2 =	vmul.f32 v1, v3  }
0xd6: {  	v4 =	vmul.f32 v6, v3;
	v1 =	vmov s13;
	v3 =	vmul.f32 v7, v3  }
0xd7: {  	[tilespmem:s10+$0x10] =	vst v5  }
0xd8: {  	s11 =	sadd.s32 $0x40, s12;
	[tilespmem:s10+$0xFFFFFFE0] =	vst v2  }
0xd9: {  	v2 =	vld [tilespmem:s11+$0xFFFFFFF0];
	[tilespmem:s10+$0xFFFFFFF0] =	vst v4  }
0xda: {  	v4 =	vld [tilespmem:s11+$0x10];
	[tilespmem:s10+$0x0] =	vst v3  }
0xdb: {  	v1 =	vld.idx.msk [tilespmem:v1+s21+$0x0], $0xffff  }
0xdc: {  	v3 =	vld [tilespmem:s11+$0xFFFFFFE0];
	_ =	sdelay $0x1  }
0xdd: {  	v5 =	vld [tilespmem:s11+$0x0];
	_ =	sdelay $0x1  }
0xde: {  	v4 =	vmul.f32 v4, v1  }
0xdf: {  	v3 =	vmul.f32 v3, v1  }
0xe0: {  	v2 =	vmul.f32 v2, v1;
	[tilespmem:s11+$0x10] =	vst v4  }
0xe1: {  	v1 =	vmul.f32 v5, v1;
	[tilespmem:s11+$0xFFFFFFE0] =	vst v3  }
0xe2: {  	[tilespmem:s11+$0xFFFFFFF0] =	vst v2  }
0xe3: {  	s13 =	rddreg [dreg:$0x17];
	[tilespmem:s11+$0x0] =	vst v1  }
0xe4: {  	[spmem:s13] =	stream.linear.scatter [tilespmem:s25], [sflag:$0xA], $0x1400, $0x38;
	[tilespmem:$0x1E8A0] =	vst v63  }
0xe5: {  	_ =	swait.ge [sflag:s23], $0x1400  }
0xe6: {  	[sflag:s23] =	ssyncset.done $0x0  }
0xe7: {  	s12 =	simm.s32 $0x50;
	s11 =	rddreg [dreg:$0x5];
	[sflag:s23] =	ssyncadd.s32 $0xFFFFEC00  }
0xe8: {  	[tilespmem:s26], [sflag:$0xA] =	stream.linear.gather [hbm4b:s11+s4], $0x1400, $0x38;
	[tilespmem:$0x1E8A0] =	vst v63  }
0xe9: {  	v1 =	vmov s12;
	_ =	swait.ge [sflag:s23], $0x1400  }
0xea: {  	[sflag:s23] =	ssyncset.done $0x0  }
0xeb: {  	s10 =	simm.s32 $0x6240;
	[sflag:s23] =	ssyncadd.s32 $0xFFFFEC00  }
0xec: {  	v3 =	vld [tilespmem:s10+$0xFFFFFFF0]  }
0xed: {  	v4 =	vld [tilespmem:s10+$0x10]  }
0xee: {  	v6 =	vld.idx.msk [tilespmem:v1+s21+$0x0], $0xffff  }
0xef: {  	v1 =	vld [tilespmem:s10+$0xFFFFFFE0]  }
0xf0: {  	v7 =	vld [tilespmem:s10+$0x0];
	_ =	sdelay $0x3  }
0xf1: {  	s13 =	simm.s32 $0x51;
	v2 =	vmul.f32 v1, v6;
	v5 =	vmul.f32 v4, v6  }
0xf2: {  	s12 =	simm.s32 $0x6240;
	s11 =	simm.s32 $0x52;
	v1 =	vmov s13;
	v4 =	vmul.f32 v3, v6;
	v3 =	vmul.f32 v7, v6  }
.LBB2_6:
0xf3: {  	p0 =	sne.s32 s11, $0x9F  }
0xf4: {  	[tilespmem:s10+$0x10] =	vst v5;
	s12 =	sadd.s32 $0x40, s12;
	s13 =	smov.u32 s11;
	s11 =	sadd.s32 $0x1, s11  }
0xf5: {  	[tilespmem:s10+$0xFFFFFFE0] =	vst v2  }
0xf6: {  	v6 =	vld [tilespmem:s12+$0xFFFFFFF0];
	[tilespmem:s10+$0xFFFFFFF0] =	vst v4  }
0xf7: {  	v4 =	vld [tilespmem:s12+$0x10];
	[tilespmem:s10+$0x0] =	vst v3;
	s10 =	smov.u32 s12  }
0xf8: {  	v3 =	vld.idx.msk [tilespmem:v1+s21+$0x0], $0xffff  }
0xf9: {  	v1 =	vld [tilespmem:s12+$0xFFFFFFE0]  }
0xfa: {  	v7 =	vld [tilespmem:s12+$0x0]  }
.Ltmp4:
0xfb: {  	(pc) =	sbr.rel @p0 .LBB2_6-.Ltmp4, $3  }
0xfc: {  	_ =	sdelay $0x1  }
0xfd: {  	v5 =	vmul.f32 v4, v3;
	v2 =	vmul.f32 v1, v3  }
0xfe: {  	v4 =	vmul.f32 v6, v3;
	v1 =	vmov s13;
	v3 =	vmul.f32 v7, v3  }
0xff: {  	[tilespmem:s10+$0x10] =	vst v5  }
0x100: {  	s11 =	sadd.s32 $0x40, s12;
	[tilespmem:s10+$0xFFFFFFE0] =	vst v2  }
0x101: {  	v2 =	vld [tilespmem:s11+$0xFFFFFFF0];
	[tilespmem:s10+$0xFFFFFFF0] =	vst v4  }
0x102: {  	v4 =	vld [tilespmem:s11+$0x10];
	[tilespmem:s10+$0x0] =	vst v3  }
0x103: {  	v1 =	vld.idx.msk [tilespmem:v1+s21+$0x0], $0xffff  }
0x104: {  	v3 =	vld [tilespmem:s11+$0xFFFFFFE0];
	_ =	sdelay $0x1  }
0x105: {  	v5 =	vld [tilespmem:s11+$0x0];
	_ =	sdelay $0x1  }
0x106: {  	v4 =	vmul.f32 v4, v1  }
0x107: {  	v3 =	vmul.f32 v3, v1  }
0x108: {  	v2 =	vmul.f32 v2, v1;
	[tilespmem:s11+$0x10] =	vst v4  }
0x109: {  	v1 =	vmul.f32 v5, v1;
	[tilespmem:s11+$0xFFFFFFE0] =	vst v3  }
0x10a: {  	[tilespmem:s11+$0xFFFFFFF0] =	vst v2  }
0x10b: {  	s13 =	rddreg [dreg:$0xf];
	[tilespmem:s11+$0x0] =	vst v1  }
0x10c: {  	[spmem:s13] =	stream.linear.scatter [tilespmem:s26], [sflag:$0xA], $0x1400, $0x38;
	[tilespmem:$0x1E8A0] =	vst v63  }
0x10d: {  	_ =	swait.ge [sflag:s23], $0x1400  }
0x10e: {  	[sflag:s23] =	ssyncset.done $0x0  }
0x10f: {  	s12 =	simm.s32 $0xA0;
	s11 =	rddreg [dreg:$0x6];
	[sflag:s23] =	ssyncadd.s32 $0xFFFFEC00  }
0x110: {  	[tilespmem:s25], [sflag:$0xA] =	stream.linear.gather [hbm4b:s11+s4], $0x1400, $0x38;
	[tilespmem:$0x1E8A0] =	vst v63  }
0x111: {  	v1 =	vmov s12;
	_ =	swait.ge [sflag:s23], $0x1400  }
0x112: {  	[sflag:s23] =	ssyncset.done $0x0  }
0x113: {  	s10 =	simm.s32 $0x4E40;
	[sflag:s23] =	ssyncadd.s32 $0xFFFFEC00  }
0x114: {  	v3 =	vld [tilespmem:s10+$0xFFFFFFF0]  }
0x115: {  	v4 =	vld [tilespmem:s10+$0x10]  }
0x116: {  	v6 =	vld.idx.msk [tilespmem:v1+s21+$0x0], $0xffff  }
0x117: {  	v1 =	vld [tilespmem:s10+$0xFFFFFFE0]  }
0x118: {  	v7 =	vld [tilespmem:s10+$0x0];
	_ =	sdelay $0x3  }
0x119: {  	s13 =	simm.s32 $0xA1;
	v2 =	vmul.f32 v1, v6;
	v5 =	vmul.f32 v4, v6  }
0x11a: {  	s12 =	simm.s32 $0x4E40;
	s11 =	simm.s32 $0xA2;
	v1 =	vmov s13;
	v4 =	vmul.f32 v3, v6;
	v3 =	vmul.f32 v7, v6  }
.LBB2_8:
0x11b: {  	p0 =	sne.s32 s11, $0xEF  }
0x11c: {  	[tilespmem:s10+$0x10] =	vst v5;
	s12 =	sadd.s32 $0x40, s12;
	s13 =	smov.u32 s11;
	s11 =	sadd.s32 $0x1, s11  }
0x11d: {  	[tilespmem:s10+$0xFFFFFFE0] =	vst v2  }
0x11e: {  	v6 =	vld [tilespmem:s12+$0xFFFFFFF0];
	[tilespmem:s10+$0xFFFFFFF0] =	vst v4  }
0x11f: {  	v4 =	vld [tilespmem:s12+$0x10];
	[tilespmem:s10+$0x0] =	vst v3;
	s10 =	smov.u32 s12  }
0x120: {  	v3 =	vld.idx.msk [tilespmem:v1+s21+$0x0], $0xffff  }
0x121: {  	v1 =	vld [tilespmem:s12+$0xFFFFFFE0]  }
0x122: {  	v7 =	vld [tilespmem:s12+$0x0]  }
.Ltmp5:
0x123: {  	(pc) =	sbr.rel @p0 .LBB2_8-.Ltmp5, $3  }
0x124: {  	_ =	sdelay $0x1  }
0x125: {  	v5 =	vmul.f32 v4, v3;
	v2 =	vmul.f32 v1, v3  }
0x126: {  	v4 =	vmul.f32 v6, v3;
	v1 =	vmov s13;
	v3 =	vmul.f32 v7, v3  }
0x127: {  	[tilespmem:s10+$0x10] =	vst v5  }
0x128: {  	s11 =	sadd.s32 $0x40, s12;
	[tilespmem:s10+$0xFFFFFFE0] =	vst v2  }
0x129: {  	v2 =	vld [tilespmem:s11+$0xFFFFFFF0];
	[tilespmem:s10+$0xFFFFFFF0] =	vst v4  }
0x12a: {  	v4 =	vld [tilespmem:s11+$0x10];
	[tilespmem:s10+$0x0] =	vst v3  }
0x12b: {  	v1 =	vld.idx.msk [tilespmem:v1+s21+$0x0], $0xffff  }
0x12c: {  	v3 =	vld [tilespmem:s11+$0xFFFFFFE0];
	_ =	sdelay $0x1  }
0x12d: {  	v5 =	vld [tilespmem:s11+$0x0];
	_ =	sdelay $0x1  }
0x12e: {  	v4 =	vmul.f32 v4, v1  }
0x12f: {  	v3 =	vmul.f32 v3, v1  }
0x130: {  	v2 =	vmul.f32 v2, v1;
	[tilespmem:s11+$0x10] =	vst v4  }
0x131: {  	v1 =	vmul.f32 v5, v1;
	[tilespmem:s11+$0xFFFFFFE0] =	vst v3  }
0x132: {  	[tilespmem:s11+$0xFFFFFFF0] =	vst v2  }
0x133: {  	s13 =	rddreg [dreg:$0x10];
	[tilespmem:s11+$0x0] =	vst v1  }
0x134: {  	[spmem:s13] =	stream.linear.scatter [tilespmem:s25], [sflag:$0xA], $0x1400, $0x38;
	[tilespmem:$0x1E8A0] =	vst v63  }
0x135: {  	_ =	swait.ge [sflag:s23], $0x1400  }
0x136: {  	[sflag:s23] =	ssyncset.done $0x0  }
0x137: {  	s12 =	simm.s32 $0xF0;
	s11 =	rddreg [dreg:$0x7];
	[sflag:s23] =	ssyncadd.s32 $0xFFFFEC00  }
0x138: {  	[tilespmem:s26], [sflag:$0xA] =	stream.linear.gather [hbm4b:s11+s4], $0x1400, $0x38;
	[tilespmem:$0x1E8A0] =	vst v63  }
0x139: {  	v1 =	vmov s12;
	_ =	swait.ge [sflag:s23], $0x1400  }
0x13a: {  	[sflag:s23] =	ssyncset.done $0x0  }
0x13b: {  	s10 =	simm.s32 $0x6240;
	[sflag:s23] =	ssyncadd.s32 $0xFFFFEC00  }
0x13c: {  	v3 =	vld [tilespmem:s10+$0xFFFFFFF0]  }
0x13d: {  	v4 =	vld [tilespmem:s10+$0x10]  }
0x13e: {  	v6 =	vld.idx.msk [tilespmem:v1+s21+$0x0], $0xffff  }
0x13f: {  	v1 =	vld [tilespmem:s10+$0xFFFFFFE0]  }
0x140: {  	v7 =	vld [tilespmem:s10+$0x0];
	_ =	sdelay $0x3  }
0x141: {  	s13 =	simm.s32 $0xF1;
	v2 =	vmul.f32 v1, v6;
	v5 =	vmul.f32 v4, v6  }
0x142: {  	s12 =	simm.s32 $0x6240;
	s11 =	simm.s32 $0xF2;
	v1 =	vmov s13;
	v4 =	vmul.f32 v3, v6;
	v3 =	vmul.f32 v7, v6  }
.LBB2_10:
0x143: {  	p0 =	sne.s32 s11, $0x13F  }
0x144: {  	[tilespmem:s10+$0x10] =	vst v5;
	s12 =	sadd.s32 $0x40, s12;
	s13 =	smov.u32 s11;
	s11 =	sadd.s32 $0x1, s11  }
0x145: {  	[tilespmem:s10+$0xFFFFFFE0] =	vst v2  }
0x146: {  	v6 =	vld [tilespmem:s12+$0xFFFFFFF0];
	[tilespmem:s10+$0xFFFFFFF0] =	vst v4  }
0x147: {  	v4 =	vld [tilespmem:s12+$0x10];
	[tilespmem:s10+$0x0] =	vst v3;
	s10 =	smov.u32 s12  }
0x148: {  	v3 =	vld.idx.msk [tilespmem:v1+s21+$0x0], $0xffff  }
0x149: {  	v1 =	vld [tilespmem:s12+$0xFFFFFFE0]  }
0x14a: {  	v7 =	vld [tilespmem:s12+$0x0]  }
.Ltmp6:
0x14b: {  	(pc) =	sbr.rel @p0 .LBB2_10-.Ltmp6, $3  }
0x14c: {  	_ =	sdelay $0x1  }
0x14d: {  	v5 =	vmul.f32 v4, v3;
	v2 =	vmul.f32 v1, v3  }
0x14e: {  	v4 =	vmul.f32 v6, v3;
	v1 =	vmov s13;
	v3 =	vmul.f32 v7, v3  }
0x14f: {  	[tilespmem:s10+$0x10] =	vst v5  }
0x150: {  	s11 =	sadd.s32 $0x40, s12;
	[tilespmem:s10+$0xFFFFFFE0] =	vst v2  }
0x151: {  	v2 =	vld [tilespmem:s11+$0xFFFFFFF0];
	[tilespmem:s10+$0xFFFFFFF0] =	vst v4  }
0x152: {  	v4 =	vld [tilespmem:s11+$0x10];
	[tilespmem:s10+$0x0] =	vst v3  }
0x153: {  	v1 =	vld.idx.msk [tilespmem:v1+s21+$0x0], $0xffff  }
0x154: {  	v3 =	vld [tilespmem:s11+$0xFFFFFFE0];
	_ =	sdelay $0x1  }
0x155: {  	v5 =	vld [tilespmem:s11+$0x0];
	_ =	sdelay $0x1  }
0x156: {  	v4 =	vmul.f32 v4, v1  }
0x157: {  	v3 =	vmul.f32 v3, v1  }
0x158: {  	v2 =	vmul.f32 v2, v1;
	[tilespmem:s11+$0x10] =	vst v4  }
0x159: {  	v1 =	vmul.f32 v5, v1;
	[tilespmem:s11+$0xFFFFFFE0] =	vst v3  }
0x15a: {  	[tilespmem:s11+$0xFFFFFFF0] =	vst v2  }
0x15b: {  	s13 =	rddreg [dreg:$0x11];
	[tilespmem:s11+$0x0] =	vst v1  }
0x15c: {  	[spmem:s13] =	stream.linear.scatter [tilespmem:s26], [sflag:$0xA], $0x1400, $0x38;
	[tilespmem:$0x1E8A0] =	vst v63  }
0x15d: {  	_ =	swait.ge [sflag:s23], $0x1400  }
0x15e: {  	[sflag:s23] =	ssyncset.done $0x0  }
0x15f: {  	s12 =	simm.s32 $0x140;
	s11 =	rddreg [dreg:$0x8];
	[sflag:s23] =	ssyncadd.s32 $0xFFFFEC00  }
0x160: {  	[tilespmem:s25], [sflag:$0xA] =	stream.linear.gather [hbm4b:s11+s4], $0x1400, $0x38;
	[tilespmem:$0x1E8A0] =	vst v63  }
0x161: {  	v1 =	vmov s12;
	_ =	swait.ge [sflag:s23], $0x1400  }
0x162: {  	[sflag:s23] =	ssyncset.done $0x0  }
0x163: {  	s10 =	simm.s32 $0x4E40;
	[sflag:s23] =	ssyncadd.s32 $0xFFFFEC00  }
0x164: {  	v3 =	vld [tilespmem:s10+$0xFFFFFFF0]  }
0x165: {  	v4 =	vld [tilespmem:s10+$0x10]  }
0x166: {  	v6 =	vld.idx.msk [tilespmem:v1+s21+$0x0], $0xffff  }
0x167: {  	v1 =	vld [tilespmem:s10+$0xFFFFFFE0]  }
0x168: {  	v7 =	vld [tilespmem:s10+$0x0];
	_ =	sdelay $0x3  }
0x169: {  	s13 =	simm.s32 $0x141;
	v2 =	vmul.f32 v1, v6;
	v5 =	vmul.f32 v4, v6  }
0x16a: {  	s12 =	simm.s32 $0x4E40;
	s11 =	simm.s32 $0x142;
	v1 =	vmov s13;
	v4 =	vmul.f32 v3, v6;
	v3 =	vmul.f32 v7, v6  }
.LBB2_12:
0x16b: {  	p0 =	sne.s32 s11, $0x18F  }
0x16c: {  	[tilespmem:s10+$0x10] =	vst v5;
	s12 =	sadd.s32 $0x40, s12;
	s13 =	smov.u32 s11;
	s11 =	sadd.s32 $0x1, s11  }
0x16d: {  	[tilespmem:s10+$0xFFFFFFE0] =	vst v2  }
0x16e: {  	v6 =	vld [tilespmem:s12+$0xFFFFFFF0];
	[tilespmem:s10+$0xFFFFFFF0] =	vst v4  }
0x16f: {  	v4 =	vld [tilespmem:s12+$0x10];
	[tilespmem:s10+$0x0] =	vst v3;
	s10 =	smov.u32 s12  }
0x170: {  	v3 =	vld.idx.msk [tilespmem:v1+s21+$0x0], $0xffff  }
0x171: {  	v1 =	vld [tilespmem:s12+$0xFFFFFFE0]  }
0x172: {  	v7 =	vld [tilespmem:s12+$0x0]  }
.Ltmp7:
0x173: {  	(pc) =	sbr.rel @p0 .LBB2_12-.Ltmp7, $3  }
0x174: {  	_ =	sdelay $0x1  }
0x175: {  	v5 =	vmul.f32 v4, v3;
	v2 =	vmul.f32 v1, v3  }
0x176: {  	v4 =	vmul.f32 v6, v3;
	v1 =	vmov s13;
	v3 =	vmul.f32 v7, v3  }
0x177: {  	[tilespmem:s10+$0x10] =	vst v5  }
0x178: {  	s11 =	sadd.s32 $0x40, s12;
	[tilespmem:s10+$0xFFFFFFE0] =	vst v2  }
0x179: {  	v2 =	vld [tilespmem:s11+$0xFFFFFFF0];
	[tilespmem:s10+$0xFFFFFFF0] =	vst v4  }
0x17a: {  	v4 =	vld [tilespmem:s11+$0x10];
	[tilespmem:s10+$0x0] =	vst v3  }
0x17b: {  	v1 =	vld.idx.msk [tilespmem:v1+s21+$0x0], $0xffff  }
0x17c: {  	v3 =	vld [tilespmem:s11+$0xFFFFFFE0];
	_ =	sdelay $0x1  }
0x17d: {  	v5 =	vld [tilespmem:s11+$0x0];
	_ =	sdelay $0x1  }
0x17e: {  	v4 =	vmul.f32 v4, v1  }
0x17f: {  	v3 =	vmul.f32 v3, v1  }
0x180: {  	v2 =	vmul.f32 v2, v1;
	[tilespmem:s11+$0x10] =	vst v4  }
0x181: {  	v1 =	vmul.f32 v5, v1;
	[tilespmem:s11+$0xFFFFFFE0] =	vst v3  }
0x182: {  	[tilespmem:s11+$0xFFFFFFF0] =	vst v2  }
0x183: {  	s13 =	rddreg [dreg:$0x12];
	[tilespmem:s11+$0x0] =	vst v1  }
0x184: {  	[spmem:s13] =	stream.linear.scatter [tilespmem:s25], [sflag:$0xA], $0x1400, $0x38;
	[tilespmem:$0x1E8A0] =	vst v63  }
0x185: {  	_ =	swait.ge [sflag:s23], $0x1400  }
0x186: {  	[sflag:s23] =	ssyncset.done $0x0  }
0x187: {  	s12 =	simm.s32 $0x190;
	s11 =	rddreg [dreg:$0x9];
	[sflag:s23] =	ssyncadd.s32 $0xFFFFEC00  }
0x188: {  	[tilespmem:s26], [sflag:$0xA] =	stream.linear.gather [hbm4b:s11+s4], $0x1400, $0x38;
	[tilespmem:$0x1E8A0] =	vst v63  }
0x189: {  	v1 =	vmov s12;
	_ =	swait.ge [sflag:s23], $0x1400  }
0x18a: {  	[sflag:s23] =	ssyncset.done $0x0  }
0x18b: {  	s10 =	simm.s32 $0x6240;
	[sflag:s23] =	ssyncadd.s32 $0xFFFFEC00  }
0x18c: {  	v3 =	vld [tilespmem:s10+$0xFFFFFFF0]  }
0x18d: {  	v4 =	vld [tilespmem:s10+$0x10]  }
0x18e: {  	v6 =	vld.idx.msk [tilespmem:v1+s21+$0x0], $0xffff  }
0x18f: {  	v1 =	vld [tilespmem:s10+$0xFFFFFFE0]  }
0x190: {  	v7 =	vld [tilespmem:s10+$0x0];
	_ =	sdelay $0x3  }
0x191: {  	s13 =	simm.s32 $0x191;
	v2 =	vmul.f32 v1, v6;
	v5 =	vmul.f32 v4, v6  }
0x192: {  	s12 =	simm.s32 $0x6240;
	s11 =	simm.s32 $0x192;
	v1 =	vmov s13;
	v4 =	vmul.f32 v3, v6;
	v3 =	vmul.f32 v7, v6  }
.LBB2_14:
0x193: {  	p0 =	sne.s32 s11, $0x1DF  }
0x194: {  	[tilespmem:s10+$0x10] =	vst v5;
	s12 =	sadd.s32 $0x40, s12;
	s13 =	smov.u32 s11;
	s11 =	sadd.s32 $0x1, s11  }
0x195: {  	[tilespmem:s10+$0xFFFFFFE0] =	vst v2  }
0x196: {  	v6 =	vld [tilespmem:s12+$0xFFFFFFF0];
	[tilespmem:s10+$0xFFFFFFF0] =	vst v4  }
0x197: {  	v4 =	vld [tilespmem:s12+$0x10];
	[tilespmem:s10+$0x0] =	vst v3;
	s10 =	smov.u32 s12  }
0x198: {  	v3 =	vld.idx.msk [tilespmem:v1+s21+$0x0], $0xffff  }
0x199: {  	v1 =	vld [tilespmem:s12+$0xFFFFFFE0]  }
0x19a: {  	v7 =	vld [tilespmem:s12+$0x0]  }
.Ltmp8:
0x19b: {  	(pc) =	sbr.rel @p0 .LBB2_14-.Ltmp8, $3  }
0x19c: {  	_ =	sdelay $0x1  }
0x19d: {  	v5 =	vmul.f32 v4, v3;
	v2 =	vmul.f32 v1, v3  }
0x19e: {  	v4 =	vmul.f32 v6, v3;
	v1 =	vmov s13;
	v3 =	vmul.f32 v7, v3  }
0x19f: {  	[tilespmem:s10+$0x10] =	vst v5  }
0x1a0: {  	s11 =	sadd.s32 $0x40, s12;
	[tilespmem:s10+$0xFFFFFFE0] =	vst v2  }
0x1a1: {  	v2 =	vld [tilespmem:s11+$0xFFFFFFF0];
	[tilespmem:s10+$0xFFFFFFF0] =	vst v4  }
0x1a2: {  	v4 =	vld [tilespmem:s11+$0x10];
	[tilespmem:s10+$0x0] =	vst v3  }
0x1a3: {  	v1 =	vld.idx.msk [tilespmem:v1+s21+$0x0], $0xffff  }
0x1a4: {  	v3 =	vld [tilespmem:s11+$0xFFFFFFE0];
	_ =	sdelay $0x1  }
0x1a5: {  	v5 =	vld [tilespmem:s11+$0x0];
	_ =	sdelay $0x1  }
0x1a6: {  	v4 =	vmul.f32 v4, v1  }
0x1a7: {  	v3 =	vmul.f32 v3, v1  }
0x1a8: {  	v2 =	vmul.f32 v2, v1;
	[tilespmem:s11+$0x10] =	vst v4  }
0x1a9: {  	v1 =	vmul.f32 v5, v1;
	[tilespmem:s11+$0xFFFFFFE0] =	vst v3  }
0x1aa: {  	[tilespmem:s11+$0xFFFFFFF0] =	vst v2  }
0x1ab: {  	s13 =	rddreg [dreg:$0x13];
	[tilespmem:s11+$0x0] =	vst v1  }
0x1ac: {  	[spmem:s13] =	stream.linear.scatter [tilespmem:s26], [sflag:$0xA], $0x1400, $0x38;
	[tilespmem:$0x1E8A0] =	vst v63  }
0x1ad: {  	_ =	swait.ge [sflag:s23], $0x1400  }
0x1ae: {  	[sflag:s23] =	ssyncset.done $0x0  }
0x1af: {  	s12 =	simm.s32 $0x1E0;
	s11 =	rddreg [dreg:$0xa];
	[sflag:s23] =	ssyncadd.s32 $0xFFFFEC00  }
0x1b0: {  	[tilespmem:s25], [sflag:$0xA] =	stream.linear.gather [hbm4b:s11+s4], $0x1400, $0x38;
	[tilespmem:$0x1E8A0] =	vst v63  }
0x1b1: {  	v1 =	vmov s12;
	_ =	swait.ge [sflag:s23], $0x1400  }
0x1b2: {  	[sflag:s23] =	ssyncset.done $0x0  }
0x1b3: {  	s10 =	simm.s32 $0x4E40;
	[sflag:s23] =	ssyncadd.s32 $0xFFFFEC00  }
0x1b4: {  	v3 =	vld [tilespmem:s10+$0xFFFFFFF0]  }
0x1b5: {  	v4 =	vld [tilespmem:s10+$0x10]  }
0x1b6: {  	v6 =	vld.idx.msk [tilespmem:v1+s21+$0x0], $0xffff  }
0x1b7: {  	v1 =	vld [tilespmem:s10+$0xFFFFFFE0]  }
0x1b8: {  	v7 =	vld [tilespmem:s10+$0x0];
	_ =	sdelay $0x3  }
0x1b9: {  	s13 =	simm.s32 $0x1E1;
	v2 =	vmul.f32 v1, v6;
	v5 =	vmul.f32 v4, v6  }
0x1ba: {  	s12 =	simm.s32 $0x4E40;
	s11 =	simm.s32 $0x1E2;
	v1 =	vmov s13;
	v4 =	vmul.f32 v3, v6;
	v3 =	vmul.f32 v7, v6  }
.LBB2_16:
0x1bb: {  	p0 =	sne.s32 s11, $0x22F  }
0x1bc: {  	[tilespmem:s10+$0x10] =	vst v5;
	s12 =	sadd.s32 $0x40, s12;
	s13 =	smov.u32 s11;
	s11 =	sadd.s32 $0x1, s11  }
0x1bd: {  	[tilespmem:s10+$0xFFFFFFE0] =	vst v2  }
0x1be: {  	v6 =	vld [tilespmem:s12+$0xFFFFFFF0];
	[tilespmem:s10+$0xFFFFFFF0] =	vst v4  }
0x1bf: {  	v4 =	vld [tilespmem:s12+$0x10];
	[tilespmem:s10+$0x0] =	vst v3;
	s10 =	smov.u32 s12  }
0x1c0: {  	v3 =	vld.idx.msk [tilespmem:v1+s21+$0x0], $0xffff  }
0x1c1: {  	v1 =	vld [tilespmem:s12+$0xFFFFFFE0]  }
0x1c2: {  	v7 =	vld [tilespmem:s12+$0x0]  }
.Ltmp9:
0x1c3: {  	(pc) =	sbr.rel @p0 .LBB2_16-.Ltmp9, $3  }
0x1c4: {  	_ =	sdelay $0x1  }
0x1c5: {  	v5 =	vmul.f32 v4, v3;
	v2 =	vmul.f32 v1, v3  }
0x1c6: {  	v4 =	vmul.f32 v6, v3;
	v1 =	vmov s13;
	v3 =	vmul.f32 v7, v3  }
0x1c7: {  	[tilespmem:s10+$0x10] =	vst v5  }
0x1c8: {  	s11 =	sadd.s32 $0x40, s12;
	[tilespmem:s10+$0xFFFFFFE0] =	vst v2  }
0x1c9: {  	v2 =	vld [tilespmem:s11+$0xFFFFFFF0];
	[tilespmem:s10+$0xFFFFFFF0] =	vst v4  }
0x1ca: {  	v4 =	vld [tilespmem:s11+$0x10];
	[tilespmem:s10+$0x0] =	vst v3  }
0x1cb: {  	v1 =	vld.idx.msk [tilespmem:v1+s21+$0x0], $0xffff  }
0x1cc: {  	v3 =	vld [tilespmem:s11+$0xFFFFFFE0];
	_ =	sdelay $0x1  }
0x1cd: {  	v5 =	vld [tilespmem:s11+$0x0];
	_ =	sdelay $0x1  }
0x1ce: {  	v4 =	vmul.f32 v4, v1  }
0x1cf: {  	v3 =	vmul.f32 v3, v1  }
0x1d0: {  	v2 =	vmul.f32 v2, v1;
	[tilespmem:s11+$0x10] =	vst v4  }
0x1d1: {  	v1 =	vmul.f32 v5, v1;
	[tilespmem:s11+$0xFFFFFFE0] =	vst v3  }
0x1d2: {  	[tilespmem:s11+$0xFFFFFFF0] =	vst v2  }
0x1d3: {  	s13 =	rddreg [dreg:$0x14];
	[tilespmem:s11+$0x0] =	vst v1  }
0x1d4: {  	[spmem:s13] =	stream.linear.scatter [tilespmem:s25], [sflag:$0xA], $0x1400, $0x38;
	[tilespmem:$0x1E8A0] =	vst v63  }
0x1d5: {  	_ =	swait.ge [sflag:s23], $0x1400  }
0x1d6: {  	[sflag:s23] =	ssyncset.done $0x0  }
0x1d7: {  	s12 =	simm.s32 $0x230;
	s11 =	rddreg [dreg:$0xb];
	[sflag:s23] =	ssyncadd.s32 $0xFFFFEC00  }
0x1d8: {  	[tilespmem:s26], [sflag:$0xA] =	stream.linear.gather [hbm4b:s11+s4], $0x1400, $0x38;
	[tilespmem:$0x1E8A0] =	vst v63  }
0x1d9: {  	v1 =	vmov s12;
	_ =	swait.ge [sflag:s23], $0x1400  }
0x1da: {  	[sflag:s23] =	ssyncset.done $0x0  }
0x1db: {  	s10 =	simm.s32 $0x6240;
	[sflag:s23] =	ssyncadd.s32 $0xFFFFEC00  }
0x1dc: {  	v3 =	vld [tilespmem:s10+$0xFFFFFFF0]  }
0x1dd: {  	v4 =	vld [tilespmem:s10+$0x10]  }
0x1de: {  	v6 =	vld.idx.msk [tilespmem:v1+s21+$0x0], $0xffff  }
0x1df: {  	v1 =	vld [tilespmem:s10+$0xFFFFFFE0]  }
0x1e0: {  	v7 =	vld [tilespmem:s10+$0x0];
	_ =	sdelay $0x3  }
0x1e1: {  	s13 =	simm.s32 $0x231;
	v2 =	vmul.f32 v1, v6;
	v5 =	vmul.f32 v4, v6  }
0x1e2: {  	s12 =	simm.s32 $0x6240;
	s11 =	simm.s32 $0x232;
	v1 =	vmov s13;
	v4 =	vmul.f32 v3, v6;
	v3 =	vmul.f32 v7, v6  }
.LBB2_18:
0x1e3: {  	p0 =	sne.s32 s11, $0x27F  }
0x1e4: {  	[tilespmem:s10+$0x10] =	vst v5;
	s12 =	sadd.s32 $0x40, s12;
	s13 =	smov.u32 s11;
	s11 =	sadd.s32 $0x1, s11  }
0x1e5: {  	[tilespmem:s10+$0xFFFFFFE0] =	vst v2  }
0x1e6: {  	v6 =	vld [tilespmem:s12+$0xFFFFFFF0];
	[tilespmem:s10+$0xFFFFFFF0] =	vst v4  }
0x1e7: {  	v4 =	vld [tilespmem:s12+$0x10];
	[tilespmem:s10+$0x0] =	vst v3;
	s10 =	smov.u32 s12  }
0x1e8: {  	v3 =	vld.idx.msk [tilespmem:v1+s21+$0x0], $0xffff  }
0x1e9: {  	v1 =	vld [tilespmem:s12+$0xFFFFFFE0]  }
0x1ea: {  	v7 =	vld [tilespmem:s12+$0x0]  }
.Ltmp10:
0x1eb: {  	(pc) =	sbr.rel @p0 .LBB2_18-.Ltmp10, $3  }
0x1ec: {  	_ =	sdelay $0x1  }
0x1ed: {  	v5 =	vmul.f32 v4, v3;
	v2 =	vmul.f32 v1, v3  }
0x1ee: {  	v4 =	vmul.f32 v6, v3;
	v1 =	vmov s13;
	v3 =	vmul.f32 v7, v3  }
0x1ef: {  	[tilespmem:s10+$0x10] =	vst v5  }
0x1f0: {  	s11 =	sadd.s32 $0x40, s12;
	[tilespmem:s10+$0xFFFFFFE0] =	vst v2  }
0x1f1: {  	v2 =	vld [tilespmem:s11+$0xFFFFFFF0];
	[tilespmem:s10+$0xFFFFFFF0] =	vst v4  }
0x1f2: {  	v4 =	vld [tilespmem:s11+$0x10];
	[tilespmem:s10+$0x0] =	vst v3  }
0x1f3: {  	v1 =	vld.idx.msk [tilespmem:v1+s21+$0x0], $0xffff  }
0x1f4: {  	v3 =	vld [tilespmem:s11+$0xFFFFFFE0];
	_ =	sdelay $0x1  }
0x1f5: {  	v5 =	vld [tilespmem:s11+$0x0];
	_ =	sdelay $0x1  }
0x1f6: {  	v4 =	vmul.f32 v4, v1  }
0x1f7: {  	v3 =	vmul.f32 v3, v1  }
0x1f8: {  	v2 =	vmul.f32 v2, v1;
	[tilespmem:s11+$0x10] =	vst v4  }
0x1f9: {  	v1 =	vmul.f32 v5, v1;
	[tilespmem:s11+$0xFFFFFFE0] =	vst v3  }
0x1fa: {  	[tilespmem:s11+$0xFFFFFFF0] =	vst v2  }
0x1fb: {  	s12 =	rddreg [dreg:$0x15];
	[tilespmem:s11+$0x0] =	vst v1  }
0x1fc: {  	[spmem:s12] =	stream.linear.scatter [tilespmem:s26], [sflag:$0xA], $0x1400, $0x38;
	[tilespmem:$0x1E8A0] =	vst v63  }
0x1fd: {  	_ =	swait.ge [sflag:s23], $0x1400  }
0x1fe: {  	[sflag:s23] =	ssyncset.done $0x0  }
0x1ff: {  	[sflag:s23] =	ssyncadd.s32 $0xFFFFEC00  }
0x200: {  	s10 =	simm.s32 $0x0;
	[bflag:$0x0] =	sbarrier.arrive $0xFFFF  }
0x201: {  	[tilespmem:s25], [sflag:$0x2] =	stream.indirect.gather [spmem:s3], $0x40, s10, s28, $0xb8;
	[tilespmem:$0x1E8A0] =	vst v63  }
0x202: {  	_ = 	snop  }
0x203: {  	[tilespmem:s26], [sflag:$0x3] =	stream.indirect.gather [spmem:s3], $0x40, s28, s28, $0xb8;
	[tilespmem:$0x1E8A0] =	vst v63  }
0x204: {  	s13 =	simm.s32 $0xA0  }
0x205: {  	[tilespmem:s29], [sflag:$0x4] =	stream.indirect.gather [spmem:s3], $0x40, s13, s28, $0xb8;
	[tilespmem:$0x1E8A0] =	vst v63  }
0x206: {  	_ =	swait.ge [sflag:s30], $0x1400  }
0x207: {  	[sflag:s30] =	ssyncset.done $0x0  }
0x208: {  	s12 =	simm.s32 $0x2710;
	[sflag:s30] =	ssyncadd.s32 $0xFFFFEC00  }
0x209: {  	[spmem:s2] =	stream.indirect.scatter.add.f32 [tilespmem:s25], [sflag:$0x6], $0x40, s12, s28, $0xb8;
	[tilespmem:$0x1E8A0] =	vst v63  }
0x20a: {  	s13 =	simm.s32 $0xF0  }
0x20b: {  	[tilespmem:s31], [sflag:$0x5] =	stream.indirect.gather [spmem:s3], $0x40, s13, s28, $0xb8;
	[tilespmem:$0x1E8A0] =	vst v63  }
0x20c: {  	_ =	swait.ge [sflag:s1], $0x1400  }
0x20d: {  	[sflag:s1] =	ssyncset.done $0x0  }
0x20e: {  	s12 =	simm.s32 $0x2760;
	[sflag:s1] =	ssyncadd.s32 $0xFFFFEC00  }
0x20f: {  	[spmem:s2] =	stream.indirect.scatter.add.f32 [tilespmem:s26], [sflag:$0x7], $0x40, s12, s28, $0xb8;
	[tilespmem:$0x1E8A0] =	vst v63  }
0x210: {  	_ =	swait.ge [sflag:s0], $0x1400  }
0x211: {  	[sflag:s0] =	ssyncset.done $0x0  }
0x212: {  	s13 =	simm.s32 $0x140;
	[sflag:s0] =	ssyncadd.s32 $0xFFFFEC00  }
0x213: {  	[tilespmem:s25], [sflag:$0x2] =	stream.indirect.gather [spmem:s3], $0x40, s13, s28, $0xb8;
	[tilespmem:$0x1E8A0] =	vst v63  }
0x214: {  	_ =	swait.ge [sflag:s5], $0x1400  }
0x215: {  	[sflag:s5] =	ssyncset.done $0x0  }
0x216: {  	s12 =	simm.s32 $0x27B0;
	[sflag:s5] =	ssyncadd.s32 $0xFFFFEC00  }
0x217: {  	[spmem:s2] =	stream.indirect.scatter.add.f32 [tilespmem:s29], [sflag:$0x8], $0x40, s12, s28, $0xb8;
	[tilespmem:$0x1E8A0] =	vst v63  }
0x218: {  	_ =	swait.ge [sflag:s20], $0x1400  }
0x219: {  	[sflag:s20] =	ssyncset.done $0x0  }
0x21a: {  	s13 =	simm.s32 $0x190;
	[sflag:s20] =	ssyncadd.s32 $0xFFFFEC00  }
0x21b: {  	[tilespmem:s26], [sflag:$0x3] =	stream.indirect.gather [spmem:s3], $0x40, s13, s28, $0xb8;
	[tilespmem:$0x1E8A0] =	vst v63  }
0x21c: {  	_ =	swait.ge [sflag:s6], $0x1400  }
0x21d: {  	[sflag:s6] =	ssyncset.done $0x0  }
0x21e: {  	s12 =	simm.s32 $0x2800;
	[sflag:s6] =	ssyncadd.s32 $0xFFFFEC00  }
0x21f: {  	[spmem:s2] =	stream.indirect.scatter.add.f32 [tilespmem:s31], [sflag:$0x9], $0x40, s12, s28, $0xb8;
	[tilespmem:$0x1E8A0] =	vst v63  }
0x220: {  	_ =	swait.ge [sflag:s7], $0x1400  }
0x221: {  	[sflag:s7] =	ssyncset.done $0x0  }
0x222: {  	s13 =	simm.s32 $0x1E0;
	[sflag:s7] =	ssyncadd.s32 $0xFFFFEC00  }
0x223: {  	[tilespmem:s29], [sflag:$0x4] =	stream.indirect.gather [spmem:s3], $0x40, s13, s28, $0xb8;
	[tilespmem:$0x1E8A0] =	vst v63  }
.LBB2_20:
0x224: {  	_ =	swait.ge [sflag:s30], $0x1400  }
0x225: {  	s11 =	sshra.s32 s10, $0x2;
	[sflag:s30] =	ssyncset.done $0x0  }
0x226: {  	s12 =	sadd.s32 $0x2850, s11;
	[sflag:s30] =	ssyncadd.s32 $0xFFFFEC00  }
0x227: {  	[spmem:s2] =	stream.indirect.scatter.add.f32 [tilespmem:s25], [sflag:$0x6], $0x40, s12, s28, $0xb8;
	[tilespmem:$0x1E8A0] =	vst v63  }
0x228: {  	_ =	swait.ge [sflag:s8], $0x1400  }
0x229: {  	[sflag:s8] =	ssyncset.done $0x0  }
0x22a: {  	s13 =	sadd.s32 $0x230, s11;
	[sflag:s8] =	ssyncadd.s32 $0xFFFFEC00  }
0x22b: {  	[tilespmem:s31], [sflag:$0x5] =	stream.indirect.gather [spmem:s3], $0x40, s13, s28, $0xb8;
	[tilespmem:$0x1E8A0] =	vst v63  }
0x22c: {  	_ =	swait.ge [sflag:s1], $0x1400  }
0x22d: {  	[sflag:s1] =	ssyncset.done $0x0  }
0x22e: {  	s13 =	sadd.s32 $0x28A0, s11;
	[sflag:s1] =	ssyncadd.s32 $0xFFFFEC00  }
0x22f: {  	[spmem:s2] =	stream.indirect.scatter.add.f32 [tilespmem:s26], [sflag:$0x7], $0x40, s13, s28, $0xb8;
	[tilespmem:$0x1E8A0] =	vst v63  }
0x230: {  	_ =	swait.ge [sflag:s0], $0x1400  }
0x231: {  	[sflag:s0] =	ssyncset.done $0x0  }
0x232: {  	s13 =	sadd.s32 $0x280, s11;
	[sflag:s0] =	ssyncadd.s32 $0xFFFFEC00  }
0x233: {  	[tilespmem:s25], [sflag:$0x2] =	stream.indirect.gather [spmem:s3], $0x40, s13, s28, $0xb8;
	[tilespmem:$0x1E8A0] =	vst v63  }
0x234: {  	_ =	swait.ge [sflag:s5], $0x1400  }
0x235: {  	p0 =	seq.s32 s10, $0x9100;
	[sflag:s5] =	ssyncset.done $0x0  }
.Ltmp11:
0x236: {  	s13 =	sadd.s32 $0x28F0, s11;
	[sflag:s5] =	ssyncadd.s32 $0xFFFFEC00;
	(pc) =	sbr.rel @p0 .LBB2_22-.Ltmp11, $4  }
0x237: {  	[spmem:s2] =	stream.indirect.scatter.add.f32 [tilespmem:s29], [sflag:$0x8], $0x40, s13, s28, $0xb8;
	[tilespmem:$0x1E8A0] =	vst v63  }
0x238: {  	_ =	swait.ge [sflag:s20], $0x1400  }
0x239: {  	[sflag:s20] =	ssyncset.done $0x0  }
0x23a: {  	s12 =	sadd.s32 $0x2940, s11;
	[sflag:s20] =	ssyncadd.s32 $0xFFFFEC00  }
0x23b: {  	s13 =	sadd.s32 $0x2D0, s11  }
0x23c: {  	[tilespmem:s26], [sflag:$0x3] =	stream.indirect.gather [spmem:s3], $0x40, s13, s28, $0xb8;
	[tilespmem:$0x1E8A0] =	vst v63  }
0x23d: {  	_ =	swait.ge [sflag:s6], $0x1400  }
0x23e: {  	[sflag:s6] =	ssyncset.done $0x0  }
0x23f: {  	[sflag:s6] =	ssyncadd.s32 $0xFFFFEC00  }
0x240: {  	[spmem:s2] =	stream.indirect.scatter.add.f32 [tilespmem:s31], [sflag:$0x9], $0x40, s12, s28, $0xb8;
	[tilespmem:$0x1E8A0] =	vst v63  }
.Ltmp12:
0x241: {  	_ = 	snop;
	(pc) =	sbr.rel .LBB2_20-.Ltmp12, $4  }
0x242: {  	_ =	swait.ge [sflag:s7], $0x1400  }
0x243: {  	[sflag:s7] =	ssyncset.done $0x0  }
0x244: {  	s10 =	sadd.s32 $0x500, s10;
	s13 =	sadd.s32 $0x320, s11;
	[sflag:s7] =	ssyncadd.s32 $0xFFFFEC00  }
0x245: {  	[tilespmem:s29], [sflag:$0x4] =	stream.indirect.gather [spmem:s3], $0x40, s13, s28, $0xb8;
	[tilespmem:$0x1E8A0] =	vst v63  }
.LBB2_23:
0x246: {  	_ =	sfence.sel $0x180000  }
0x247: {  	[bflag:$0x0] =	sbarrier.arrive $0xFFFF  }
0x248: {  	_ =	strace $0x9000004A  }
0x249: {  	s0 =	stileid.u32;
	[bflag:$0x2] =	sbarrier.arrive $0xFFFF  }
0x24a: {  	p0 =	sne.s32 s0, $0x0;
	s0 =	rddreg [dreg:$0x3]  }
0x24b: {  	s0 =	sadd.s32 @!p0 $0x100000, s0  }
0x24c: {  	[sflag:s0] =	ssyncadd.tile.s32 @!p0 $0x1;
	_ =	shalt  }
.Lfunc_end2:
_tile_overlayer_lowered:
.L_overlay_start_2:
0x24d: {  	(tag) =	ssettag $0x2  }
0x24e: {  	s0 =	rddreg [dreg:$0x0];
	s2 =	stileid.u32  }
0x24f: {  	s1 =	rddreg [dreg:$0x1];
	p0 =	sne.s32 s2, $0x0  }
0x250: {  	s3 =	rddreg [dreg:$0x2];
	[bflag:$0x3] =	sbarrier.arrive $0xFFFF;
	s2 =	simm.s32 @!p0 $0x1C0A  }
0x251: {  	[timem:s3], [sflag:s2] =	dma.local @!p0 [hbm:s0], s1  }
0x252: {  	s0 =	simm.s32 @!p0 $0xA  }
0x253: {  	_ =	swait.ge @!p0 [sflag:s0], s1  }
0x254: {  	s1 =	ssub.s32 @!p0 $0x0, s1;
	[sflag:s0] =	ssyncset.done @!p0 $0x0  }
0x255: {  	[sflag:s0] =	ssyncadd.s32 @!p0 s1  }
0x256: {  	[bflag:$0x3] =	sbarrier.arrive $0xFFFF  }
0x257: {  	_ =	shalt  }

// kernel: kernel.14.cloned.1.call-start
scs
__scs_entry_jumppad:
0x0: {  	(pc) =	sbr.rel $0x88, $3  }
0x1: {  	(tag) =	ssettag $0x0;
	lr =	simm.s32 $0x1  }
0x2: {  	[smem:$0x3F9B] =	sst lr;
	_ =	strace $0xD0000000  }
0x3: {  	_ = 	snop  }
0x4: {  	_ = 	snop  }
0x5: {  	_ = 	snop  }
0x6: {  	_ = 	snop  }
0x7: {  	_ = 	snop  }
__scs_overlays_trampoline_lowered:
0x8: {  	[smem:$0x3FAA] =	sst s0  }
0x9: {  	[smem:$0x3FAB] =	sst s1  }
0xa: {  	[smem:$0x3FAC] =	sst s2  }
0xb: {  	[smem:$0x3FAD] =	sst s3  }
0xc: {  	[smem:$0x3FAE] =	sst s4  }
0xd: {  	[smem:$0x3FAF] =	sst s5  }
0xe: {  	[smem:$0x3FB0] =	sst s6  }
0xf: {  	[smem:$0x3FB1] =	sst s7  }
0x10: {  	[smem:$0x3FB2] =	sst s8  }
0x11: {  	[smem:$0x3FB3] =	sst s9;
	s0 =	simm.s32 @!p0 $0x0  }
0x12: {  	s1 =	sld [smem:$0x3F99];
	s0 =	simm.s32 @p0 $0x1  }
0x13: {  	[smem:$0x3FB4] =	sst s0;
	s0 =	simm.s32 @!p1 $0x0  }
0x14: {  	s2 =	sld [smem:$0x3F98];
	s0 =	simm.s32 @p1 $0x1  }
0x15: {  	[smem:$0x3FB5] =	sst s0;
	s0 =	simm.s32 @!p2 $0x0  }
0x16: {  	s3 =	sld [smem:$0x3FDB];
	s0 =	simm.s32 @p2 $0x1  }
0x17: {  	s4 =	simm.s32 $0x1BF5;
	[smem:$0x3FB7] =	sst s0  }
0x18: {  	s0 =	sld [smem:$0x3F9A];
	_ =	swait.ge [sflag:s4], $0x0  }
0x19: {  	s7 =	sld [smem:$0x3F9B]  }
0x1a: {  	s8 =	sadd.s32 $0xFFFFE003, lr  }
0x1b: {  	s9 =	sadd.s32 $0xFFFFFEF7, lr;
	s5 =	simm.s32 $0xFFFFFFFF;
	p2 =	slt.u32 s8, $0xFFFFF086  }
0x1c: {  	p1 =	slt.u32 s9, $0xF7A;
	s5 =	simm.s32 @!p2 $0x0  }
0x1d: {  	s5 =	simm.s32 @p1 $0x1;
	p0 =	seq.s32 s7, s2  }
0x1e: {  	s7 =	smul.u32 @!p0 $0xF7A, s2;
	p2 =	seq.s32 @!p0 s5, $0x0  }
0x1f: {  	s9 =	smul.u32 $0xF7A, s1;
	s8 =	simm.s32 @!p0 $0x1BF5;
	p2 =	por !p2, p0  }
0x20: {  	[sflag:s8] =	ssyncset.s32 @!p0 $0xFFFFF086;
	s6 =	sadd.s32 @!p0 s3, s7;
	s7 =	simm.s32 @!p0 $0x108  }
0x21: {  	s3 =	sadd.s32 s3, s9;
	s6 =	sadd.s32 @!p0 $0x88, s6;
	s7 =	simm.s32 @p2 $0x1082  }
0x22: {  	[simem:s7], [sflag:s8] =	dma.local @!p0 [hbm:s6], $0xF7A  }
0x23: {  	s9 =	sor.u32 $0xD0000000, s2;
	s6 =	simm.s32 $0x108;
	_ =	swait.ge @!p0 [sflag:s8], $0x0  }
0x24: {  	s3 =	sadd.s32 $0x88, s3;
	s6 =	simm.s32 @!p1 $0x1082;
	[sflag:s4] =	ssyncset.s32 $0xFFFFF086  }
0x25: {  	[simem:s6], [sflag:s4] =	dma.local [hbm:s3], $0xF7A  }
0x26: {  	[smem:$0x3F9B] =	sst s1;
	(tag) =	ssettag s2;
	_ =	strace s9  }
0x27: {  	s1 =	sld [smem:$0x3FAB]  }
0x28: {  	s2 =	sld [smem:$0x3FAC]  }
0x29: {  	s4 =	sld [smem:$0x3FAE]  }
0x2a: {  	p0 =	seq.s32 s5, $0x0;
	s5 =	sld [smem:$0x3FAF]  }
0x2b: {  	s6 =	sld [smem:$0x3FB0]  }
0x2c: {  	s7 =	sld [smem:$0x3FB1]  }
0x2d: {  	s3 =	simm.s32 $0x108;
	s8 =	sld [smem:$0x3FB2]  }
0x2e: {  	s3 =	simm.s32 @!p0 $0x1082;
	s9 =	sld [smem:$0x3FB3]  }
0x2f: {  	lr =	sadd.s32 s0, s3;
	s0 =	sld [smem:$0x3FAA]  }
0x30: {  	s3 =	sld [smem:$0x3FAD]  }
0x31: {  	[smem:$0x3FB6] =	sst s10  }
0x32: {  	s10 =	sld [smem:$0x3FB4];
	_ =	sdelay $0x3  }
0x33: {  	p0 =	seq.s32 s10, $0x1;
	s10 =	sld [smem:$0x3FB6];
	_ =	sdelay $0x3  }
0x34: {  	[smem:$0x3FB6] =	sst s10  }
0x35: {  	s10 =	sld [smem:$0x3FB5];
	_ =	sdelay $0x3  }
0x36: {  	p1 =	seq.s32 s10, $0x1;
	s10 =	sld [smem:$0x3FB6];
	_ =	sdelay $0x3  }
0x37: {  	[smem:$0x3FB6] =	sst s10  }
0x38: {  	s10 =	sld [smem:$0x3FB7]  }
0x39: {  	_ = 	snop;
	(pc) =	sbr.ind lr, $3  }
0x3a: {  	_ = 	snop  }
0x3b: {  	_ = 	snop  }
0x3c: {  	p2 =	seq.s32 s10, $0x1;
	s10 =	sld [smem:$0x3FB6]  }
0x3d: {  	_ =	shalt  }
0x3e: {  	_ =	shalt  }
0x3f: {  	_ =	shalt  }
0x40: {  	_ =	shalt  }
0x41: {  	_ =	shalt  }
0x42: {  	_ =	shalt  }
0x43: {  	_ =	shalt  }
0x44: {  	_ =	shalt  }
0x45: {  	_ =	shalt  }
0x46: {  	_ =	shalt  }
0x47: {  	_ =	shalt  }
0x48: {  	_ =	shalt  }
0x49: {  	_ =	shalt  }
0x4a: {  	_ =	shalt  }
0x4b: {  	_ =	shalt  }
0x4c: {  	_ =	shalt  }
0x4d: {  	_ =	shalt  }
0x4e: {  	_ =	shalt  }
0x4f: {  	_ =	shalt  }
0x50: {  	_ =	shalt  }
0x51: {  	_ =	shalt  }
0x52: {  	_ =	shalt  }
0x53: {  	_ =	shalt  }
0x54: {  	_ =	shalt  }
0x55: {  	_ =	shalt  }
0x56: {  	_ =	shalt  }
0x57: {  	_ =	shalt  }
0x58: {  	_ =	shalt  }
0x59: {  	_ =	shalt  }
0x5a: {  	_ =	shalt  }
0x5b: {  	_ =	shalt  }
0x5c: {  	_ =	shalt  }
0x5d: {  	_ =	shalt  }
0x5e: {  	_ =	shalt  }
0x5f: {  	_ =	shalt  }
0x60: {  	_ =	shalt  }
0x61: {  	_ =	shalt  }
0x62: {  	_ =	shalt  }
0x63: {  	_ =	shalt  }
0x64: {  	_ =	shalt  }
0x65: {  	_ =	shalt  }
0x66: {  	_ =	shalt  }
0x67: {  	_ =	shalt  }
0x68: {  	_ =	shalt  }
0x69: {  	_ =	shalt  }
0x6a: {  	_ =	shalt  }
0x6b: {  	_ =	shalt  }
0x6c: {  	_ =	shalt  }
0x6d: {  	_ =	shalt  }
0x6e: {  	_ =	shalt  }
0x6f: {  	_ =	shalt  }
0x70: {  	_ =	shalt  }
0x71: {  	_ =	shalt  }
0x72: {  	_ =	shalt  }
0x73: {  	_ =	shalt  }
0x74: {  	_ =	shalt  }
0x75: {  	_ =	shalt  }
0x76: {  	_ =	shalt  }
0x77: {  	_ =	shalt  }
0x78: {  	_ =	shalt  }
0x79: {  	_ =	shalt  }
0x7a: {  	_ =	shalt  }
0x7b: {  	_ =	shalt  }
0x7c: {  	_ =	shalt  }
0x7d: {  	_ =	shalt  }
0x7e: {  	_ =	shalt  }
0x7f: {  	_ =	shalt  }
0x80: {  	_ =	shalt  }
0x81: {  	_ =	shalt  }
0x82: {  	_ =	shalt  }
0x83: {  	_ =	shalt  }
0x84: {  	_ =	shalt  }
0x85: {  	_ =	shalt  }
0x86: {  	_ =	shalt  }
0x87: {  	_ =	shalt  }
.Lfunc_end0:
.L_simem_size_0:
called_computation.2_lowered:
.L_overlay_start_0:
0x88: {  	s2 =	sld [smem:$0x3FD9]  }
0x89: {  	s3 =	sld [smem:$0x3FFE];
	_ =	sdelay $0x1  }
0x8a: {  	s1 =	srdreg.scid  }
0x8b: {  	s0 =	sand.u32 $0x1, s1  }
0x8c: {  	s16 =	sshll.u32 s0, $0xA;
	s2 =	sadd.s32 s3, s2  }
0x8d: {  	s2 =	sadd.s32 s2, s16  }
0x8e: {  	[smem:$0x3FC2] =	sst s2  }
0x8f: {  	_ = 	snop  }
0x90: {  	(tm) =	ssettm $0x1  }
0x91: {  	s17 =	sld [smem:$0x3FFB];
	_ =	sdelay $0x3  }
0x92: {  	_ =	strace s17  }
0x93: {  	s2 =	sld [smem:$0x3FFC];
	_ =	sdelay $0x3  }
0x94: {  	_ =	strace s2  }
0x95: {  	s2 =	sld [smem:$0x3FFD];
	_ =	sdelay $0x3  }
0x96: {  	_ =	strace s2  }
0x97: {  	_ =	strace $0x8FFFFFFF  }
0x98: {  	s18 =	sld [smem:$0x3FDB];
	_ =	sdelay $0x1  }
0x99: {  	s19 =	simm.s32 $_scs_section_size  }
0x9a: {  	s4 =	simm.s32 $_size__tile_overlayer_lowered;
	s5 =	simm.s32 $_tile_overlayer_lowered  }
0x9b: {  	s22 =	simm.s32 $0x1BFF;
	s21 =	sshll.u32 s5, $0x1;
	s2 =	sadd.s32 s19, s18  }
0x9c: {  	s6 =	simm.s32 $0x0;
	s20 =	sshll.u32 s4, $0x1;
	s4 =	sadd.s32 s21, s2  }
0x9d: {  	[timem:s6], [sflag:s22] =	dma.local [hbm:s4], s20  }
0x9e: {  	_ =	swait.ge [sflag:s22], s20  }
0x9f: {  	s3 =	ssub.s32 $0x0, s20;
	[sflag:s22] =	ssyncset.done $0x0  }
0xa0: {  	[sflag:s22] =	ssyncadd.s32 s3;
	_ =	sdelay $0x1  }
0xa1: {  	s23 =	simm.s32 $0x1B8B  }
0xa2: {  	_ =	swait.ge [sflag:s23], $0x1  }
0xa3: {  	[sflag:s23] =	ssyncset.done $0x0  }
0xa4: {  	s25 =	simm.s32 $0x1B8E;
	s24 =	sld [smem:$0x3FFE];
	[sflag:s23] =	ssyncadd.s32 $0xFFFFFFFF  }
0xa5: {  	s26 =	simm.s32 $execute0_lowered;
	[smem:$0x3FD2] =	sst s25  }
0xa6: {  	s4 =	sshll.u32 s26, $0x1;
	_ =	strace $0x8000004C;
	[dreg:$0x1] =	wrdreg $0xFFFFFFFF  }
0xa7: {  	s28 =	simm.s32 $_size_execute0_lowered;
	s2 =	sadd.s32 s2, s4;
	[dreg:$0x0] =	wrdreg $0x0  }
0xa8: {  	s4 =	sshll.u32 s28, $0x1;
	[dreg:$0x2] =	wrdreg s2  }
0xa9: {  	[dreg:$0x3] =	wrdreg s4  }
0xaa: {  	[dreg:$0x4] =	wrdreg $0xC0  }
0xab: {  	_ =	task [dreg:s6], $0x5FFFF  }
0xac: {  	[dreg:$0x1] =	wrdreg $0xFFFFFFFF  }
0xad: {  	[dreg:$0x0] =	wrdreg $0x60  }
0xae: {  	[dreg:$0x2] =	wrdreg s24  }
0xaf: {  	[dreg:$0x3] =	wrdreg $0x8C200  }
0xb0: {  	[dreg:$0x4] =	wrdreg $0x64200  }
0xb1: {  	[dreg:$0x5] =	wrdreg $0x9  }
0xb2: {  	_ =	task.clear_ibuf [dreg:s6], $0x6FFFF;
	_ =	strace $0x9000004C  }
0xb3: {  	s29 =	simm.s32 $0x9;
	_ =	strace $0x8000004E  }
0xb4: {  	_ =	swait.ge [sflag:s29], $0x1  }
0xb5: {  	[sflag:s29] =	ssyncadd.s32 $0xFFFFFFFF  }
0xb6: {  	_ =	strace $0x9000004E  }
0xb7: {  	_ =	sfence  }
0xb8: {  	s30 =	sld [smem:$0x0];
	_ =	sdelay $0x2  }
0xb9: {  	s31 =	sshll.u32 s1, $0xD;
	s1 =	sshrl.u32 s1, $0x2  }
0xba: {  	s3 =	sand.u32 $0x4000, s31;
	s1 =	sadd.s32 s1, s30  }
0xbb: {  	s0 =	sor.u32 s3, s0;
	s1 =	sshll.u32 s1, $0x11  }
0xbc: {  	s0 =	sor.u32 s1, s0  }
0xbd: {  	s0 =	sadd.s32 $0x8F2B, s0  }
0xbe: {  	[sflag:s0] =	ssyncadd.remote.s32 $0x1  }
0xbf: {  	_ =	sfence.sel $0xFFFF  }
0xc0: {  	[dreg:$0x0] =	wrdreg $0xFFFFFFFF;
	(pc) =	sbr.abs _section_cstart, $3  }
0xc1: {  	[dreg:$0x1] =	wrdreg $0xFFFFFFFF  }
0xc2: {  	_ =	task.clear_ibuf [dreg:s6], $0x2FFFF;
	_ =	strace $0x9FFFFFFF  }
0xc3: {  	(tm) =	ssettm $0x7FFFFFFF  }
tec
execute0_lowered:
.L_overlay_start_1:
0x0: {  	(tag) =	ssettag $0x1  }
0x1: {  	s10 =	stileid.u32  }
0x2: {  	s0 =	srdreg.scid;
	s6 =	smul.u32 $0x2800, s10  }
0x3: {  	s1 =	rddreg [dreg:$0x0];
	s0 =	sand.u32 $0x1, s0;
	s9 =	smul.u32 $0xA000, s10  }
0x4: {  	s2 =	rddreg [dreg:$0x1];
	s3 =	sshll.u32 s0, $0x4;
	s7 =	smul.u32 $0x28000, s0  }
0x5: {  	s0 =	ssub.s32 $0x2, s0;
	s4 =	sor.u32 s10, s3;
	s3 =	rddreg [dreg:$0x2]  }
0x6: {  	s8 =	sshrl.u32 s6, $0x3;
	s26 =	sshrl.u32 s0, $0x1;
	s29 =	sadd.s32 s6, s2  }
0x7: {  	s10 =	sshll.u32 s10, $0x6;
	s9 =	sshrl.u32 s9, $0x2;
	s5 =	smul.u32 $0x2710, s4  }
0x8: {  	s4 =	simm.s32 $0x0;
	s7 =	sadd.s32 s6, s7;
	s8 =	sadd.s32 s8, s1  }
0x9: {  	s0 =	ssub.s32 s0, s26;
	[smem:$0x7FF] =	sst s4;
	s8 =	sadd.s32 $0x15E00, s8  }
0xa: {  	s11 =	sor.u32 $0x1C01, s10;
	_ =	strace $0x8000004D;
	[dreg:$0x7] =	wrdreg s8  }
0xb: {  	s12 =	sadd.s32 s6, s3;
	s24 =	sshrl.u32 s29, $0x3;
	[dreg:$0x6] =	wrdreg s10  }
0xc: {  	s6 =	simm.s32 $0x2710;
	s0 =	smax.u32 s0, $0x1;
	[dreg:$0x8] =	wrdreg s11  }
0xd: {  	s7 =	sshrl.u32 s7, $0x3;
	s25 =	sshrl.u32 s12, $0x3;
	[dreg:$0xa] =	wrdreg s0  }
0xe: {  	s12 =	simm.s32 $0x50;
	s10 =	sadd.s32 s9, s3;
	[dreg:$0x16] =	wrdreg s24  }
0xf: {  	s5 =	sshrl.u32 s5, $0x3;
	[dreg:$0x17] =	wrdreg s25;
	s13 =	sadd.s32 $0x200, s10  }
0x10: {  	s8 =	simm.s32 $0x6220;
	s14 =	sadd.s32 $0x400, s10;
	[dreg:$0xb] =	wrdreg s13  }
0x11: {  	s9 =	simm.s32 $0xA;
	s15 =	sadd.s32 $0x600, s10;
	[dreg:$0xc] =	wrdreg s14  }
0x12: {  	s11 =	simm.s32 $0x1;
	s16 =	sadd.s32 $0x800, s10;
	[dreg:$0xd] =	wrdreg s15  }
0x13: {  	s24 =	simm.s32 $0x0;
	s17 =	sadd.s32 $0xA00, s10;
	[dreg:$0xe] =	wrdreg s16  }
0x14: {  	s5 =	sadd.s32 s5, s1;
	s18 =	sadd.s32 $0xC00, s10;
	[dreg:$0xf] =	wrdreg s17  }
0x15: {  	s1 =	sadd.s32 s7, s1;
	s19 =	sadd.s32 $0xE00, s10;
	[dreg:$0x10] =	wrdreg s18  }
0x16: {  	s20 =	sadd.s32 $0x1000, s10;
	s21 =	sadd.s32 $0x1200, s10;
	[dreg:$0x11] =	wrdreg s19  }
0x17: {  	s22 =	sadd.s32 $0x1400, s10;
	s23 =	sadd.s32 $0x1600, s10;
	[dreg:$0x12] =	wrdreg s20  }
0x18: {  	s26 =	sadd.s32 $0x1800, s10;
	s29 =	sadd.s32 $0x1C00, s10;
	[dreg:$0x13] =	wrdreg s21  }
0x19: {  	s30 =	sadd.s32 $0x1E00, s10;
	s31 =	sadd.s32 $0x2000, s10;
	[dreg:$0x14] =	wrdreg s22  }
0x1a: {  	s0 =	sadd.s32 $0x2400, s10;
	s7 =	simm.s32 $0x5820;
	[dreg:$0x15] =	wrdreg s23  }
0x1b: {  	s28 =	sadd.s32 $0x2400, s5;
	s5 =	sadd.s32 $0xC040, s5;
	[dreg:$0x18] =	wrdreg s26  }
0x1c: {  	s1 =	sadd.s32 $0x1AE00, s1;
	[dreg:$0x1a] =	wrdreg s29;
	s13 =	simm.s32 $0x4E20  }
0x1d: {  	s14 =	simm.s32 $0x5320;
	s15 =	simm.s32 $0x2;
	s16 =	simm.s32 $0x5D20  }
.Ltmp0:
0x1e: {  	s17 =	simm.s32 $0x3;
	s18 =	simm.s32 $0x6;
	(pc) =	sbr.rel .LBB2_1-.Ltmp0, $4  }
0x1f: {  	s19 =	simm.s32 $0x4;
	s20 =	simm.s32 $0x7;
	[dreg:$0x4] =	wrdreg s28  }
0x20: {  	s21 =	simm.s32 $0x5;
	s22 =	simm.s32 $0x8;
	[dreg:$0x5] =	wrdreg s5  }
0x21: {  	s23 =	simm.s32 $0x9;
	[dreg:$0x9] =	wrdreg s1;
	s28 =	sadd.s32 $0x1A00, s10  }
0x22: {  	v0 =	vimm.f32 $0.0e+00;
	s1 =	sadd.s32 $0x2200, s10;
	s5 =	sadd.s32 $0x2600, s10;
	[dreg:$0x19] =	wrdreg s28  }
.LBB2_4:
0x23: {  	_ =	swait.ge [sflag:s21], $0x500  }
0x24: {  	[sflag:s21] =	ssyncset.done $0x0  }
0x25: {  	[sflag:s21] =	ssyncadd.s32 $0xFFFFFB00  }
0x26: {  	[spmem:s3] =	stream.indirect.scatter.add.f32 [tilespmem:s16], [sflag:$0x9], $0x10, s28, s12, $0xb8;
	[tilespmem:$0xB420] =	vst v63  }
0x27: {  	_ =	swait.ge [sflag:s22], $0x500  }
0x28: {  	[sflag:s22] =	ssyncset.done $0x0  }
0x29: {  	[sflag:s22] =	ssyncadd.s32 $0xFFFFFB00  }
0x2a: {  	_ =	swait.ge [sflag:s15], $0x500  }
0x2b: {  	[sflag:s15] =	ssyncset.done $0x0  }
0x2c: {  	s25 =	simm.s32 $0x4DD0;
	[sflag:s15] =	ssyncadd.s32 $0xFFFFFB00  }
0x2d: {  	[spmem:s3] =	stream.indirect.scatter.add.f32 [tilespmem:s13], [sflag:$0x6], $0x10, s25, s12, $0xb8;
	[tilespmem:$0xB420] =	vst v63  }
0x2e: {  	_ =	swait.ge [sflag:s23], $0x500  }
0x2f: {  	[sflag:s23] =	ssyncset.done $0x0  }
0x30: {  	[sflag:s23] =	ssyncadd.s32 $0xFFFFFB00  }
0x31: {  	_ =	swait.ge [sflag:s18], $0x500  }
0x32: {  	[sflag:s18] =	ssyncset.done $0x0  }
0x33: {  	[sflag:s18] =	ssyncadd.s32 $0xFFFFFB00  }
0x34: {  	[bflag:$0x0] =	sbarrier.arrive $0xFFFF  }
0x35: {  	s28 =	rddreg [dreg:$0x6]  }
0x36: {  	s26 =	rddreg [dreg:$0x9]  }
0x37: {  	s29 =	rddreg [dreg:$0x17];
	s25 =	sor.u32 $0x1C0A, s28  }
0x38: {  	[hbm:s26], [sflag:s25] =	dma.local [spmem:s29], $0x500  }
0x39: {  	_ =	swait.ge [sflag:s9], $0x500  }
0x3a: {  	s24 =	sadd.s32 $0x1, s24;
	s29 =	rddreg [dreg:$0xa]  }
0x3b: {  	p0 =	sne.s32 s24, s29  }
.Ltmp1:
0x3c: {  	_ = 	snop;
	(pc) =	sbr.rel @!p0 .LBB2_5-.Ltmp1, $3  }
0x3d: {  	_ =	sdelay $0x1  }
0x3e: {  	[sflag:s9] =	ssyncset.done $0x0  }
0x3f: {  	[sflag:s9] =	ssyncadd.s32 $0xFFFFFB00  }
.LBB2_1:
0x40: {  	s25 =	rddreg [dreg:$0x4]  }
0x41: {  	s28 =	rddreg [dreg:$0x5]  }
0x42: {  	s29 =	rddreg [dreg:$0x7]  }
0x43: {  	[tilespmem:s4], [sflag:$0x1] =	stream.linear.gather [hbm4b:s25+s4], $0x2710, $0x38;
	[tilespmem:$0xB420] =	vst v63  }
0x44: {  	s26 =	rddreg [dreg:$0x8]  }
0x45: {  	[tilespmem:s6], [sflag:$0x1] =	stream.linear.gather [hbm4b:s28+s4], $0x2710, $0x38;
	[tilespmem:$0xB420] =	vst v63  }
0x46: {  	s28 =	rddreg [dreg:$0x16]  }
0x47: {  	[spmem:s28], [sflag:s26] =	dma.local [hbm:s29], $0x500;
	[tilespmem:$0x6220] =	vst v0  }
0x48: {  	[tilespmem:$0x6230] =	vst v0  }
0x49: {  	[tilespmem:$0x6240] =	vst v0  }
0x4a: {  	[tilespmem:$0x6250] =	vst v0  }
0x4b: {  	[tilespmem:$0x6260] =	vst v0  }
0x4c: {  	[tilespmem:$0x6270] =	vst v0  }
0x4d: {  	[tilespmem:$0x6280] =	vst v0  }
0x4e: {  	[tilespmem:$0x6290] =	vst v0  }
0x4f: {  	[tilespmem:$0x62A0] =	vst v0  }
0x50: {  	[tilespmem:$0x62B0] =	vst v0  }
0x51: {  	[tilespmem:$0x62C0] =	vst v0  }
0x52: {  	[tilespmem:$0x62D0] =	vst v0  }
0x53: {  	[tilespmem:$0x62E0] =	vst v0  }
0x54: {  	[tilespmem:$0x62F0] =	vst v0  }
0x55: {  	[tilespmem:$0x6300] =	vst v0  }
0x56: {  	[tilespmem:$0x6310] =	vst v0  }
0x57: {  	[tilespmem:$0x6320] =	vst v0  }
0x58: {  	[tilespmem:$0x6330] =	vst v0  }
0x59: {  	[tilespmem:$0x6340] =	vst v0  }
0x5a: {  	[tilespmem:$0x6350] =	vst v0  }
0x5b: {  	[tilespmem:$0x6360] =	vst v0  }
0x5c: {  	[tilespmem:$0x6370] =	vst v0  }
0x5d: {  	[tilespmem:$0x6380] =	vst v0  }
0x5e: {  	[tilespmem:$0x6390] =	vst v0  }
0x5f: {  	[tilespmem:$0x63A0] =	vst v0  }
0x60: {  	[tilespmem:$0x63B0] =	vst v0  }
0x61: {  	[tilespmem:$0x63C0] =	vst v0  }
0x62: {  	[tilespmem:$0x63D0] =	vst v0  }
0x63: {  	[tilespmem:$0x63E0] =	vst v0  }
0x64: {  	[tilespmem:$0x63F0] =	vst v0  }
0x65: {  	[tilespmem:$0x6400] =	vst v0  }
0x66: {  	[tilespmem:$0x6410] =	vst v0  }
0x67: {  	[spmem:s10] =	stream.linear.scatter [tilespmem:s8], [sflag:$0xA], $0x200, $0x38;
	[tilespmem:$0xB420] =	vst v63  }
0x68: {  	_ =	swait.ge [sflag:s9], $0x200  }
0x69: {  	[sflag:s9] =	ssyncset.done $0x0  }
0x6a: {  	s29 =	rddreg [dreg:$0xb];
	[sflag:s9] =	ssyncadd.s32 $0xFFFFFE00  }
0x6b: {  	[spmem:s29] =	stream.linear.scatter [tilespmem:s8], [sflag:$0xA], $0x200, $0x38;
	[tilespmem:$0xB420] =	vst v63  }
0x6c: {  	_ =	swait.ge [sflag:s9], $0x200  }
0x6d: {  	[sflag:s9] =	ssyncset.done $0x0  }
0x6e: {  	s26 =	rddreg [dreg:$0xc];
	[sflag:s9] =	ssyncadd.s32 $0xFFFFFE00  }
0x6f: {  	[spmem:s26] =	stream.linear.scatter [tilespmem:s8], [sflag:$0xA], $0x200, $0x38;
	[tilespmem:$0xB420] =	vst v63  }
0x70: {  	_ =	swait.ge [sflag:s9], $0x200  }
0x71: {  	[sflag:s9] =	ssyncset.done $0x0  }
0x72: {  	s28 =	rddreg [dreg:$0xd];
	[sflag:s9] =	ssyncadd.s32 $0xFFFFFE00  }
0x73: {  	[spmem:s28] =	stream.linear.scatter [tilespmem:s8], [sflag:$0xA], $0x200, $0x38;
	[tilespmem:$0xB420] =	vst v63  }
0x74: {  	_ =	swait.ge [sflag:s9], $0x200  }
0x75: {  	[sflag:s9] =	ssyncset.done $0x0  }
0x76: {  	s29 =	rddreg [dreg:$0xe];
	[sflag:s9] =	ssyncadd.s32 $0xFFFFFE00  }
0x77: {  	[spmem:s29] =	stream.linear.scatter [tilespmem:s8], [sflag:$0xA], $0x200, $0x38;
	[tilespmem:$0xB420] =	vst v63  }
0x78: {  	_ =	swait.ge [sflag:s9], $0x200  }
0x79: {  	[sflag:s9] =	ssyncset.done $0x0  }
0x7a: {  	s26 =	rddreg [dreg:$0xf];
	[sflag:s9] =	ssyncadd.s32 $0xFFFFFE00  }
0x7b: {  	[spmem:s26] =	stream.linear.scatter [tilespmem:s8], [sflag:$0xA], $0x200, $0x38;
	[tilespmem:$0xB420] =	vst v63  }
0x7c: {  	_ =	swait.ge [sflag:s9], $0x200  }
0x7d: {  	[sflag:s9] =	ssyncset.done $0x0  }
0x7e: {  	s28 =	rddreg [dreg:$0x10];
	[sflag:s9] =	ssyncadd.s32 $0xFFFFFE00  }
0x7f: {  	[spmem:s28] =	stream.linear.scatter [tilespmem:s8], [sflag:$0xA], $0x200, $0x38;
	[tilespmem:$0xB420] =	vst v63  }
0x80: {  	_ =	swait.ge [sflag:s9], $0x200  }
0x81: {  	[sflag:s9] =	ssyncset.done $0x0  }
0x82: {  	s29 =	rddreg [dreg:$0x11];
	[sflag:s9] =	ssyncadd.s32 $0xFFFFFE00  }
0x83: {  	[spmem:s29] =	stream.linear.scatter [tilespmem:s8], [sflag:$0xA], $0x200, $0x38;
	[tilespmem:$0xB420] =	vst v63  }
0x84: {  	_ =	swait.ge [sflag:s9], $0x200  }
0x85: {  	[sflag:s9] =	ssyncset.done $0x0  }
0x86: {  	s26 =	rddreg [dreg:$0x12];
	[sflag:s9] =	ssyncadd.s32 $0xFFFFFE00  }
0x87: {  	[spmem:s26] =	stream.linear.scatter [tilespmem:s8], [sflag:$0xA], $0x200, $0x38;
	[tilespmem:$0xB420] =	vst v63  }
0x88: {  	_ =	swait.ge [sflag:s9], $0x200  }
0x89: {  	[sflag:s9] =	ssyncset.done $0x0  }
0x8a: {  	s28 =	rddreg [dreg:$0x13];
	[sflag:s9] =	ssyncadd.s32 $0xFFFFFE00  }
0x8b: {  	[spmem:s28] =	stream.linear.scatter [tilespmem:s8], [sflag:$0xA], $0x200, $0x38;
	[tilespmem:$0xB420] =	vst v63  }
0x8c: {  	_ =	swait.ge [sflag:s9], $0x200  }
0x8d: {  	[sflag:s9] =	ssyncset.done $0x0  }
0x8e: {  	s29 =	rddreg [dreg:$0x14];
	[sflag:s9] =	ssyncadd.s32 $0xFFFFFE00  }
0x8f: {  	[spmem:s29] =	stream.linear.scatter [tilespmem:s8], [sflag:$0xA], $0x200, $0x38;
	[tilespmem:$0xB420] =	vst v63  }
0x90: {  	_ =	swait.ge [sflag:s9], $0x200  }
0x91: {  	[sflag:s9] =	ssyncset.done $0x0  }
0x92: {  	s26 =	rddreg [dreg:$0x15];
	[sflag:s9] =	ssyncadd.s32 $0xFFFFFE00  }
0x93: {  	[spmem:s26] =	stream.linear.scatter [tilespmem:s8], [sflag:$0xA], $0x200, $0x38;
	[tilespmem:$0xB420] =	vst v63  }
0x94: {  	_ =	swait.ge [sflag:s9], $0x200  }
0x95: {  	[sflag:s9] =	ssyncset.done $0x0  }
0x96: {  	s28 =	rddreg [dreg:$0x18];
	[sflag:s9] =	ssyncadd.s32 $0xFFFFFE00  }
0x97: {  	[spmem:s28] =	stream.linear.scatter [tilespmem:s8], [sflag:$0xA], $0x200, $0x38;
	[tilespmem:$0xB420] =	vst v63  }
0x98: {  	_ =	swait.ge [sflag:s9], $0x200  }
0x99: {  	[sflag:s9] =	ssyncset.done $0x0  }
0x9a: {  	s29 =	rddreg [dreg:$0x19];
	[sflag:s9] =	ssyncadd.s32 $0xFFFFFE00  }
0x9b: {  	[spmem:s29] =	stream.linear.scatter [tilespmem:s8], [sflag:$0xA], $0x200, $0x38;
	[tilespmem:$0xB420] =	vst v63  }
0x9c: {  	_ =	swait.ge [sflag:s9], $0x200  }
0x9d: {  	[sflag:s9] =	ssyncset.done $0x0  }
0x9e: {  	s26 =	rddreg [dreg:$0x1a];
	[sflag:s9] =	ssyncadd.s32 $0xFFFFFE00  }
0x9f: {  	[spmem:s26] =	stream.linear.scatter [tilespmem:s8], [sflag:$0xA], $0x200, $0x38;
	[tilespmem:$0xB420] =	vst v63  }
0xa0: {  	_ =	swait.ge [sflag:s9], $0x200  }
0xa1: {  	[sflag:s9] =	ssyncset.done $0x0  }
0xa2: {  	[sflag:s9] =	ssyncadd.s32 $0xFFFFFE00  }
0xa3: {  	[spmem:s30] =	stream.linear.scatter [tilespmem:s8], [sflag:$0xA], $0x200, $0x38;
	[tilespmem:$0xB420] =	vst v63  }
0xa4: {  	_ =	swait.ge [sflag:s9], $0x200  }
0xa5: {  	[sflag:s9] =	ssyncset.done $0x0  }
0xa6: {  	[sflag:s9] =	ssyncadd.s32 $0xFFFFFE00  }
0xa7: {  	[spmem:s31] =	stream.linear.scatter [tilespmem:s8], [sflag:$0xA], $0x200, $0x38;
	[tilespmem:$0xB420] =	vst v63  }
0xa8: {  	_ =	swait.ge [sflag:s9], $0x200  }
0xa9: {  	[sflag:s9] =	ssyncset.done $0x0  }
0xaa: {  	[sflag:s9] =	ssyncadd.s32 $0xFFFFFE00  }
0xab: {  	[spmem:s1] =	stream.linear.scatter [tilespmem:s8], [sflag:$0xA], $0x200, $0x38;
	[tilespmem:$0xB420] =	vst v63  }
0xac: {  	_ =	swait.ge [sflag:s9], $0x200  }
0xad: {  	[sflag:s9] =	ssyncset.done $0x0  }
0xae: {  	[sflag:s9] =	ssyncadd.s32 $0xFFFFFE00  }
0xaf: {  	[spmem:s0] =	stream.linear.scatter [tilespmem:s8], [sflag:$0xA], $0x200, $0x38;
	[tilespmem:$0xB420] =	vst v63  }
0xb0: {  	_ =	swait.ge [sflag:s9], $0x200  }
0xb1: {  	[sflag:s9] =	ssyncset.done $0x0  }
0xb2: {  	[sflag:s9] =	ssyncadd.s32 $0xFFFFFE00  }
0xb3: {  	[spmem:s5] =	stream.linear.scatter [tilespmem:s8], [sflag:$0xA], $0x200, $0x38;
	[tilespmem:$0xB420] =	vst v63  }
0xb4: {  	_ =	swait.ge [sflag:s9], $0x200  }
0xb5: {  	[sflag:s9] =	ssyncset.done $0x0  }
0xb6: {  	[sflag:s9] =	ssyncadd.s32 $0xFFFFFE00  }
0xb7: {  	_ =	swait.ge [sflag:s11], $0x2710  }
0xb8: {  	[sflag:s11] =	ssyncset.done $0x0  }
0xb9: {  	[sflag:s11] =	ssyncadd.s32 $0xFFFFD8F0  }
0xba: {  	_ =	swait.ge [sflag:s11], $0x2710  }
0xbb: {  	[sflag:s11] =	ssyncset.done $0x0  }
0xbc: {  	[sflag:s11] =	ssyncadd.s32 $0xFFFFD8F0  }
0xbd: {  	_ =	swait.ge [sflag:s11], $0x500  }
0xbe: {  	[sflag:s11] =	ssyncset.done $0x0  }
0xbf: {  	[sflag:s11] =	ssyncadd.s32 $0xFFFFFB00  }
0xc0: {  	[bflag:$0x0] =	sbarrier.arrive $0xFFFF  }
0xc1: {  	[tilespmem:s13], [sflag:$0x2] =	stream.indirect.gather [spmem:s2], $0x10, s4, s12, $0xb8;
	[tilespmem:$0xB420] =	vst v63  }
0xc2: {  	_ = 	snop  }
0xc3: {  	[tilespmem:s14], [sflag:$0x3] =	stream.indirect.gather [spmem:s2], $0x10, s12, s12, $0xb8;
	[tilespmem:$0xB420] =	vst v63  }
0xc4: {  	s28 =	simm.s32 $0xA0  }
0xc5: {  	[tilespmem:s7], [sflag:$0x4] =	stream.indirect.gather [spmem:s2], $0x10, s28, s12, $0xb8;
	[tilespmem:$0xB420] =	vst v63  }
0xc6: {  	_ =	swait.ge [sflag:s15], $0x500  }
0xc7: {  	[sflag:s15] =	ssyncset.done $0x0  }
0xc8: {  	[sflag:s15] =	ssyncadd.s32 $0xFFFFFB00  }
0xc9: {  	[spmem:s3] =	stream.indirect.scatter.add.f32 [tilespmem:s13], [sflag:$0x6], $0x10, s6, s12, $0xb8;
	[tilespmem:$0xB420] =	vst v63  }
0xca: {  	s29 =	simm.s32 $0xF0  }
0xcb: {  	[tilespmem:s16], [sflag:$0x5] =	stream.indirect.gather [spmem:s2], $0x10, s29, s12, $0xb8;
	[tilespmem:$0xB420] =	vst v63  }
0xcc: {  	_ =	swait.ge [sflag:s17], $0x500  }
0xcd: {  	[sflag:s17] =	ssyncset.done $0x0  }
0xce: {  	s26 =	simm.s32 $0x2760;
	[sflag:s17] =	ssyncadd.s32 $0xFFFFFB00  }
0xcf: {  	[spmem:s3] =	stream.indirect.scatter.add.f32 [tilespmem:s14], [sflag:$0x7], $0x10, s26, s12, $0xb8;
	[tilespmem:$0xB420] =	vst v63  }
0xd0: {  	_ =	swait.ge [sflag:s18], $0x500  }
0xd1: {  	[sflag:s18] =	ssyncset.done $0x0  }
0xd2: {  	s28 =	simm.s32 $0x140;
	[sflag:s18] =	ssyncadd.s32 $0xFFFFFB00  }
0xd3: {  	[tilespmem:s13], [sflag:$0x2] =	stream.indirect.gather [spmem:s2], $0x10, s28, s12, $0xb8;
	[tilespmem:$0xB420] =	vst v63  }
0xd4: {  	_ =	swait.ge [sflag:s19], $0x500  }
0xd5: {  	[sflag:s19] =	ssyncset.done $0x0  }
0xd6: {  	s29 =	simm.s32 $0x27B0;
	[sflag:s19] =	ssyncadd.s32 $0xFFFFFB00  }
0xd7: {  	[spmem:s3] =	stream.indirect.scatter.add.f32 [tilespmem:s7], [sflag:$0x8], $0x10, s29, s12, $0xb8;
	[tilespmem:$0xB420] =	vst v63  }
0xd8: {  	_ =	swait.ge [sflag:s20], $0x500  }
0xd9: {  	[sflag:s20] =	ssyncset.done $0x0  }
0xda: {  	s26 =	simm.s32 $0x190;
	[sflag:s20] =	ssyncadd.s32 $0xFFFFFB00  }
0xdb: {  	[tilespmem:s14], [sflag:$0x3] =	stream.indirect.gather [spmem:s2], $0x10, s26, s12, $0xb8;
	[tilespmem:$0xB420] =	vst v63  }
0xdc: {  	_ =	swait.ge [sflag:s21], $0x500  }
0xdd: {  	[sflag:s21] =	ssyncset.done $0x0  }
0xde: {  	s28 =	simm.s32 $0x2800;
	[sflag:s21] =	ssyncadd.s32 $0xFFFFFB00  }
0xdf: {  	[spmem:s3] =	stream.indirect.scatter.add.f32 [tilespmem:s16], [sflag:$0x9], $0x10, s28, s12, $0xb8;
	[tilespmem:$0xB420] =	vst v63  }
0xe0: {  	_ =	swait.ge [sflag:s22], $0x500  }
0xe1: {  	[sflag:s22] =	ssyncset.done $0x0  }
0xe2: {  	s25 =	simm.s32 $0x0;
	s29 =	simm.s32 $0x1E0;
	[sflag:s22] =	ssyncadd.s32 $0xFFFFFB00  }
0xe3: {  	[tilespmem:s7], [sflag:$0x4] =	stream.indirect.gather [spmem:s2], $0x10, s29, s12, $0xb8;
	[tilespmem:$0xB420] =	vst v63  }
.LBB2_2:
0xe4: {  	_ =	swait.ge [sflag:s15], $0x500  }
0xe5: {  	s26 =	sshra.s32 s25, $0x2;
	[sflag:s15] =	ssyncset.done $0x0  }
0xe6: {  	s28 =	sadd.s32 $0x2850, s26;
	[sflag:s15] =	ssyncadd.s32 $0xFFFFFB00  }
0xe7: {  	[spmem:s3] =	stream.indirect.scatter.add.f32 [tilespmem:s13], [sflag:$0x6], $0x10, s28, s12, $0xb8;
	[tilespmem:$0xB420] =	vst v63  }
0xe8: {  	_ =	swait.ge [sflag:s23], $0x500  }
0xe9: {  	[sflag:s23] =	ssyncset.done $0x0  }
0xea: {  	s28 =	sadd.s32 $0x230, s26;
	[sflag:s23] =	ssyncadd.s32 $0xFFFFFB00  }
0xeb: {  	[tilespmem:s16], [sflag:$0x5] =	stream.indirect.gather [spmem:s2], $0x10, s28, s12, $0xb8;
	[tilespmem:$0xB420] =	vst v63  }
0xec: {  	_ =	swait.ge [sflag:s17], $0x500  }
0xed: {  	[sflag:s17] =	ssyncset.done $0x0  }
0xee: {  	s28 =	sadd.s32 $0x28A0, s26;
	[sflag:s17] =	ssyncadd.s32 $0xFFFFFB00  }
0xef: {  	[spmem:s3] =	stream.indirect.scatter.add.f32 [tilespmem:s14], [sflag:$0x7], $0x10, s28, s12, $0xb8;
	[tilespmem:$0xB420] =	vst v63  }
0xf0: {  	_ =	swait.ge [sflag:s18], $0x500  }
0xf1: {  	[sflag:s18] =	ssyncset.done $0x0  }
0xf2: {  	s28 =	sadd.s32 $0x280, s26;
	[sflag:s18] =	ssyncadd.s32 $0xFFFFFB00  }
0xf3: {  	[tilespmem:s13], [sflag:$0x2] =	stream.indirect.gather [spmem:s2], $0x10, s28, s12, $0xb8;
	[tilespmem:$0xB420] =	vst v63  }
0xf4: {  	_ =	swait.ge [sflag:s19], $0x500  }
0xf5: {  	p0 =	seq.s32 s25, $0x9100;
	[sflag:s19] =	ssyncset.done $0x0  }
.Ltmp2:
0xf6: {  	s28 =	sadd.s32 $0x28F0, s26;
	[sflag:s19] =	ssyncadd.s32 $0xFFFFFB00;
	(pc) =	sbr.rel @p0 .LBB2_4-.Ltmp2, $4  }
0xf7: {  	[spmem:s3] =	stream.indirect.scatter.add.f32 [tilespmem:s7], [sflag:$0x8], $0x10, s28, s12, $0xb8;
	[tilespmem:$0xB420] =	vst v63  }
0xf8: {  	_ =	swait.ge [sflag:s20], $0x500  }
0xf9: {  	[sflag:s20] =	ssyncset.done $0x0  }
0xfa: {  	s28 =	sadd.s32 $0x2940, s26;
	[sflag:s20] =	ssyncadd.s32 $0xFFFFFB00  }
0xfb: {  	s29 =	sadd.s32 $0x2D0, s26  }
0xfc: {  	[tilespmem:s14], [sflag:$0x3] =	stream.indirect.gather [spmem:s2], $0x10, s29, s12, $0xb8;
	[tilespmem:$0xB420] =	vst v63  }
0xfd: {  	_ =	swait.ge [sflag:s21], $0x500  }
0xfe: {  	[sflag:s21] =	ssyncset.done $0x0  }
0xff: {  	[sflag:s21] =	ssyncadd.s32 $0xFFFFFB00  }
0x100: {  	[spmem:s3] =	stream.indirect.scatter.add.f32 [tilespmem:s16], [sflag:$0x9], $0x10, s28, s12, $0xb8;
	[tilespmem:$0xB420] =	vst v63  }
.Ltmp3:
0x101: {  	_ = 	snop;
	(pc) =	sbr.rel .LBB2_2-.Ltmp3, $4  }
0x102: {  	_ =	swait.ge [sflag:s22], $0x500  }
0x103: {  	[sflag:s22] =	ssyncset.done $0x0  }
0x104: {  	s25 =	sadd.s32 $0x500, s25;
	s29 =	sadd.s32 $0x320, s26;
	[sflag:s22] =	ssyncadd.s32 $0xFFFFFB00  }
0x105: {  	[tilespmem:s7], [sflag:$0x4] =	stream.indirect.gather [spmem:s2], $0x10, s29, s12, $0xb8;
	[tilespmem:$0xB420] =	vst v63  }
.LBB2_5:
0x106: {  	_ =	sfence.sel $0x180000  }
0x107: {  	[bflag:$0x0] =	sbarrier.arrive $0xFFFF  }
0x108: {  	_ =	strace $0x9000004D  }
0x109: {  	s0 =	stileid.u32;
	[bflag:$0x2] =	sbarrier.arrive $0xFFFF  }
0x10a: {  	p0 =	sne.s32 s0, $0x0;
	s0 =	rddreg [dreg:$0x3]  }
0x10b: {  	s0 =	sadd.s32 @!p0 $0x100000, s0  }
0x10c: {  	[sflag:s0] =	ssyncadd.tile.s32 @!p0 $0x1;
	_ =	shalt  }
.Lfunc_end2:
_tile_overlayer_lowered:
.L_overlay_start_2:
0x10d: {  	(tag) =	ssettag $0x2  }
0x10e: {  	s0 =	rddreg [dreg:$0x0];
	s2 =	stileid.u32  }
0x10f: {  	s1 =	rddreg [dreg:$0x1];
	p0 =	sne.s32 s2, $0x0  }
0x110: {  	s3 =	rddreg [dreg:$0x2];
	[bflag:$0x3] =	sbarrier.arrive $0xFFFF;
	s2 =	simm.s32 @!p0 $0x1C0A  }
0x111: {  	[timem:s3], [sflag:s2] =	dma.local @!p0 [hbm:s0], s1  }
0x112: {  	s0 =	simm.s32 @!p0 $0xA  }
0x113: {  	_ =	swait.ge @!p0 [sflag:s0], s1  }
0x114: {  	s1 =	ssub.s32 @!p0 $0x0, s1;
	[sflag:s0] =	ssyncset.done @!p0 $0x0  }
0x115: {  	[sflag:s0] =	ssyncadd.s32 @!p0 s1  }
0x116: {  	[bflag:$0x3] =	sbarrier.arrive $0xFFFF  }
0x117: {  	_ =	shalt  }

// kernel: kernel.8.cloned.1.call-start
scs
__scs_entry_jumppad:
0x0: {  	(pc) =	sbr.rel $0x88, $3  }
0x1: {  	(tag) =	ssettag $0x0;
	lr =	simm.s32 $0x1  }
0x2: {  	[smem:$0x3F9B] =	sst lr;
	_ =	strace $0xD0000000  }
0x3: {  	_ = 	snop  }
0x4: {  	_ = 	snop  }
0x5: {  	_ = 	snop  }
0x6: {  	_ = 	snop  }
0x7: {  	_ = 	snop  }
__scs_overlays_trampoline_lowered:
0x8: {  	[smem:$0x3FAA] =	sst s0  }
0x9: {  	[smem:$0x3FAB] =	sst s1  }
0xa: {  	[smem:$0x3FAC] =	sst s2  }
0xb: {  	[smem:$0x3FAD] =	sst s3  }
0xc: {  	[smem:$0x3FAE] =	sst s4  }
0xd: {  	[smem:$0x3FAF] =	sst s5  }
0xe: {  	[smem:$0x3FB0] =	sst s6  }
0xf: {  	[smem:$0x3FB1] =	sst s7  }
0x10: {  	[smem:$0x3FB2] =	sst s8  }
0x11: {  	[smem:$0x3FB3] =	sst s9;
	s0 =	simm.s32 @!p0 $0x0  }
0x12: {  	s1 =	sld [smem:$0x3F99];
	s0 =	simm.s32 @p0 $0x1  }
0x13: {  	[smem:$0x3FB4] =	sst s0;
	s0 =	simm.s32 @!p1 $0x0  }
0x14: {  	s2 =	sld [smem:$0x3F98];
	s0 =	simm.s32 @p1 $0x1  }
0x15: {  	[smem:$0x3FB5] =	sst s0;
	s0 =	simm.s32 @!p2 $0x0  }
0x16: {  	s3 =	sld [smem:$0x3FDB];
	s0 =	simm.s32 @p2 $0x1  }
0x17: {  	s4 =	simm.s32 $0x1BF5;
	[smem:$0x3FB7] =	sst s0  }
0x18: {  	s0 =	sld [smem:$0x3F9A];
	_ =	swait.ge [sflag:s4], $0x0  }
0x19: {  	s7 =	sld [smem:$0x3F9B]  }
0x1a: {  	s8 =	sadd.s32 $0xFFFFE003, lr  }
0x1b: {  	s9 =	sadd.s32 $0xFFFFFEF7, lr;
	s5 =	simm.s32 $0xFFFFFFFF;
	p2 =	slt.u32 s8, $0xFFFFF086  }
0x1c: {  	p1 =	slt.u32 s9, $0xF7A;
	s5 =	simm.s32 @!p2 $0x0  }
0x1d: {  	s5 =	simm.s32 @p1 $0x1;
	p0 =	seq.s32 s7, s2  }
0x1e: {  	s7 =	smul.u32 @!p0 $0xF7A, s2;
	p2 =	seq.s32 @!p0 s5, $0x0  }
0x1f: {  	s9 =	smul.u32 $0xF7A, s1;
	s8 =	simm.s32 @!p0 $0x1BF5;
	p2 =	por !p2, p0  }
0x20: {  	[sflag:s8] =	ssyncset.s32 @!p0 $0xFFFFF086;
	s6 =	sadd.s32 @!p0 s3, s7;
	s7 =	simm.s32 @!p0 $0x108  }
0x21: {  	s3 =	sadd.s32 s3, s9;
	s6 =	sadd.s32 @!p0 $0x88, s6;
	s7 =	simm.s32 @p2 $0x1082  }
0x22: {  	[simem:s7], [sflag:s8] =	dma.local @!p0 [hbm:s6], $0xF7A  }
0x23: {  	s9 =	sor.u32 $0xD0000000, s2;
	s6 =	simm.s32 $0x108;
	_ =	swait.ge @!p0 [sflag:s8], $0x0  }
0x24: {  	s3 =	sadd.s32 $0x88, s3;
	s6 =	simm.s32 @!p1 $0x1082;
	[sflag:s4] =	ssyncset.s32 $0xFFFFF086  }
0x25: {  	[simem:s6], [sflag:s4] =	dma.local [hbm:s3], $0xF7A  }
0x26: {  	[smem:$0x3F9B] =	sst s1;
	(tag) =	ssettag s2;
	_ =	strace s9  }
0x27: {  	s1 =	sld [smem:$0x3FAB]  }
0x28: {  	s2 =	sld [smem:$0x3FAC]  }
0x29: {  	s4 =	sld [smem:$0x3FAE]  }
0x2a: {  	p0 =	seq.s32 s5, $0x0;
	s5 =	sld [smem:$0x3FAF]  }
0x2b: {  	s6 =	sld [smem:$0x3FB0]  }
0x2c: {  	s7 =	sld [smem:$0x3FB1]  }
0x2d: {  	s3 =	simm.s32 $0x108;
	s8 =	sld [smem:$0x3FB2]  }
0x2e: {  	s3 =	simm.s32 @!p0 $0x1082;
	s9 =	sld [smem:$0x3FB3]  }
0x2f: {  	lr =	sadd.s32 s0, s3;
	s0 =	sld [smem:$0x3FAA]  }
0x30: {  	s3 =	sld [smem:$0x3FAD]  }
0x31: {  	[smem:$0x3FB6] =	sst s10  }
0x32: {  	s10 =	sld [smem:$0x3FB4];
	_ =	sdelay $0x3  }
0x33: {  	p0 =	seq.s32 s10, $0x1;
	s10 =	sld [smem:$0x3FB6];
	_ =	sdelay $0x3  }
0x34: {  	[smem:$0x3FB6] =	sst s10  }
0x35: {  	s10 =	sld [smem:$0x3FB5];
	_ =	sdelay $0x3  }
0x36: {  	p1 =	seq.s32 s10, $0x1;
	s10 =	sld [smem:$0x3FB6];
	_ =	sdelay $0x3  }
0x37: {  	[smem:$0x3FB6] =	sst s10  }
0x38: {  	s10 =	sld [smem:$0x3FB7]  }
0x39: {  	_ = 	snop;
	(pc) =	sbr.ind lr, $3  }
0x3a: {  	_ = 	snop  }
0x3b: {  	_ = 	snop  }
0x3c: {  	p2 =	seq.s32 s10, $0x1;
	s10 =	sld [smem:$0x3FB6]  }
0x3d: {  	_ =	shalt  }
0x3e: {  	_ =	shalt  }
0x3f: {  	_ =	shalt  }
0x40: {  	_ =	shalt  }
0x41: {  	_ =	shalt  }
0x42: {  	_ =	shalt  }
0x43: {  	_ =	shalt  }
0x44: {  	_ =	shalt  }
0x45: {  	_ =	shalt  }
0x46: {  	_ =	shalt  }
0x47: {  	_ =	shalt  }
0x48: {  	_ =	shalt  }
0x49: {  	_ =	shalt  }
0x4a: {  	_ =	shalt  }
0x4b: {  	_ =	shalt  }
0x4c: {  	_ =	shalt  }
0x4d: {  	_ =	shalt  }
0x4e: {  	_ =	shalt  }
0x4f: {  	_ =	shalt  }
0x50: {  	_ =	shalt  }
0x51: {  	_ =	shalt  }
0x52: {  	_ =	shalt  }
0x53: {  	_ =	shalt  }
0x54: {  	_ =	shalt  }
0x55: {  	_ =	shalt  }
0x56: {  	_ =	shalt  }
0x57: {  	_ =	shalt  }
0x58: {  	_ =	shalt  }
0x59: {  	_ =	shalt  }
0x5a: {  	_ =	shalt  }
0x5b: {  	_ =	shalt  }
0x5c: {  	_ =	shalt  }
0x5d: {  	_ =	shalt  }
0x5e: {  	_ =	shalt  }
0x5f: {  	_ =	shalt  }
0x60: {  	_ =	shalt  }
0x61: {  	_ =	shalt  }
0x62: {  	_ =	shalt  }
0x63: {  	_ =	shalt  }
0x64: {  	_ =	shalt  }
0x65: {  	_ =	shalt  }
0x66: {  	_ =	shalt  }
0x67: {  	_ =	shalt  }
0x68: {  	_ =	shalt  }
0x69: {  	_ =	shalt  }
0x6a: {  	_ =	shalt  }
0x6b: {  	_ =	shalt  }
0x6c: {  	_ =	shalt  }
0x6d: {  	_ =	shalt  }
0x6e: {  	_ =	shalt  }
0x6f: {  	_ =	shalt  }
0x70: {  	_ =	shalt  }
0x71: {  	_ =	shalt  }
0x72: {  	_ =	shalt  }
0x73: {  	_ =	shalt  }
0x74: {  	_ =	shalt  }
0x75: {  	_ =	shalt  }
0x76: {  	_ =	shalt  }
0x77: {  	_ =	shalt  }
0x78: {  	_ =	shalt  }
0x79: {  	_ =	shalt  }
0x7a: {  	_ =	shalt  }
0x7b: {  	_ =	shalt  }
0x7c: {  	_ =	shalt  }
0x7d: {  	_ =	shalt  }
0x7e: {  	_ =	shalt  }
0x7f: {  	_ =	shalt  }
0x80: {  	_ =	shalt  }
0x81: {  	_ =	shalt  }
0x82: {  	_ =	shalt  }
0x83: {  	_ =	shalt  }
0x84: {  	_ =	shalt  }
0x85: {  	_ =	shalt  }
0x86: {  	_ =	shalt  }
0x87: {  	_ =	shalt  }
.Lfunc_end0:
.L_simem_size_0:
called_computation_lowered:
.L_overlay_start_0:
0x88: {  	s2 =	sld [smem:$0x3FD9]  }
0x89: {  	s3 =	sld [smem:$0x3FFE];
	_ =	sdelay $0x1  }
0x8a: {  	s1 =	srdreg.scid  }
0x8b: {  	s0 =	sand.u32 $0x1, s1  }
0x8c: {  	s17 =	sshll.u32 s0, $0xA;
	s2 =	sadd.s32 s3, s2  }
0x8d: {  	s2 =	sadd.s32 s2, s17  }
0x8e: {  	[smem:$0x3FC2] =	sst s2  }
0x8f: {  	_ = 	snop  }
0x90: {  	s2 =	sld [smem:$0x3FD0];
	(tm) =	ssettm $0x1  }
0x91: {  	s18 =	sld [smem:$0x3FFB];
	_ =	sdelay $0x3  }
0x92: {  	_ =	strace s18  }
0x93: {  	s3 =	sld [smem:$0x3FFC];
	_ =	sdelay $0x3  }
0x94: {  	_ =	strace s3  }
0x95: {  	s3 =	sld [smem:$0x3FFD];
	_ =	sdelay $0x3  }
0x96: {  	_ =	strace s3  }
0x97: {  	_ =	strace $0x8FFFFFFF  }
0x98: {  	s19 =	sld [smem:$0x3FDB];
	_ =	sdelay $0x1  }
0x99: {  	s4 =	simm.s32 $_scs_section_size  }
0x9a: {  	s5 =	simm.s32 $_size__tile_overlayer_lowered;
	s6 =	simm.s32 $_tile_overlayer_lowered  }
0x9b: {  	s22 =	simm.s32 $0x1BFF;
	s21 =	sshll.u32 s6, $0x1;
	s3 =	sadd.s32 s4, s19  }
0x9c: {  	s7 =	simm.s32 $0x0;
	s20 =	sshll.u32 s5, $0x1;
	s5 =	sadd.s32 s21, s3  }
0x9d: {  	[timem:s7], [sflag:s22] =	dma.local [hbm:s5], s20  }
0x9e: {  	_ =	swait.ge [sflag:s22], s20  }
0x9f: {  	s4 =	ssub.s32 $0x0, s20;
	[sflag:s22] =	ssyncset.done $0x0  }
0xa0: {  	[sflag:s22] =	ssyncadd.s32 s4;
	_ =	sdelay $0x1  }
0xa1: {  	s23 =	simm.s32 $0x1B8B  }
0xa2: {  	_ =	swait.ge [sflag:s23], $0x1  }
0xa3: {  	[sflag:s23] =	ssyncset.done $0x0  }
0xa4: {  	s25 =	simm.s32 $0x1B8E;
	s24 =	sld [smem:$0x3FFE];
	[sflag:s23] =	ssyncadd.s32 $0xFFFFFFFF  }
0xa5: {  	s26 =	simm.s32 $execute0_lowered;
	[smem:$0x3FD2] =	sst s25  }
0xa6: {  	s5 =	sshll.u32 s26, $0x1;
	_ =	strace $0x80000046;
	[dreg:$0x1] =	wrdreg $0xFFFFFFFF  }
0xa7: {  	s28 =	simm.s32 $_size_execute0_lowered;
	s3 =	sadd.s32 s3, s5;
	[dreg:$0x0] =	wrdreg $0x0  }
0xa8: {  	s5 =	sshll.u32 s28, $0x1;
	[dreg:$0x2] =	wrdreg s3  }
0xa9: {  	[dreg:$0x3] =	wrdreg s5  }
0xaa: {  	[dreg:$0x4] =	wrdreg $0xC0  }
0xab: {  	_ =	task [dreg:s7], $0x5FFFF  }
0xac: {  	[dreg:$0x1] =	wrdreg $0xFFFFFFFF  }
0xad: {  	[dreg:$0x0] =	wrdreg $0x60  }
0xae: {  	[dreg:$0x2] =	wrdreg s24  }
0xaf: {  	[dreg:$0x3] =	wrdreg s2  }
0xb0: {  	[dreg:$0x4] =	wrdreg $0x51100  }
0xb1: {  	[dreg:$0x5] =	wrdreg $0x53900  }
0xb2: {  	[dreg:$0x6] =	wrdreg $0x9  }
0xb3: {  	_ =	task.clear_ibuf [dreg:s7], $0x7FFFF;
	_ =	strace $0x90000046  }
0xb4: {  	s29 =	simm.s32 $0x9;
	_ =	strace $0x80000048  }
0xb5: {  	_ =	swait.ge [sflag:s29], $0x1  }
0xb6: {  	[sflag:s29] =	ssyncadd.s32 $0xFFFFFFFF  }
0xb7: {  	_ =	strace $0x90000048  }
0xb8: {  	_ =	sfence  }
0xb9: {  	s30 =	sld [smem:$0x0];
	_ =	sdelay $0x2  }
0xba: {  	s31 =	sshll.u32 s1, $0xD;
	s1 =	sshrl.u32 s1, $0x2  }
0xbb: {  	s3 =	sand.u32 $0x4000, s31;
	s1 =	sadd.s32 s1, s30  }
0xbc: {  	s0 =	sor.u32 s3, s0;
	s1 =	sshll.u32 s1, $0x11  }
0xbd: {  	s0 =	sor.u32 s1, s0  }
0xbe: {  	s0 =	sadd.s32 $0x8F2B, s0  }
0xbf: {  	[sflag:s0] =	ssyncadd.remote.s32 $0x1  }
0xc0: {  	_ =	sfence.sel $0xFFFF  }
0xc1: {  	[dreg:$0x0] =	wrdreg $0xFFFFFFFF;
	(pc) =	sbr.abs _section_cstart, $3  }
0xc2: {  	[dreg:$0x1] =	wrdreg $0xFFFFFFFF  }
0xc3: {  	_ =	task.clear_ibuf [dreg:s7], $0x2FFFF;
	_ =	strace $0x9FFFFFFF  }
0xc4: {  	(tm) =	ssettm $0x7FFFFFFF  }
0xc5: {  	_ =	shalt  }
tec
execute0_lowered:
.L_overlay_start_1:
0x0: {  	(tag) =	ssettag $0x1  }
0x1: {  	s5 =	rddreg [dreg:$0x0]  }
0x2: {  	s9 =	rddreg [dreg:$0x1]  }
0x3: {  	s2 =	rddreg [dreg:$0x2]  }
0x4: {  	s0 =	srdreg.scid;
	s3 =	rddreg [dreg:$0x3]  }
0x5: {  	s1 =	stileid.u32;
	s4 =	simm.s32 $0x0;
	s13 =	simm.s32 $0x3  }
0x6: {  	s14 =	simm.s32 $0x1;
	s15 =	simm.s32 $0x50;
	s16 =	simm.s32 $0x4E20  }
0x7: {  	s17 =	simm.s32 $0x2;
	s6 =	sand.u32 $0x1, s0;
	s8 =	smul.u32 $0x280, s1  }
0x8: {  	s0 =	rddreg [dreg:$0x4];
	s7 =	sshll.u32 s6, $0x4;
	s10 =	smul.u32 $0x2800, s6  }
0x9: {  	s18 =	simm.s32 $0x0;
	[smem:$0x7FF] =	sst s4;
	s7 =	sor.u32 s1, s7  }
0xa: {  	s6 =	ssub.s32 $0x2, s6;
	s7 =	smul.u32 $0x2710, s7;
	s10 =	sadd.s32 s8, s10  }
0xb: {  	_ =	strace $0x80000047;
	s31 =	sshrl.u32 s6, $0x1;
	s10 =	sshrl.u32 s10, $0x3  }
0xc: {  	s12 =	ssub.s32 s6, s31;
	s7 =	sshrl.u32 s7, $0x3;
	s11 =	sadd.s32 s10, s5  }
0xd: {  	s9 =	sadd.s32 s9, s10;
	s7 =	sadd.s32 s7, s5;
	s10 =	sadd.s32 $0x15E00, s11  }
0xe: {  	s11 =	smax.u32 s12, $0x1;
	s12 =	simm.s32 $0x4E90;
	s5 =	sadd.s32 $0x2400, s7  }
0xf: {  	v0 =	vimm.f32 $1.000000000e+00;
	v1 =	vimm.f32 $0.0e+00;
	s6 =	sadd.s32 $0xC040, s7;
	s7 =	sadd.s32 s8, s2;
	s8 =	sadd.s32 s8, s3  }
.LBB2_1:
0x10: {  	[tilespmem:s4], [sflag:$0x1] =	stream.linear.gather [hbm4b:s5+s4], $0x2710, $0x38;
	[tilespmem:$0x5610] =	vst v63  }
0x11: {  	s19 =	simm.s32 $0x2710  }
0x12: {  	[tilespmem:s19], [sflag:$0x1] =	stream.linear.gather [hbm4b:s6+s4], $0x2710, $0x38;
	[tilespmem:$0x5610] =	vst v63  }
0x13: {  	[tilespmem:$0x4E20] =	vst v0  }
0x14: {  	[tilespmem:$0x4E30] =	vst v0  }
0x15: {  	[tilespmem:$0x4E40] =	vst v0  }
0x16: {  	[tilespmem:$0x4E50] =	vst v0  }
0x17: {  	[tilespmem:$0x4E60] =	vst v0  }
0x18: {  	[tilespmem:$0x4E70] =	vst v0  }
0x19: {  	[tilespmem:$0x4E80] =	vst v0  }
0x1a: {  	[tilespmem:$0x4E90] =	vst v1  }
0x1b: {  	[tilespmem:$0x4EA0] =	vst v1  }
0x1c: {  	[tilespmem:$0x4EB0] =	vst v1  }
0x1d: {  	[tilespmem:$0x4EC0] =	vst v1  }
0x1e: {  	[tilespmem:$0x4ED0] =	vst v1  }
0x1f: {  	[tilespmem:$0x4EE0] =	vst v1  }
0x20: {  	[tilespmem:$0x4EF0] =	vst v1  }
0x21: {  	[tilespmem:$0x4F00] =	vst v1  }
0x22: {  	[tilespmem:$0x4F10] =	vst v1  }
0x23: {  	[tilespmem:$0x4F20] =	vst v1  }
0x24: {  	[tilespmem:$0x4F30] =	vst v1  }
0x25: {  	[tilespmem:$0x4F40] =	vst v1  }
0x26: {  	[tilespmem:$0x4F50] =	vst v1  }
0x27: {  	[tilespmem:$0x4F60] =	vst v1  }
0x28: {  	[tilespmem:$0x4F70] =	vst v1  }
0x29: {  	[tilespmem:$0x4F80] =	vst v1  }
0x2a: {  	[tilespmem:$0x4F90] =	vst v1  }
0x2b: {  	[tilespmem:$0x4FA0] =	vst v1  }
0x2c: {  	[tilespmem:$0x4FB0] =	vst v1  }
0x2d: {  	[tilespmem:$0x4FC0] =	vst v1  }
0x2e: {  	[tilespmem:$0x4FD0] =	vst v1  }
0x2f: {  	[tilespmem:$0x4FE0] =	vst v1  }
0x30: {  	[tilespmem:$0x4FF0] =	vst v1  }
0x31: {  	[tilespmem:$0x5000] =	vst v1  }
0x32: {  	[tilespmem:$0x5010] =	vst v1  }
0x33: {  	[tilespmem:$0x5020] =	vst v1  }
0x34: {  	[tilespmem:$0x5030] =	vst v1  }
0x35: {  	[tilespmem:$0x5040] =	vst v1  }
0x36: {  	[tilespmem:$0x5050] =	vst v1  }
0x37: {  	[tilespmem:$0x5060] =	vst v1  }
0x38: {  	[tilespmem:$0x5070] =	vst v1  }
0x39: {  	[tilespmem:$0x5080] =	vst v1  }
0x3a: {  	[tilespmem:$0x5090] =	vst v1  }
0x3b: {  	[tilespmem:$0x50A0] =	vst v1  }
0x3c: {  	[tilespmem:$0x50B0] =	vst v1  }
0x3d: {  	[tilespmem:$0x50C0] =	vst v1  }
0x3e: {  	[tilespmem:$0x50D0] =	vst v1  }
0x3f: {  	[tilespmem:$0x50E0] =	vst v1  }
0x40: {  	[tilespmem:$0x50F0] =	vst v1  }
0x41: {  	[tilespmem:$0x5100] =	vst v1  }
0x42: {  	[spmem:s7] =	stream.linear.scatter [tilespmem:s12], [sflag:$0x3], $0x280, $0x38;
	[tilespmem:$0x5610] =	vst v63  }
0x43: {  	_ =	swait.ge [sflag:s13], $0x280  }
0x44: {  	[sflag:s13] =	ssyncset.done $0x0  }
0x45: {  	[sflag:s13] =	ssyncadd.s32 $0xFFFFFD80  }
0x46: {  	[spmem:s8] =	stream.linear.scatter [tilespmem:s12], [sflag:$0x3], $0x280, $0x38;
	[tilespmem:$0x5610] =	vst v63  }
0x47: {  	_ =	swait.ge [sflag:s13], $0x280  }
0x48: {  	[sflag:s13] =	ssyncset.done $0x0  }
0x49: {  	[sflag:s13] =	ssyncadd.s32 $0xFFFFFD80  }
0x4a: {  	_ =	swait.ge [sflag:s14], $0x2710  }
0x4b: {  	[sflag:s14] =	ssyncset.done $0x0  }
0x4c: {  	[sflag:s14] =	ssyncadd.s32 $0xFFFFD8F0  }
0x4d: {  	_ =	swait.ge [sflag:s14], $0x2710  }
0x4e: {  	[sflag:s14] =	ssyncset.done $0x0  }
0x4f: {  	p0 =	por $0x1, $0x1;
	[sflag:s14] =	ssyncadd.s32 $0xFFFFD8F0  }
0x50: {  	s20 =	simm.s32 @!p0 $0x2;
	[bflag:$0x0] =	sbarrier.arrive $0xFFFF  }
0x51: {  	_ =	swait.ge @!p0 [sflag:s20], $0x50  }
0x52: {  	[sflag:s20] =	ssyncset.done @!p0 $0x0  }
0x53: {  	[sflag:s20] =	ssyncadd.s32 @!p0 $0xFFFFFFB0  }
0x54: {  	_ =	swait.ge @!p0 [sflag:s20], $0x50  }
0x55: {  	s21 =	simm.s32 $0x2;
	s22 =	simm.s32 $0x2710;
	[sflag:s20] =	ssyncset.done @!p0 $0x0  }
0x56: {  	[sflag:s20] =	ssyncadd.s32 @!p0 $0xFFFFFFB0;
	p0 =	por $0x1, $0x1;
	s20 =	simm.s32 $0x50  }
0x57: {  	[spmem:s2] =	stream.indirect.scatter.add.f32 [tilespmem:s16], [sflag:$0x2], $0x1, s4, s15, $0xb8;
	[tilespmem:$0x5610] =	vst v63  }
.LBB2_2:
0x58: {  	s23 =	simm.s32 @!p0 $0x2;
	s19 =	sadd.s32 $0x50, s19  }
0x59: {  	s24 =	smov.u32 s21;
	s21 =	sadd.s32 $0x1, s21;
	s25 =	smov.u32 s20  }
0x5a: {  	[spmem:s3] =	stream.indirect.scatter.add.f32 [tilespmem:s16], [sflag:$0x2], $0x1, s22, s15, $0xb8;
	[tilespmem:$0x5610] =	vst v63  }
0x5b: {  	p1 =	sne.s32 s21, $0x7D;
	s22 =	smov.u32 s19;
	_ =	swait.ge @!p0 [sflag:s23], $0x50  }
0x5c: {  	[sflag:s23] =	ssyncset.done @!p0 $0x0  }
.Ltmp0:
0x5d: {  	[sflag:s23] =	ssyncadd.s32 @!p0 $0xFFFFFFB0;
	(pc) =	sbr.rel @p1 .LBB2_2-.Ltmp0, $4  }
0x5e: {  	_ =	swait.ge @!p0 [sflag:s23], $0x50  }
0x5f: {  	[sflag:s23] =	ssyncset.done @!p0 $0x0  }
0x60: {  	s20 =	sadd.s32 $0x50, s20;
	[sflag:s23] =	ssyncadd.s32 @!p0 $0xFFFFFFB0;
	p0 =	slt.u32 s24, $0x8  }
0x61: {  	[spmem:s2] =	stream.indirect.scatter.add.f32 [tilespmem:s16], [sflag:$0x2], $0x1, s25, s15, $0xb8;
	[tilespmem:$0x5610] =	vst v63  }
0x62: {  	s21 =	simm.s32 @!p0 $0x2  }
0x63: {  	[spmem:s3] =	stream.indirect.scatter.add.f32 [tilespmem:s16], [sflag:$0x2], $0x1, s22, s15, $0xb8;
	[tilespmem:$0x5610] =	vst v63  }
0x64: {  	_ =	swait.ge @!p0 [sflag:s21], $0x50  }
0x65: {  	[sflag:s21] =	ssyncset.done @!p0 $0x0  }
0x66: {  	[sflag:s21] =	ssyncadd.s32 @!p0 $0xFFFFFFB0  }
0x67: {  	_ =	swait.ge @!p0 [sflag:s21], $0x50  }
0x68: {  	[sflag:s21] =	ssyncset.done @!p0 $0x0  }
0x69: {  	[sflag:s21] =	ssyncadd.s32 @!p0 $0xFFFFFFB0  }
0x6a: {  	[spmem:s2] =	stream.indirect.scatter.add.f32 [tilespmem:s16], [sflag:$0x2], $0x1, s20, s15, $0xb8;
	[tilespmem:$0x5610] =	vst v63  }
0x6b: {  	s19 =	sadd.s32 $0x50, s19  }
0x6c: {  	[spmem:s3] =	stream.indirect.scatter.add.f32 [tilespmem:s16], [sflag:$0x2], $0x1, s19, s15, $0xb8;
	[tilespmem:$0x5610] =	vst v63  }
0x6d: {  	_ =	swait.ge [sflag:s17], $0x50  }
0x6e: {  	[sflag:s17] =	ssyncset.done $0x0  }
0x6f: {  	[sflag:s17] =	ssyncadd.s32 $0xFFFFFFB0  }
0x70: {  	_ =	swait.ge [sflag:s17], $0x50  }
0x71: {  	[sflag:s17] =	ssyncset.done $0x0  }
0x72: {  	[sflag:s17] =	ssyncadd.s32 $0xFFFFFFB0  }
0x73: {  	_ =	swait.ge [sflag:s17], $0x50  }
0x74: {  	[sflag:s17] =	ssyncset.done $0x0  }
0x75: {  	[sflag:s17] =	ssyncadd.s32 $0xFFFFFFB0  }
0x76: {  	_ =	swait.ge [sflag:s17], $0x50  }
0x77: {  	[sflag:s17] =	ssyncset.done $0x0  }
0x78: {  	[sflag:s17] =	ssyncadd.s32 $0xFFFFFFB0  }
0x79: {  	_ =	swait.ge [sflag:s17], $0x50  }
0x7a: {  	[sflag:s17] =	ssyncset.done $0x0  }
0x7b: {  	[sflag:s17] =	ssyncadd.s32 $0xFFFFFFB0  }
0x7c: {  	_ =	swait.ge [sflag:s17], $0x50  }
0x7d: {  	[sflag:s17] =	ssyncset.done $0x0  }
0x7e: {  	[sflag:s17] =	ssyncadd.s32 $0xFFFFFFB0  }
0x7f: {  	_ =	swait.ge [sflag:s17], $0x50  }
0x80: {  	[sflag:s17] =	ssyncset.done $0x0  }
0x81: {  	[sflag:s17] =	ssyncadd.s32 $0xFFFFFFB0  }
0x82: {  	_ =	swait.ge [sflag:s17], $0x50  }
0x83: {  	[sflag:s17] =	ssyncset.done $0x0  }
0x84: {  	[sflag:s17] =	ssyncadd.s32 $0xFFFFFFB0  }
0x85: {  	_ =	swait.ge [sflag:s17], $0x50  }
0x86: {  	[sflag:s17] =	ssyncset.done $0x0  }
0x87: {  	[sflag:s17] =	ssyncadd.s32 $0xFFFFFFB0  }
0x88: {  	_ =	swait.ge [sflag:s17], $0x50  }
0x89: {  	[sflag:s17] =	ssyncset.done $0x0  }
0x8a: {  	[sflag:s17] =	ssyncadd.s32 $0xFFFFFFB0  }
0x8b: {  	_ =	swait.ge [sflag:s17], $0x50  }
0x8c: {  	[sflag:s17] =	ssyncset.done $0x0  }
0x8d: {  	[sflag:s17] =	ssyncadd.s32 $0xFFFFFFB0  }
0x8e: {  	_ =	swait.ge [sflag:s17], $0x50  }
0x8f: {  	[sflag:s17] =	ssyncset.done $0x0  }
0x90: {  	[sflag:s17] =	ssyncadd.s32 $0xFFFFFFB0  }
0x91: {  	_ =	swait.ge [sflag:s17], $0x50  }
0x92: {  	[sflag:s17] =	ssyncset.done $0x0  }
0x93: {  	[sflag:s17] =	ssyncadd.s32 $0xFFFFFFB0  }
0x94: {  	_ =	swait.ge [sflag:s17], $0x50  }
0x95: {  	[sflag:s17] =	ssyncset.done $0x0  }
0x96: {  	[sflag:s17] =	ssyncadd.s32 $0xFFFFFFB0  }
0x97: {  	_ =	swait.ge [sflag:s17], $0x50  }
0x98: {  	[sflag:s17] =	ssyncset.done $0x0  }
0x99: {  	[sflag:s17] =	ssyncadd.s32 $0xFFFFFFB0  }
0x9a: {  	_ =	swait.ge [sflag:s17], $0x50  }
0x9b: {  	[sflag:s17] =	ssyncset.done $0x0  }
0x9c: {  	s29 =	sshll.u32 s1, $0x6;
	[sflag:s17] =	ssyncadd.s32 $0xFFFFFFB0  }
0x9d: {  	s30 =	sshrl.u32 s7, $0x3;
	s19 =	sor.u32 $0x1C03, s29;
	[bflag:$0x0] =	sbarrier.arrive $0xFFFF  }
0x9e: {  	[hbm:s9], [sflag:s19] =	dma.local [spmem:s30], $0x50  }
0x9f: {  	s18 =	sadd.s32 $0x1, s18;
	_ =	swait.ge [sflag:s13], $0x50  }
0xa0: {  	p0 =	sne.s32 s18, s11;
	[sflag:s13] =	ssyncset.done $0x0  }
.Ltmp1:
0xa1: {  	s31 =	sshrl.u32 s8, $0x3;
	[sflag:s13] =	ssyncadd.s32 $0xFFFFFFB0;
	(pc) =	sbr.rel @p0 .LBB2_1-.Ltmp1, $4  }
0xa2: {  	[hbm:s10], [sflag:s19] =	dma.local [spmem:s31], $0x50  }
0xa3: {  	_ =	swait.ge [sflag:s13], $0x50  }
0xa4: {  	[sflag:s13] =	ssyncset.done $0x0  }
0xa5: {  	[sflag:s13] =	ssyncadd.s32 $0xFFFFFFB0  }
0xa6: {  	_ =	sfence.sel $0x180000  }
0xa7: {  	[bflag:$0x0] =	sbarrier.arrive $0xFFFF  }
0xa8: {  	p0 =	sne.s32 s1, $0x0;
	_ =	strace $0x90000047  }
0xa9: {  	s0 =	sadd.s32 @!p0 $0x100000, s0;
	[bflag:$0x2] =	sbarrier.arrive $0xFFFF  }
0xaa: {  	[sflag:s0] =	ssyncadd.tile.s32 @!p0 $0x1;
	_ =	shalt  }
.Lfunc_end2:
_tile_overlayer_lowered:
.L_overlay_start_2:
0xab: {  	(tag) =	ssettag $0x2  }
0xac: {  	s0 =	rddreg [dreg:$0x0];
	s2 =	stileid.u32  }
0xad: {  	s1 =	rddreg [dreg:$0x1];
	p0 =	sne.s32 s2, $0x0  }
0xae: {  	s3 =	rddreg [dreg:$0x2];
	[bflag:$0x3] =	sbarrier.arrive $0xFFFF;
	s2 =	simm.s32 @!p0 $0x1C03  }
0xaf: {  	[timem:s3], [sflag:s2] =	dma.local @!p0 [hbm:s0], s1  }
0xb0: {  	s0 =	simm.s32 @!p0 $0x3  }
0xb1: {  	_ =	swait.ge @!p0 [sflag:s0], s1  }
0xb2: {  	s1 =	ssub.s32 @!p0 $0x0, s1;
	[sflag:s0] =	ssyncset.done @!p0 $0x0  }
0xb3: {  	[sflag:s0] =	ssyncadd.s32 @!p0 s1  }
0xb4: {  	[bflag:$0x3] =	sbarrier.arrive $0xFFFF  }
0xb5: {  	_ =	shalt  }

</sc_bundles>
